<compile_context>
chip_gen: v7x
topology: tpu7x:2x2x1
jax: 0.10.2.dev20260603
libtpu: 0.0.44.dev20260713+nightly
codegen_flags: <defaults>
</compile_context>

<pallas_src>
import functools

import jax
import jax.numpy as jnp
from jax import lax
from jax.experimental import pallas as pl
from jax.experimental.pallas import tpu as pltpu
from jax.experimental.pallas import tpu_sc as plsc

_NC = 2
_NS = 16
_NW = _NC * _NS
_K = 128
_NH = 1
_BM = 400



def _sc_mesh():
    return plsc.VectorSubcoreMesh(core_axis_name="c", subcore_axis_name="s",
                                  num_cores=_NC, num_subcores=_NS)


def _make_sc_deg(n_pad, ch):
    zfull, zrem = divmod(n_pad // _NS, _K)

    @functools.partial(
        pl.kernel,
        mesh=_sc_mesh(),
        out_type=jax.ShapeDtypeStruct((_NC * n_pad,), jnp.float32),
        scratch_types=[
            pltpu.VMEM((ch, _K), jnp.int32),
            pltpu.VMEM((_K,), jnp.float32),
            pltpu.VMEM_SHARED((n_pad,), jnp.float32),
            pltpu.SemaphoreType.DMA,
        ],
    )
    def sc_deg(dst_hbm, out_hbm, dst_v, ones_v, acc, sem):
        c = lax.axis_index("c")
        s = lax.axis_index("s")
        w = c * _NS + s
        for j in range(_K // 16):
            ones_v[pl.ds(j * 16, 16)] = jnp.zeros((16,), jnp.float32)
        for i in range(zfull):
            pltpu.sync_copy(ones_v, acc.at[pl.ds(s * (n_pad // _NS) + i * _K, _K)])
        if zrem:
            pltpu.sync_copy(ones_v.at[pl.ds(0, zrem)],
                            acc.at[pl.ds(s * (n_pad // _NS) + zfull * _K, zrem)])
        for j in range(_K // 16):
            ones_v[pl.ds(j * 16, 16)] = jnp.ones((16,), jnp.float32)
        plsc.subcore_barrier()

        def body(j, carry):
            pltpu.sync_copy(ones_v, acc.at[dst_v.at[j]], add=True)
            return carry

        for h in range(_NH):
            pltpu.sync_copy(dst_hbm.at[w, h], dst_v)
            lax.fori_loop(0, ch, body, 0)
        plsc.subcore_barrier()
        rows = n_pad // _NS
        pltpu.sync_copy(acc.at[pl.ds(s * rows, rows)],
                        out_hbm.at[pl.ds(c * n_pad + s * rows, rows)])

    return sc_deg


def _make_sc_scatter(n, n_pad, ch, feat):
    zfull, zrem = divmod(n_pad // _NS, _K)
    out_rows = n_pad // _NS

    @functools.partial(
        pl.kernel,
        mesh=_sc_mesh(),
        out_type=jax.ShapeDtypeStruct((_NC, n_pad, feat), jnp.float32),
        scratch_types=[
            pltpu.VMEM((ch, _K), jnp.int32),
            pltpu.VMEM((ch, _K), jnp.int32),
            pltpu.VMEM((_K, feat), jnp.float32),
            pltpu.VMEM_SHARED((n_pad, feat), jnp.float32),
            pltpu.SemaphoreType.DMA,
        ],
    )
    def sc_scatter(src_hbm, dst_hbm, g_hbm, out_hbm, src_v, dst_v,
                   rows_a, acc, sem_a):
        c = lax.axis_index("c")
        s = lax.axis_index("s")
        w = c * _NS + s

        def zrow(i, carry):
            for j in range(feat // 16):
                rows_a[i, pl.ds(j * 16, 16)] = jnp.zeros((16,), jnp.float32)
            return carry

        lax.fori_loop(0, _K, zrow, 0)
        for i in range(zfull):
            pltpu.sync_copy(rows_a, acc.at[pl.ds(s * (n_pad // _NS) + i * _K, _K)])
        if zrem:
            pltpu.sync_copy(rows_a.at[pl.ds(0, zrem)],
                            acc.at[pl.ds(s * (n_pad // _NS) + zfull * _K, zrem)])
        plsc.subcore_barrier()

        def body(j, carry):
            pltpu.async_copy(g_hbm.at[src_v.at[j]], rows_a, sem_a).wait()
            pltpu.sync_copy(rows_a, acc.at[dst_v.at[j]], add=True)
            return carry

        for h in range(_NH):
            pltpu.sync_copy(src_hbm.at[w, h], src_v)
            pltpu.sync_copy(dst_hbm.at[w, h], dst_v)
            lax.fori_loop(0, ch, body, 0)
        plsc.subcore_barrier()
        pltpu.sync_copy(acc.at[pl.ds(s * out_rows, out_rows)],
                        out_hbm.at[c, pl.ds(s * out_rows, out_rows)])

    return sc_scatter



def _row_spec(feat):
    return pl.BlockSpec((_BM, feat), lambda i: (i, 0))


def _col_spec():
    return pl.BlockSpec((_BM, 1), lambda i: (i, 0))


def _full_spec(shape):
    nd = len(shape)
    return pl.BlockSpec(shape, lambda i, _nd=nd: (0,) * _nd)


def _acc_spec(feat):
    return pl.BlockSpec((_NC, _BM, feat), lambda i: (0, i, 0))


def _tc_first(n, feat, delta):
    def body(x_ref, wp_ref, bp_ref, w0_ref, nb_ref, d0_ref, d1_ref,
             h0_ref, g0_ref, dinv_ref):
        deg = d0_ref[...] + d1_ref[...] + 1.0
        dinv = lax.rsqrt(deg)
        h0 = jnp.dot(x_ref[...], wp_ref[...],
                     preferred_element_type=jnp.float32) + bp_ref[...]
        nb = nb_ref[...]
        q = jnp.floor((h0 + nb) * (1.0 / delta)) * delta - nb
        g0 = dinv * jnp.dot(q, w0_ref[...], preferred_element_type=jnp.float32)
        h0_ref[...] = h0
        g0_ref[...] = g0
        dinv_ref[...] = dinv

    return pl.pallas_call(
        body,
        grid=(n // _BM,),
        in_specs=[
            _row_spec(feat), _full_spec((feat, feat)), _full_spec((1, feat)),
            _full_spec((feat, feat)), _row_spec(feat),
            _col_spec(), _col_spec(),
        ],
        out_specs=[_row_spec(feat), _row_spec(feat), _col_spec()],
        out_shape=[
            jax.ShapeDtypeStruct((n, feat), jnp.float32),
            jax.ShapeDtypeStruct((n, feat), jnp.float32),
            jax.ShapeDtypeStruct((n, 1), jnp.float32),
        ],
    )


def _tc_mid(n, feat, delta):
    def body(ap_ref, g_ref, dinv_ref, b_ref, eps_ref, nb_ref, w_ref, gout_ref):
        a = ap_ref[0] + ap_ref[1] + g_ref[...]
        dinv = dinv_ref[...]
        h = jnp.maximum(dinv * a + b_ref[...] + eps_ref[...], 0.0)
        nb = nb_ref[...]
        q = jnp.floor((h + nb) * (1.0 / delta)) * delta - nb
        gout_ref[...] = dinv * jnp.dot(q, w_ref[...],
                                       preferred_element_type=jnp.float32)

    return pl.pallas_call(
        body,
        grid=(n // _BM,),
        in_specs=[
            _acc_spec(feat), _row_spec(feat), _col_spec(),
            _full_spec((1, feat)), _row_spec(feat), _row_spec(feat),
            _full_spec((feat, feat)),
        ],
        out_specs=_row_spec(feat),
        out_shape=jax.ShapeDtypeStruct((n, feat), jnp.float32),
    )


def _tc_final(n, feat, out_c):
    def body(ap_ref, g_ref, dinv_ref, b_ref, eps_ref, h0_ref,
             wo1_ref, wo2_ref, bo_ref, out_ref):
        a = ap_ref[0] + ap_ref[1] + g_ref[...]
        h = jnp.maximum(dinv_ref[...] * a + b_ref[...] + eps_ref[...], 0.0)
        out_ref[...] = (
            jnp.dot(h0_ref[...], wo1_ref[...], preferred_element_type=jnp.float32)
            + jnp.dot(h, wo2_ref[...], preferred_element_type=jnp.float32)
            + bo_ref[...])

    return pl.pallas_call(
        body,
        grid=(n // _BM,),
        in_specs=[
            _acc_spec(feat), _row_spec(feat), _col_spec(),
            _full_spec((1, feat)), _row_spec(feat), _row_spec(feat),
            _full_spec((feat, out_c)), _full_spec((feat, out_c)),
            _full_spec((1, out_c)),
        ],
        out_specs=pl.BlockSpec((_BM, out_c), lambda i: (i, 0)),
        out_shape=jax.ShapeDtypeStruct((n, out_c), jnp.float32),
    )



def kernel(x, edge_index, W_proj, b_proj, Ws, bs, W_out, b_out):
    n, in_c = x.shape
    hid = W_proj.shape[1]
    num_layers = Ws.shape[0]
    out_c = W_out.shape[1]
    e = edge_index.shape[1]

    n_pad = -(-(n + 1) // (_NS * 128)) * (_NS * 128)
    ch = -(-e // (_NW * _NH * _K))
    ch += ch % 2
    e_pad = _NW * _NH * ch * _K

    src = edge_index[0]
    dst = edge_index[1]
    pad = e_pad - e
    src3 = jnp.concatenate([src, jnp.zeros((pad,), jnp.int32)]).reshape(
        _NW, _NH, ch, _K)
    dst3 = jnp.concatenate([dst, jnp.full((pad,), n, jnp.int32)]).reshape(
        _NW, _NH, ch, _K)

    deltas = [1.0 / 2 ** k for k in range(num_layers)]
    nkey = jax.random.key(42)
    nbs, epss = [], []
    for k in range(num_layers):
        kq = jax.random.fold_in(nkey, 2 * k)
        ke = jax.random.fold_in(nkey, 2 * k + 1)
        nbs.append((jax.random.uniform(kq, (n, hid), jnp.float32) - 0.5)
                   * deltas[k])
        epss.append(jax.random.normal(ke, (n, hid), jnp.float32) * 0.01)

    degp = _make_sc_deg(n_pad, ch)(dst3)
    d0 = degp[:n].reshape(n, 1)
    d1 = degp[n_pad:n_pad + n].reshape(n, 1)

    h0, g, dinv = _tc_first(n, hid, deltas[0])(
        x, W_proj, b_proj.reshape(1, hid), Ws[0], nbs[0], d0, d1)

    sc_scat = _make_sc_scatter(n, n_pad, ch, hid)
    for k in range(1, num_layers):
        accp = sc_scat(src3, dst3, g)
        g = _tc_mid(n, hid, deltas[k])(
            accp, g, dinv, bs[k - 1].reshape(1, hid), epss[k - 1],
            nbs[k], Ws[k])

    accp = sc_scat(src3, dst3, g)
    out = _tc_final(n, hid, out_c)(
        accp, g, dinv, bs[num_layers - 1].reshape(1, hid),
        epss[num_layers - 1], h0, W_out[:hid], W_out[hid:],
        b_out.reshape(1, out_c))
    return out

# --- scband reference (transcript-rebuilt; emitter-appended) ---
"""Pipeline reference for scband-gdn-38611755991791 (READ-ONLY COPY).

The authoritative reference and input builder live on the scoring server;
editing this copy changes nothing except your own understanding.
"""

import jax, jax.numpy as jnp
import numpy as np

N = 10000
E = 320000
IN_C = 128
HID = 128
OUT_C = 128
L = 3


def setup_inputs(seed: int = 0) -> dict:
    key = jax.random.key(seed)
    ks = jax.random.split(key, 8)
    x = jax.random.normal(ks[0], (N, IN_C), dtype=jnp.float32)
    edge_index = jax.random.randint(ks[1], (2, E), 0, N, dtype=jnp.int32)
    W_proj = jax.random.normal(ks[2], (IN_C, HID), dtype=jnp.float32) * (1.0 / np.sqrt(IN_C))
    b_proj = jnp.zeros((HID,), dtype=jnp.float32)
    Ws = jax.random.normal(ks[3], (L, HID, HID), dtype=jnp.float32) * (1.0 / np.sqrt(HID))
    bs = jnp.zeros((L, HID), dtype=jnp.float32)
    W_out = jax.random.normal(ks[4], (2 * HID, OUT_C), dtype=jnp.float32) * (1.0 / np.sqrt(2 * HID))
    b_out = jnp.zeros((OUT_C,), dtype=jnp.float32)
    return {"x": x, "edge_index": edge_index, "W_proj": W_proj, "b_proj": b_proj,
            "Ws": Ws, "bs": bs, "W_out": W_out, "b_out": b_out}


def gcn_conv(h, W, b, src, dst):
    # PyG-style GCNConv: linear transform, add self-loops, sym-normalized scatter-add, bias
    h = h @ W
    loop = jnp.arange(N, dtype=src.dtype)
    s = jnp.concatenate([src, loop])
    d = jnp.concatenate([dst, loop])
    deg = jnp.zeros((N,), h.dtype).at[d].add(1.0)
    dinv = jnp.where(deg > 0, jax.lax.rsqrt(jnp.maximum(deg, 1e-12)), 0.0)
    norm = dinv[s] * dinv[d]
    msgs = h[s] * norm[:, None]
    out = jnp.zeros((N, h.shape[1]), h.dtype).at[d].add(msgs)
    return out + b


def quantize(h, delta, key):
    b = (jax.random.uniform(key, h.shape, h.dtype) - 0.5) * delta
    return jnp.floor((h + b) / delta) * delta - b


def reference(x, edge_index, W_proj, b_proj, Ws, bs, W_out, b_out):
    deltas = [1.0 / 2 ** k for k in range(L)]
    src, dst = edge_index[0], edge_index[1]
    nkey = jax.random.key(42)
    h0 = x @ W_proj + b_proj
    h = h0
    for k in range(L):
        kq = jax.random.fold_in(nkey, 2 * k)
        ke = jax.random.fold_in(nkey, 2 * k + 1)
        h_q = quantize(h, deltas[k], kq)
        eps = jax.random.normal(ke, h_q.shape, h_q.dtype) * 0.01
        h = gcn_conv(h_q, Ws[k], bs[k], src, dst) + eps
        h = jax.nn.relu(h)
    return jnp.concatenate([h0, h], axis=-1) @ W_out + b_out

if __name__ == "__main__":
    import jax
    _d = setup_inputs()
    print(jax.jit(kernel)(*tuple(_d.values())))

</pallas_src>

<mosaic_0001>
#map = affine_map<(d0, d1) -> (0, 0, 0, 0)>
#map1 = affine_map<(d0, d1) -> (0, 0)>
#map2 = affine_map<(d0, d1) -> (0, 0, 0)>
module attributes {stable_mosaic.version = 14 : i64} {
  func.func @sc_scatter(%arg0: i32, %arg1: i32, %arg2: memref<32x1x80x128xi32, #tpu.memory_space<hbm>>, %arg3: memref<32x1x80x128xi32, #tpu.memory_space<hbm>>, %arg4: memref<10000x128xf32, #tpu.memory_space<hbm>>, %arg5: memref<2x10240x128xf32, #tpu.memory_space<hbm>>, %arg6: memref<80x128xi32, #tpu.memory_space<vmem>>, %arg7: memref<80x128xi32, #tpu.memory_space<vmem>>, %arg8: memref<128x128xf32, #tpu.memory_space<vmem>>, %arg9: memref<10240x128xf32, #tpu.memory_space<vmem_shared>>, %arg10: memref<!tpu.dma_semaphore, #tpu.memory_space<semaphore_mem>>) attributes {dimension_semantics = [#tpu.dimension_semantics<core_parallel>, #tpu.dimension_semantics<subcore_parallel>], iteration_bounds = array<i64: 2, 16>, scalar_prefetch = 0 : i64, scratch_operands = 5 : i64, tpu.core_type = #tpu.core_type<sc_vector_subcore>, window_params = [{transform_indices = #map}, {transform_indices = #map}, {transform_indices = #map1}, {transform_indices = #map2}]} {
    %mul3A = arith.constant 16 : i32
    %mul3A_0 = arith.muli %arg0, %mul3A : i32
    %add3A = arith.addi %mul3A_0, %arg1 : i32
    %scan3A = arith.constant 0 : i32
    %scan3A_1 = arith.constant 0 : i32
    %scan3A_2 = arith.constant 128 : i32
    %scan3A_3 = arith.addi %scan3A_1, %scan3A_2 : i32
    %scan3A_4 = arith.constant 1 : i32
    scf.for %scan3A_38 = %scan3A_1 to %scan3A_3 step %scan3A_4  : i32 {
      %broadcast_in_dim3A = arith.constant 0.000000e+00 : f32
      %broadcast_in_dim3A_39 = vector.broadcast %broadcast_in_dim3A : f32 to vector<16xf32>
      %swap3A = arith.index_cast %scan3A_38 : i32 to index
      %swap3A_40 = arith.constant 0 : index
      %swap3A_41 = tpu.vector_load %arg8[%swap3A, %swap3A_40] {strides = array<i32>} : memref<128x128xf32, #tpu.memory_space<vmem>>, vector<1x16xf32>,
      %swap3A_42 = vector.shape_cast %swap3A_41 : vector<1x16xf32> to vector<16xf32>
      %swap3A_43 = vector.shape_cast %broadcast_in_dim3A_39 : vector<16xf32> to vector<1x16xf32>
      tpu.vector_store %arg8[%swap3A, %swap3A_40], %swap3A_43 {strides = array<i32>} : memref<128x128xf32, #tpu.memory_space<vmem>>, vector<1x16xf32>,
      %broadcast_in_dim3A_44 = arith.constant 0.000000e+00 : f32
      %broadcast_in_dim3A_45 = vector.broadcast %broadcast_in_dim3A_44 : f32 to vector<16xf32>
      %swap3A_46 = arith.index_cast %scan3A_38 : i32 to index
      %swap3A_47 = arith.constant 16 : index
      %swap3A_48 = tpu.vector_load %arg8[%swap3A_46, %swap3A_47] {strides = array<i32>} : memref<128x128xf32, #tpu.memory_space<vmem>>, vector<1x16xf32>,
      %swap3A_49 = vector.shape_cast %swap3A_48 : vector<1x16xf32> to vector<16xf32>
      %swap3A_50 = vector.shape_cast %broadcast_in_dim3A_45 : vector<16xf32> to vector<1x16xf32>
      tpu.vector_store %arg8[%swap3A_46, %swap3A_47], %swap3A_50 {strides = array<i32>} : memref<128x128xf32, #tpu.memory_space<vmem>>, vector<1x16xf32>,
      %broadcast_in_dim3A_51 = arith.constant 0.000000e+00 : f32
      %broadcast_in_dim3A_52 = vector.broadcast %broadcast_in_dim3A_51 : f32 to vector<16xf32>
      %swap3A_53 = arith.index_cast %scan3A_38 : i32 to index
      %swap3A_54 = arith.constant 32 : index
      %swap3A_55 = tpu.vector_load %arg8[%swap3A_53, %swap3A_54] {strides = array<i32>} : memref<128x128xf32, #tpu.memory_space<vmem>>, vector<1x16xf32>,
      %swap3A_56 = vector.shape_cast %swap3A_55 : vector<1x16xf32> to vector<16xf32>
      %swap3A_57 = vector.shape_cast %broadcast_in_dim3A_52 : vector<16xf32> to vector<1x16xf32>
      tpu.vector_store %arg8[%swap3A_53, %swap3A_54], %swap3A_57 {strides = array<i32>} : memref<128x128xf32, #tpu.memory_space<vmem>>, vector<1x16xf32>,
      %broadcast_in_dim3A_58 = arith.constant 0.000000e+00 : f32
      %broadcast_in_dim3A_59 = vector.broadcast %broadcast_in_dim3A_58 : f32 to vector<16xf32>
      %swap3A_60 = arith.index_cast %scan3A_38 : i32 to index
      %swap3A_61 = arith.constant 48 : index
      %swap3A_62 = tpu.vector_load %arg8[%swap3A_60, %swap3A_61] {strides = array<i32>} : memref<128x128xf32, #tpu.memory_space<vmem>>, vector<1x16xf32>,
      %swap3A_63 = vector.shape_cast %swap3A_62 : vector<1x16xf32> to vector<16xf32>
      %swap3A_64 = vector.shape_cast %broadcast_in_dim3A_59 : vector<16xf32> to vector<1x16xf32>
      tpu.vector_store %arg8[%swap3A_60, %swap3A_61], %swap3A_64 {strides = array<i32>} : memref<128x128xf32, #tpu.memory_space<vmem>>, vector<1x16xf32>,
      %broadcast_in_dim3A_65 = arith.constant 0.000000e+00 : f32
      %broadcast_in_dim3A_66 = vector.broadcast %broadcast_in_dim3A_65 : f32 to vector<16xf32>
      %swap3A_67 = arith.index_cast %scan3A_38 : i32 to index
      %swap3A_68 = arith.constant 64 : index
      %swap3A_69 = tpu.vector_load %arg8[%swap3A_67, %swap3A_68] {strides = array<i32>} : memref<128x128xf32, #tpu.memory_space<vmem>>, vector<1x16xf32>,
      %swap3A_70 = vector.shape_cast %swap3A_69 : vector<1x16xf32> to vector<16xf32>
      %swap3A_71 = vector.shape_cast %broadcast_in_dim3A_66 : vector<16xf32> to vector<1x16xf32>
      tpu.vector_store %arg8[%swap3A_67, %swap3A_68], %swap3A_71 {strides = array<i32>} : memref<128x128xf32, #tpu.memory_space<vmem>>, vector<1x16xf32>,
      %broadcast_in_dim3A_72 = arith.constant 0.000000e+00 : f32
      %broadcast_in_dim3A_73 = vector.broadcast %broadcast_in_dim3A_72 : f32 to vector<16xf32>
      %swap3A_74 = arith.index_cast %scan3A_38 : i32 to index
      %swap3A_75 = arith.constant 80 : index
      %swap3A_76 = tpu.vector_load %arg8[%swap3A_74, %swap3A_75] {strides = array<i32>} : memref<128x128xf32, #tpu.memory_space<vmem>>, vector<1x16xf32>,
      %swap3A_77 = vector.shape_cast %swap3A_76 : vector<1x16xf32> to vector<16xf32>
      %swap3A_78 = vector.shape_cast %broadcast_in_dim3A_73 : vector<16xf32> to vector<1x16xf32>
      tpu.vector_store %arg8[%swap3A_74, %swap3A_75], %swap3A_78 {strides = array<i32>} : memref<128x128xf32, #tpu.memory_space<vmem>>, vector<1x16xf32>,
      %broadcast_in_dim3A_79 = arith.constant 0.000000e+00 : f32
      %broadcast_in_dim3A_80 = vector.broadcast %broadcast_in_dim3A_79 : f32 to vector<16xf32>
      %swap3A_81 = arith.index_cast %scan3A_38 : i32 to index
      %swap3A_82 = arith.constant 96 : index
      %swap3A_83 = tpu.vector_load %arg8[%swap3A_81, %swap3A_82] {strides = array<i32>} : memref<128x128xf32, #tpu.memory_space<vmem>>, vector<1x16xf32>,
      %swap3A_84 = vector.shape_cast %swap3A_83 : vector<1x16xf32> to vector<16xf32>
      %swap3A_85 = vector.shape_cast %broadcast_in_dim3A_80 : vector<16xf32> to vector<1x16xf32>
      tpu.vector_store %arg8[%swap3A_81, %swap3A_82], %swap3A_85 {strides = array<i32>} : memref<128x128xf32, #tpu.memory_space<vmem>>, vector<1x16xf32>,
      %broadcast_in_dim3A_86 = arith.constant 0.000000e+00 : f32
      %broadcast_in_dim3A_87 = vector.broadcast %broadcast_in_dim3A_86 : f32 to vector<16xf32>
      %swap3A_88 = arith.index_cast %scan3A_38 : i32 to index
      %swap3A_89 = arith.constant 112 : index
      %swap3A_90 = tpu.vector_load %arg8[%swap3A_88, %swap3A_89] {strides = array<i32>} : memref<128x128xf32, #tpu.memory_space<vmem>>, vector<1x16xf32>,
      %swap3A_91 = vector.shape_cast %swap3A_90 : vector<1x16xf32> to vector<16xf32>
      %swap3A_92 = vector.shape_cast %broadcast_in_dim3A_87 : vector<16xf32> to vector<1x16xf32>
      tpu.vector_store %arg8[%swap3A_88, %swap3A_89], %swap3A_92 {strides = array<i32>} : memref<128x128xf32, #tpu.memory_space<vmem>>, vector<1x16xf32>,
    }
    %scan3A_5 = arith.constant 128 : i32
    %mul3A_6 = arith.constant 640 : i32
    %mul3A_7 = arith.muli %arg1, %mul3A_6 : i32
    %add3A_8 = arith.constant 0 : i32
    %add3A_9 = arith.addi %mul3A_7, %add3A_8 : i32
    "tpu.region"() ({
      %run_scoped3A_38 = tpu.sem_alloc : memref<!tpu.dma_semaphore, #tpu.memory_space<semaphore_mem>>
      %dma_start3A = arith.constant 0 : i32
      %dma_start3A_39 = tpu.memref_slice %arg9[%add3A_9, %dma_start3A] : memref<10240x128xf32, #tpu.memory_space<vmem_shared>> -> memref<128x128xf32, #tpu.memory_space<vmem_shared>>
      %dma_start3A_40 = arith.constant 0 : i32
      %dma_start3A_41 = tpu.memref_slice %arg9[%add3A_9, %dma_start3A_40] : memref<10240x128xf32, #tpu.memory_space<vmem_shared>> -> memref<128x128xf32, #tpu.memory_space<vmem_shared>>
      tpu.enqueue_dma source(%arg8 : memref<128x128xf32, #tpu.memory_space<vmem>>) target(%dma_start3A_41 : memref<128x128xf32, #tpu.memory_space<vmem_shared>>) target_semaphore(%run_scoped3A_38 : memref<!tpu.dma_semaphore, #tpu.memory_space<semaphore_mem>>)
      %dma_wait3A = arith.constant 0 : i32
      %dma_wait3A_42 = tpu.memref_slice %arg9[%add3A_9, %dma_wait3A] : memref<10240x128xf32, #tpu.memory_space<vmem_shared>> -> memref<128x128xf32, #tpu.memory_space<vmem_shared>>
      %dma_wait3A_43 = arith.constant 0 : i32
      %dma_wait3A_44 = tpu.memref_slice %arg9[%add3A_9, %dma_wait3A_43] : memref<10240x128xf32, #tpu.memory_space<vmem_shared>> -> memref<128x128xf32, #tpu.memory_space<vmem_shared>>
      tpu.wait_dma2 semaphore(%run_scoped3A_38 : memref<!tpu.dma_semaphore, #tpu.memory_space<semaphore_mem>>) src(%arg8 : memref<128x128xf32, #tpu.memory_space<vmem>>) dst(%dma_wait3A_44 : memref<128x128xf32, #tpu.memory_space<vmem_shared>>)
      tpu.yield
    }) : () -> ()
    %mul3A_10 = arith.constant 640 : i32
    %mul3A_11 = arith.muli %arg1, %mul3A_10 : i32
    %add3A_12 = arith.constant 128 : i32
    %add3A_13 = arith.addi %mul3A_11, %add3A_12 : i32
    "tpu.region"() ({
      %run_scoped3A_38 = tpu.sem_alloc : memref<!tpu.dma_semaphore, #tpu.memory_space<semaphore_mem>>
      %dma_start3A = arith.constant 0 : i32
      %dma_start3A_39 = tpu.memref_slice %arg9[%add3A_13, %dma_start3A] : memref<10240x128xf32, #tpu.memory_space<vmem_shared>> -> memref<128x128xf32, #tpu.memory_space<vmem_shared>>
      %dma_start3A_40 = arith.constant 0 : i32
      %dma_start3A_41 = tpu.memref_slice %arg9[%add3A_13, %dma_start3A_40] : memref<10240x128xf32, #tpu.memory_space<vmem_shared>> -> memref<128x128xf32, #tpu.memory_space<vmem_shared>>
      tpu.enqueue_dma source(%arg8 : memref<128x128xf32, #tpu.memory_space<vmem>>) target(%dma_start3A_41 : memref<128x128xf32, #tpu.memory_space<vmem_shared>>) target_semaphore(%run_scoped3A_38 : memref<!tpu.dma_semaphore, #tpu.memory_space<semaphore_mem>>)
      %dma_wait3A = arith.constant 0 : i32
      %dma_wait3A_42 = tpu.memref_slice %arg9[%add3A_13, %dma_wait3A] : memref<10240x128xf32, #tpu.memory_space<vmem_shared>> -> memref<128x128xf32, #tpu.memory_space<vmem_shared>>
      %dma_wait3A_43 = arith.constant 0 : i32
      %dma_wait3A_44 = tpu.memref_slice %arg9[%add3A_13, %dma_wait3A_43] : memref<10240x128xf32, #tpu.memory_space<vmem_shared>> -> memref<128x128xf32, #tpu.memory_space<vmem_shared>>
      tpu.wait_dma2 semaphore(%run_scoped3A_38 : memref<!tpu.dma_semaphore, #tpu.memory_space<semaphore_mem>>) src(%arg8 : memref<128x128xf32, #tpu.memory_space<vmem>>) dst(%dma_wait3A_44 : memref<128x128xf32, #tpu.memory_space<vmem_shared>>)
      tpu.yield
    }) : () -> ()
    %mul3A_14 = arith.constant 640 : i32
    %mul3A_15 = arith.muli %arg1, %mul3A_14 : i32
    %add3A_16 = arith.constant 256 : i32
    %add3A_17 = arith.addi %mul3A_15, %add3A_16 : i32
    "tpu.region"() ({
      %run_scoped3A_38 = tpu.sem_alloc : memref<!tpu.dma_semaphore, #tpu.memory_space<semaphore_mem>>
      %dma_start3A = arith.constant 0 : i32
      %dma_start3A_39 = tpu.memref_slice %arg9[%add3A_17, %dma_start3A] : memref<10240x128xf32, #tpu.memory_space<vmem_shared>> -> memref<128x128xf32, #tpu.memory_space<vmem_shared>>
      %dma_start3A_40 = arith.constant 0 : i32
      %dma_start3A_41 = tpu.memref_slice %arg9[%add3A_17, %dma_start3A_40] : memref<10240x128xf32, #tpu.memory_space<vmem_shared>> -> memref<128x128xf32, #tpu.memory_space<vmem_shared>>
      tpu.enqueue_dma source(%arg8 : memref<128x128xf32, #tpu.memory_space<vmem>>) target(%dma_start3A_41 : memref<128x128xf32, #tpu.memory_space<vmem_shared>>) target_semaphore(%run_scoped3A_38 : memref<!tpu.dma_semaphore, #tpu.memory_space<semaphore_mem>>)
      %dma_wait3A = arith.constant 0 : i32
      %dma_wait3A_42 = tpu.memref_slice %arg9[%add3A_17, %dma_wait3A] : memref<10240x128xf32, #tpu.memory_space<vmem_shared>> -> memref<128x128xf32, #tpu.memory_space<vmem_shared>>
      %dma_wait3A_43 = arith.constant 0 : i32
      %dma_wait3A_44 = tpu.memref_slice %arg9[%add3A_17, %dma_wait3A_43] : memref<10240x128xf32, #tpu.memory_space<vmem_shared>> -> memref<128x128xf32, #tpu.memory_space<vmem_shared>>
      tpu.wait_dma2 semaphore(%run_scoped3A_38 : memref<!tpu.dma_semaphore, #tpu.memory_space<semaphore_mem>>) src(%arg8 : memref<128x128xf32, #tpu.memory_space<vmem>>) dst(%dma_wait3A_44 : memref<128x128xf32, #tpu.memory_space<vmem_shared>>)
      tpu.yield
    }) : () -> ()
    %mul3A_18 = arith.constant 640 : i32
    %mul3A_19 = arith.muli %arg1, %mul3A_18 : i32
    %add3A_20 = arith.constant 384 : i32
    %add3A_21 = arith.addi %mul3A_19, %add3A_20 : i32
    "tpu.region"() ({
      %run_scoped3A_38 = tpu.sem_alloc : memref<!tpu.dma_semaphore, #tpu.memory_space<semaphore_mem>>
      %dma_start3A = arith.constant 0 : i32
      %dma_start3A_39 = tpu.memref_slice %arg9[%add3A_21, %dma_start3A] : memref<10240x128xf32, #tpu.memory_space<vmem_shared>> -> memref<128x128xf32, #tpu.memory_space<vmem_shared>>
      %dma_start3A_40 = arith.constant 0 : i32
      %dma_start3A_41 = tpu.memref_slice %arg9[%add3A_21, %dma_start3A_40] : memref<10240x128xf32, #tpu.memory_space<vmem_shared>> -> memref<128x128xf32, #tpu.memory_space<vmem_shared>>
      tpu.enqueue_dma source(%arg8 : memref<128x128xf32, #tpu.memory_space<vmem>>) target(%dma_start3A_41 : memref<128x128xf32, #tpu.memory_space<vmem_shared>>) target_semaphore(%run_scoped3A_38 : memref<!tpu.dma_semaphore, #tpu.memory_space<semaphore_mem>>)
      %dma_wait3A = arith.constant 0 : i32
      %dma_wait3A_42 = tpu.memref_slice %arg9[%add3A_21, %dma_wait3A] : memref<10240x128xf32, #tpu.memory_space<vmem_shared>> -> memref<128x128xf32, #tpu.memory_space<vmem_shared>>
      %dma_wait3A_43 = arith.constant 0 : i32
      %dma_wait3A_44 = tpu.memref_slice %arg9[%add3A_21, %dma_wait3A_43] : memref<10240x128xf32, #tpu.memory_space<vmem_shared>> -> memref<128x128xf32, #tpu.memory_space<vmem_shared>>
      tpu.wait_dma2 semaphore(%run_scoped3A_38 : memref<!tpu.dma_semaphore, #tpu.memory_space<semaphore_mem>>) src(%arg8 : memref<128x128xf32, #tpu.memory_space<vmem>>) dst(%dma_wait3A_44 : memref<128x128xf32, #tpu.memory_space<vmem_shared>>)
      tpu.yield
    }) : () -> ()
    %mul3A_22 = arith.constant 640 : i32
    %mul3A_23 = arith.muli %arg1, %mul3A_22 : i32
    %add3A_24 = arith.constant 512 : i32
    %add3A_25 = arith.addi %mul3A_23, %add3A_24 : i32
    "tpu.region"() ({
      %run_scoped3A_38 = tpu.sem_alloc : memref<!tpu.dma_semaphore, #tpu.memory_space<semaphore_mem>>
      %dma_start3A = arith.constant 0 : i32
      %dma_start3A_39 = tpu.memref_slice %arg9[%add3A_25, %dma_start3A] : memref<10240x128xf32, #tpu.memory_space<vmem_shared>> -> memref<128x128xf32, #tpu.memory_space<vmem_shared>>
      %dma_start3A_40 = arith.constant 0 : i32
      %dma_start3A_41 = tpu.memref_slice %arg9[%add3A_25, %dma_start3A_40] : memref<10240x128xf32, #tpu.memory_space<vmem_shared>> -> memref<128x128xf32, #tpu.memory_space<vmem_shared>>
      tpu.enqueue_dma source(%arg8 : memref<128x128xf32, #tpu.memory_space<vmem>>) target(%dma_start3A_41 : memref<128x128xf32, #tpu.memory_space<vmem_shared>>) target_semaphore(%run_scoped3A_38 : memref<!tpu.dma_semaphore, #tpu.memory_space<semaphore_mem>>)
      %dma_wait3A = arith.constant 0 : i32
      %dma_wait3A_42 = tpu.memref_slice %arg9[%add3A_25, %dma_wait3A] : memref<10240x128xf32, #tpu.memory_space<vmem_shared>> -> memref<128x128xf32, #tpu.memory_space<vmem_shared>>
      %dma_wait3A_43 = arith.constant 0 : i32
      %dma_wait3A_44 = tpu.memref_slice %arg9[%add3A_25, %dma_wait3A_43] : memref<10240x128xf32, #tpu.memory_space<vmem_shared>> -> memref<128x128xf32, #tpu.memory_space<vmem_shared>>
      tpu.wait_dma2 semaphore(%run_scoped3A_38 : memref<!tpu.dma_semaphore, #tpu.memory_space<semaphore_mem>>) src(%arg8 : memref<128x128xf32, #tpu.memory_space<vmem>>) dst(%dma_wait3A_44 : memref<128x128xf32, #tpu.memory_space<vmem_shared>>)
      tpu.yield
    }) : () -> ()
    %barrier3A = arith.constant 0 : index
    tpu.barrier barrier_id(%barrier3A)
    %run_scoped3A = arith.constant 0 : i32
    "tpu.region"() ({
      %run_scoped3A_38 = tpu.sem_alloc : memref<!tpu.dma_semaphore, #tpu.memory_space<semaphore_mem>>
      %dma_start3A = arith.constant 0 : i32
      %dma_start3A_39 = arith.constant 0 : i32
      %dma_start3A_40 = tpu.memref_slice %arg2[%add3A, %run_scoped3A, %dma_start3A, %dma_start3A_39] : memref<32x1x80x128xi32, #tpu.memory_space<hbm>> -> memref<1x1x80x128xi32, #tpu.memory_space<hbm>>
      %dma_start3A_41 = tpu.memref_squeeze %dma_start3A_40 : memref<1x1x80x128xi32, #tpu.memory_space<hbm>> -> memref<80x128xi32, #tpu.memory_space<hbm>>
      %dma_start3A_42 = arith.constant 0 : i32
      %dma_start3A_43 = arith.constant 0 : i32
      %dma_start3A_44 = tpu.memref_slice %arg2[%add3A, %run_scoped3A, %dma_start3A_42, %dma_start3A_43] : memref<32x1x80x128xi32, #tpu.memory_space<hbm>> -> memref<1x1x80x128xi32, #tpu.memory_space<hbm>>
      %dma_start3A_45 = tpu.memref_squeeze %dma_start3A_44 : memref<1x1x80x128xi32, #tpu.memory_space<hbm>> -> memref<80x128xi32, #tpu.memory_space<hbm>>
      tpu.enqueue_dma source(%dma_start3A_45 : memref<80x128xi32, #tpu.memory_space<hbm>>) target(%arg6 : memref<80x128xi32, #tpu.memory_space<vmem>>) target_semaphore(%run_scoped3A_38 : memref<!tpu.dma_semaphore, #tpu.memory_space<semaphore_mem>>)
      %dma_wait3A = arith.constant 0 : i32
      %dma_wait3A_46 = arith.constant 0 : i32
      %dma_wait3A_47 = tpu.memref_slice %arg2[%add3A, %run_scoped3A, %dma_wait3A, %dma_wait3A_46] : memref<32x1x80x128xi32, #tpu.memory_space<hbm>> -> memref<1x1x80x128xi32, #tpu.memory_space<hbm>>
      %dma_wait3A_48 = tpu.memref_squeeze %dma_wait3A_47 : memref<1x1x80x128xi32, #tpu.memory_space<hbm>> -> memref<80x128xi32, #tpu.memory_space<hbm>>
      %dma_wait3A_49 = arith.constant 0 : i32
      %dma_wait3A_50 = arith.constant 0 : i32
      %dma_wait3A_51 = tpu.memref_slice %arg2[%add3A, %run_scoped3A, %dma_wait3A_49, %dma_wait3A_50] : memref<32x1x80x128xi32, #tpu.memory_space<hbm>> -> memref<1x1x80x128xi32, #tpu.memory_space<hbm>>
      %dma_wait3A_52 = tpu.memref_squeeze %dma_wait3A_51 : memref<1x1x80x128xi32, #tpu.memory_space<hbm>> -> memref<80x128xi32, #tpu.memory_space<hbm>>
      tpu.wait_dma2 semaphore(%run_scoped3A_38 : memref<!tpu.dma_semaphore, #tpu.memory_space<semaphore_mem>>) src(%dma_wait3A_52 : memref<80x128xi32, #tpu.memory_space<hbm>>) dst(%arg6 : memref<80x128xi32, #tpu.memory_space<vmem>>)
      tpu.yield
    }) : () -> ()
    %run_scoped3A_26 = arith.constant 0 : i32
    "tpu.region"() ({
      %run_scoped3A_38 = tpu.sem_alloc : memref<!tpu.dma_semaphore, #tpu.memory_space<semaphore_mem>>
      %dma_start3A = arith.constant 0 : i32
      %dma_start3A_39 = arith.constant 0 : i32
      %dma_start3A_40 = tpu.memref_slice %arg3[%add3A, %run_scoped3A_26, %dma_start3A, %dma_start3A_39] : memref<32x1x80x128xi32, #tpu.memory_space<hbm>> -> memref<1x1x80x128xi32, #tpu.memory_space<hbm>>
      %dma_start3A_41 = tpu.memref_squeeze %dma_start3A_40 : memref<1x1x80x128xi32, #tpu.memory_space<hbm>> -> memref<80x128xi32, #tpu.memory_space<hbm>>
      %dma_start3A_42 = arith.constant 0 : i32
      %dma_start3A_43 = arith.constant 0 : i32
      %dma_start3A_44 = tpu.memref_slice %arg3[%add3A, %run_scoped3A_26, %dma_start3A_42, %dma_start3A_43] : memref<32x1x80x128xi32, #tpu.memory_space<hbm>> -> memref<1x1x80x128xi32, #tpu.memory_space<hbm>>
      %dma_start3A_45 = tpu.memref_squeeze %dma_start3A_44 : memref<1x1x80x128xi32, #tpu.memory_space<hbm>> -> memref<80x128xi32, #tpu.memory_space<hbm>>
      tpu.enqueue_dma source(%dma_start3A_45 : memref<80x128xi32, #tpu.memory_space<hbm>>) target(%arg7 : memref<80x128xi32, #tpu.memory_space<vmem>>) target_semaphore(%run_scoped3A_38 : memref<!tpu.dma_semaphore, #tpu.memory_space<semaphore_mem>>)
      %dma_wait3A = arith.constant 0 : i32
      %dma_wait3A_46 = arith.constant 0 : i32
      %dma_wait3A_47 = tpu.memref_slice %arg3[%add3A, %run_scoped3A_26, %dma_wait3A, %dma_wait3A_46] : memref<32x1x80x128xi32, #tpu.memory_space<hbm>> -> memref<1x1x80x128xi32, #tpu.memory_space<hbm>>
      %dma_wait3A_48 = tpu.memref_squeeze %dma_wait3A_47 : memref<1x1x80x128xi32, #tpu.memory_space<hbm>> -> memref<80x128xi32, #tpu.memory_space<hbm>>
      %dma_wait3A_49 = arith.constant 0 : i32
      %dma_wait3A_50 = arith.constant 0 : i32
      %dma_wait3A_51 = tpu.memref_slice %arg3[%add3A, %run_scoped3A_26, %dma_wait3A_49, %dma_wait3A_50] : memref<32x1x80x128xi32, #tpu.memory_space<hbm>> -> memref<1x1x80x128xi32, #tpu.memory_space<hbm>>
      %dma_wait3A_52 = tpu.memref_squeeze %dma_wait3A_51 : memref<1x1x80x128xi32, #tpu.memory_space<hbm>> -> memref<80x128xi32, #tpu.memory_space<hbm>>
      tpu.wait_dma2 semaphore(%run_scoped3A_38 : memref<!tpu.dma_semaphore, #tpu.memory_space<semaphore_mem>>) src(%dma_wait3A_52 : memref<80x128xi32, #tpu.memory_space<hbm>>) dst(%arg7 : memref<80x128xi32, #tpu.memory_space<vmem>>)
      tpu.yield
    }) : () -> ()
    %scan3A_27 = arith.constant 0 : i32
    %scan3A_28 = arith.constant 0 : i32
    %scan3A_29 = arith.constant 80 : i32
    %scan3A_30 = arith.addi %scan3A_28, %scan3A_29 : i32
    %scan3A_31 = arith.constant 1 : i32
    scf.for %scan3A_38 = %scan3A_28 to %scan3A_30 step %scan3A_31  : i32 {
      %dma_start3A = arith.constant 0 : i32
      %dma_start3A_39 = tpu.memref_slice %arg6[%scan3A_38, %dma_start3A] : memref<80x128xi32, #tpu.memory_space<vmem>> -> memref<1x128xi32, #tpu.memory_space<vmem>>
      %dma_start3A_40 = tpu.memref_squeeze %dma_start3A_39 : memref<1x128xi32, #tpu.memory_space<vmem>> -> memref<128xi32, #tpu.memory_space<vmem>>
      %dma_start3A_41 = arith.constant 0 : i32
      %dma_start3A_42 = arith.constant 0 : i32
      %dma_start3A_43 = tpu.memref_slice %arg4[%dma_start3A_41, %dma_start3A_42] : memref<10000x128xf32, #tpu.memory_space<hbm>> -> memref<10000x128xf32, #tpu.memory_space<hbm>>
      tpu.enqueue_indirect_dma source(%dma_start3A_43 : memref<10000x128xf32, #tpu.memory_space<hbm>>) target(%arg8 : memref<128x128xf32, #tpu.memory_space<vmem>>) offsets(%dma_start3A_40 : memref<128xi32, #tpu.memory_space<vmem>>) semaphore(%arg10 : memref<!tpu.dma_semaphore, #tpu.memory_space<semaphore_mem>>)
      %dma_wait3A = arith.constant 0 : i32
      %dma_wait3A_44 = tpu.memref_slice %arg6[%scan3A_38, %dma_wait3A] : memref<80x128xi32, #tpu.memory_space<vmem>> -> memref<1x128xi32, #tpu.memory_space<vmem>>
      %dma_wait3A_45 = tpu.memref_squeeze %dma_wait3A_44 : memref<1x128xi32, #tpu.memory_space<vmem>> -> memref<128xi32, #tpu.memory_space<vmem>>
      %dma_wait3A_46 = arith.constant 0 : i32
      %dma_wait3A_47 = arith.constant 0 : i32
      %dma_wait3A_48 = tpu.memref_slice %arg4[%dma_wait3A_46, %dma_wait3A_47] : memref<10000x128xf32, #tpu.memory_space<hbm>> -> memref<10000x128xf32, #tpu.memory_space<hbm>>
      tpu.wait_indirect_dma semaphore(%arg10 : memref<!tpu.dma_semaphore, #tpu.memory_space<semaphore_mem>>) src(%dma_wait3A_48 : memref<10000x128xf32, #tpu.memory_space<hbm>>) dst(%arg8 : memref<128x128xf32, #tpu.memory_space<vmem>>)
      "tpu.region"() ({
        %run_scoped3A_49 = tpu.sem_alloc : memref<!tpu.dma_semaphore, #tpu.memory_space<semaphore_mem>>
        %dma_start3A_50 = arith.constant 0 : i32
        %dma_start3A_51 = tpu.memref_slice %arg7[%scan3A_38, %dma_start3A_50] : memref<80x128xi32, #tpu.memory_space<vmem>> -> memref<1x128xi32, #tpu.memory_space<vmem>>
        %dma_start3A_52 = tpu.memref_squeeze %dma_start3A_51 : memref<1x128xi32, #tpu.memory_space<vmem>> -> memref<128xi32, #tpu.memory_space<vmem>>
        %dma_start3A_53 = arith.constant 0 : i32
        %dma_start3A_54 = arith.constant 0 : i32
        %dma_start3A_55 = tpu.memref_slice %arg9[%dma_start3A_53, %dma_start3A_54] : memref<10240x128xf32, #tpu.memory_space<vmem_shared>> -> memref<10240x128xf32, #tpu.memory_space<vmem_shared>>
        tpu.enqueue_indirect_dma source(%arg8 : memref<128x128xf32, #tpu.memory_space<vmem>>) target(%dma_start3A_55 : memref<10240x128xf32, #tpu.memory_space<vmem_shared>>) offsets(%dma_start3A_52 : memref<128xi32, #tpu.memory_space<vmem>>) semaphore(%run_scoped3A_49 : memref<!tpu.dma_semaphore, #tpu.memory_space<semaphore_mem>>) {add = true}
        %dma_wait3A_56 = arith.constant 0 : i32
        %dma_wait3A_57 = tpu.memref_slice %arg7[%scan3A_38, %dma_wait3A_56] : memref<80x128xi32, #tpu.memory_space<vmem>> -> memref<1x128xi32, #tpu.memory_space<vmem>>
        %dma_wait3A_58 = tpu.memref_squeeze %dma_wait3A_57 : memref<1x128xi32, #tpu.memory_space<vmem>> -> memref<128xi32, #tpu.memory_space<vmem>>
        %dma_wait3A_59 = arith.constant 0 : i32
        %dma_wait3A_60 = arith.constant 0 : i32
        %dma_wait3A_61 = tpu.memref_slice %arg9[%dma_wait3A_59, %dma_wait3A_60] : memref<10240x128xf32, #tpu.memory_space<vmem_shared>> -> memref<10240x128xf32, #tpu.memory_space<vmem_shared>>
        tpu.wait_indirect_dma semaphore(%run_scoped3A_49 : memref<!tpu.dma_semaphore, #tpu.memory_space<semaphore_mem>>) src(%arg8 : memref<128x128xf32, #tpu.memory_space<vmem>>) dst(%dma_wait3A_61 : memref<10240x128xf32, #tpu.memory_space<vmem_shared>>)
        tpu.yield
      }) : () -> ()
    }
    %scan3A_32 = arith.constant 80 : i32
    %barrier3A_33 = arith.constant 0 : index
    tpu.barrier barrier_id(%barrier3A_33)
    %mul3A_34 = arith.constant 640 : i32
    %mul3A_35 = arith.muli %arg1, %mul3A_34 : i32
    %mul3A_36 = arith.constant 640 : i32
    %mul3A_37 = arith.muli %arg1, %mul3A_36 : i32
    "tpu.region"() ({
      %run_scoped3A_38 = tpu.sem_alloc : memref<!tpu.dma_semaphore, #tpu.memory_space<semaphore_mem>>
      %dma_start3A = arith.constant 0 : i32
      %dma_start3A_39 = tpu.memref_slice %arg5[%arg0, %mul3A_37, %dma_start3A] : memref<2x10240x128xf32, #tpu.memory_space<hbm>> -> memref<1x640x128xf32, #tpu.memory_space<hbm>>
      %dma_start3A_40 = tpu.memref_squeeze %dma_start3A_39 : memref<1x640x128xf32, #tpu.memory_space<hbm>> -> memref<640x128xf32, #tpu.memory_space<hbm>>
      %dma_start3A_41 = arith.constant 0 : i32
      %dma_start3A_42 = tpu.memref_slice %arg9[%mul3A_35, %dma_start3A_41] : memref<10240x128xf32, #tpu.memory_space<vmem_shared>> -> memref<640x128xf32, #tpu.memory_space<vmem_shared>>
      tpu.enqueue_dma source(%dma_start3A_42 : memref<640x128xf32, #tpu.memory_space<vmem_shared>>) target(%dma_start3A_40 : memref<640x128xf32, #tpu.memory_space<hbm>>) target_semaphore(%run_scoped3A_38 : memref<!tpu.dma_semaphore, #tpu.memory_space<semaphore_mem>>)
      %dma_wait3A = arith.constant 0 : i32
      %dma_wait3A_43 = tpu.memref_slice %arg5[%arg0, %mul3A_37, %dma_wait3A] : memref<2x10240x128xf32, #tpu.memory_space<hbm>> -> memref<1x640x128xf32, #tpu.memory_space<hbm>>
      %dma_wait3A_44 = tpu.memref_squeeze %dma_wait3A_43 : memref<1x640x128xf32, #tpu.memory_space<hbm>> -> memref<640x128xf32, #tpu.memory_space<hbm>>
      %dma_wait3A_45 = arith.constant 0 : i32
      %dma_wait3A_46 = tpu.memref_slice %arg9[%mul3A_35, %dma_wait3A_45] : memref<10240x128xf32, #tpu.memory_space<vmem_shared>> -> memref<640x128xf32, #tpu.memory_space<vmem_shared>>
      tpu.wait_dma2 semaphore(%run_scoped3A_38 : memref<!tpu.dma_semaphore, #tpu.memory_space<semaphore_mem>>) src(%dma_wait3A_46 : memref<640x128xf32, #tpu.memory_space<vmem_shared>>) dst(%dma_wait3A_44 : memref<640x128xf32, #tpu.memory_space<hbm>>)
      tpu.yield
    }) : () -> ()
    return
  }
}

#map = affine_map<(d0, d1) -> (0, 0, 0, 0)>
#map1 = affine_map<(d0, d1) -> (0)>
module attributes {stable_mosaic.version = 14 : i64} {
  func.func @sc_deg(%arg0: i32, %arg1: i32, %arg2: memref<32x1x80x128xi32, #tpu.memory_space<hbm>>, %arg3: memref<20480xf32, #tpu.memory_space<hbm>>, %arg4: memref<80x128xi32, #tpu.memory_space<vmem>>, %arg5: memref<128xf32, #tpu.memory_space<vmem>>, %arg6: memref<10240xf32, #tpu.memory_space<vmem_shared>>, %arg7: memref<!tpu.dma_semaphore, #tpu.memory_space<semaphore_mem>>) attributes {dimension_semantics = [#tpu.dimension_semantics<core_parallel>, #tpu.dimension_semantics<subcore_parallel>], iteration_bounds = array<i64: 2, 16>, scalar_prefetch = 0 : i64, scratch_operands = 4 : i64, tpu.core_type = #tpu.core_type<sc_vector_subcore>, window_params = [{transform_indices = #map}, {transform_indices = #map1}]} {
    %mul3A = arith.constant 16 : i32
    %mul3A_0 = arith.muli %arg0, %mul3A : i32
    %add3A = arith.addi %mul3A_0, %arg1 : i32
    %broadcast_in_dim3A = arith.constant 0.000000e+00 : f32
    %broadcast_in_dim3A_1 = vector.broadcast %broadcast_in_dim3A : f32 to vector<16xf32>
    %swap3A = arith.constant 0 : index
    %swap3A_2 = tpu.vector_load %arg5[%swap3A] {strides = array<i32>} : memref<128xf32, #tpu.memory_space<vmem>>, vector<16xf32>,
    %swap3A_3 = vector.shape_cast %swap3A_2 : vector<16xf32> to vector<16xf32>
    %swap3A_4 = vector.shape_cast %broadcast_in_dim3A_1 : vector<16xf32> to vector<16xf32>
    tpu.vector_store %arg5[%swap3A], %swap3A_4 {strides = array<i32>} : memref<128xf32, #tpu.memory_space<vmem>>, vector<16xf32>,
    %broadcast_in_dim3A_5 = arith.constant 0.000000e+00 : f32
    %broadcast_in_dim3A_6 = vector.broadcast %broadcast_in_dim3A_5 : f32 to vector<16xf32>
    %swap3A_7 = arith.constant 16 : index
    %swap3A_8 = tpu.vector_load %arg5[%swap3A_7] {strides = array<i32>} : memref<128xf32, #tpu.memory_space<vmem>>, vector<16xf32>,
    %swap3A_9 = vector.shape_cast %swap3A_8 : vector<16xf32> to vector<16xf32>
    %swap3A_10 = vector.shape_cast %broadcast_in_dim3A_6 : vector<16xf32> to vector<16xf32>
    tpu.vector_store %arg5[%swap3A_7], %swap3A_10 {strides = array<i32>} : memref<128xf32, #tpu.memory_space<vmem>>, vector<16xf32>,
    %broadcast_in_dim3A_11 = arith.constant 0.000000e+00 : f32
    %broadcast_in_dim3A_12 = vector.broadcast %broadcast_in_dim3A_11 : f32 to vector<16xf32>
    %swap3A_13 = arith.constant 32 : index
    %swap3A_14 = tpu.vector_load %arg5[%swap3A_13] {strides = array<i32>} : memref<128xf32, #tpu.memory_space<vmem>>, vector<16xf32>,
    %swap3A_15 = vector.shape_cast %swap3A_14 : vector<16xf32> to vector<16xf32>
    %swap3A_16 = vector.shape_cast %broadcast_in_dim3A_12 : vector<16xf32> to vector<16xf32>
    tpu.vector_store %arg5[%swap3A_13], %swap3A_16 {strides = array<i32>} : memref<128xf32, #tpu.memory_space<vmem>>, vector<16xf32>,
    %broadcast_in_dim3A_17 = arith.constant 0.000000e+00 : f32
    %broadcast_in_dim3A_18 = vector.broadcast %broadcast_in_dim3A_17 : f32 to vector<16xf32>
    %swap3A_19 = arith.constant 48 : index
    %swap3A_20 = tpu.vector_load %arg5[%swap3A_19] {strides = array<i32>} : memref<128xf32, #tpu.memory_space<vmem>>, vector<16xf32>,
    %swap3A_21 = vector.shape_cast %swap3A_20 : vector<16xf32> to vector<16xf32>
    %swap3A_22 = vector.shape_cast %broadcast_in_dim3A_18 : vector<16xf32> to vector<16xf32>
    tpu.vector_store %arg5[%swap3A_19], %swap3A_22 {strides = array<i32>} : memref<128xf32, #tpu.memory_space<vmem>>, vector<16xf32>,
    %broadcast_in_dim3A_23 = arith.constant 0.000000e+00 : f32
    %broadcast_in_dim3A_24 = vector.broadcast %broadcast_in_dim3A_23 : f32 to vector<16xf32>
    %swap3A_25 = arith.constant 64 : index
    %swap3A_26 = tpu.vector_load %arg5[%swap3A_25] {strides = array<i32>} : memref<128xf32, #tpu.memory_space<vmem>>, vector<16xf32>,
    %swap3A_27 = vector.shape_cast %swap3A_26 : vector<16xf32> to vector<16xf32>
    %swap3A_28 = vector.shape_cast %broadcast_in_dim3A_24 : vector<16xf32> to vector<16xf32>
    tpu.vector_store %arg5[%swap3A_25], %swap3A_28 {strides = array<i32>} : memref<128xf32, #tpu.memory_space<vmem>>, vector<16xf32>,
    %broadcast_in_dim3A_29 = arith.constant 0.000000e+00 : f32
    %broadcast_in_dim3A_30 = vector.broadcast %broadcast_in_dim3A_29 : f32 to vector<16xf32>
    %swap3A_31 = arith.constant 80 : index
    %swap3A_32 = tpu.vector_load %arg5[%swap3A_31] {strides = array<i32>} : memref<128xf32, #tpu.memory_space<vmem>>, vector<16xf32>,
    %swap3A_33 = vector.shape_cast %swap3A_32 : vector<16xf32> to vector<16xf32>
    %swap3A_34 = vector.shape_cast %broadcast_in_dim3A_30 : vector<16xf32> to vector<16xf32>
    tpu.vector_store %arg5[%swap3A_31], %swap3A_34 {strides = array<i32>} : memref<128xf32, #tpu.memory_space<vmem>>, vector<16xf32>,
    %broadcast_in_dim3A_35 = arith.constant 0.000000e+00 : f32
    %broadcast_in_dim3A_36 = vector.broadcast %broadcast_in_dim3A_35 : f32 to vector<16xf32>
    %swap3A_37 = arith.constant 96 : index
    %swap3A_38 = tpu.vector_load %arg5[%swap3A_37] {strides = array<i32>} : memref<128xf32, #tpu.memory_space<vmem>>, vector<16xf32>,
    %swap3A_39 = vector.shape_cast %swap3A_38 : vector<16xf32> to vector<16xf32>
    %swap3A_40 = vector.shape_cast %broadcast_in_dim3A_36 : vector<16xf32> to vector<16xf32>
    tpu.vector_store %arg5[%swap3A_37], %swap3A_40 {strides = array<i32>} : memref<128xf32, #tpu.memory_space<vmem>>, vector<16xf32>,
    %broadcast_in_dim3A_41 = arith.constant 0.000000e+00 : f32
    %broadcast_in_dim3A_42 = vector.broadcast %broadcast_in_dim3A_41 : f32 to vector<16xf32>
    %swap3A_43 = arith.constant 112 : index
    %swap3A_44 = tpu.vector_load %arg5[%swap3A_43] {strides = array<i32>} : memref<128xf32, #tpu.memory_space<vmem>>, vector<16xf32>,
    %swap3A_45 = vector.shape_cast %swap3A_44 : vector<16xf32> to vector<16xf32>
    %swap3A_46 = vector.shape_cast %broadcast_in_dim3A_42 : vector<16xf32> to vector<16xf32>
    tpu.vector_store %arg5[%swap3A_43], %swap3A_46 {strides = array<i32>} : memref<128xf32, #tpu.memory_space<vmem>>, vector<16xf32>,
    %mul3A_47 = arith.constant 640 : i32
    %mul3A_48 = arith.muli %arg1, %mul3A_47 : i32
    %add3A_49 = arith.constant 0 : i32
    %add3A_50 = arith.addi %mul3A_48, %add3A_49 : i32
    "tpu.region"() ({
      %run_scoped3A_128 = tpu.sem_alloc : memref<!tpu.dma_semaphore, #tpu.memory_space<semaphore_mem>>
      %dma_start3A = tpu.memref_slice %arg6[%add3A_50] : memref<10240xf32, #tpu.memory_space<vmem_shared>> -> memref<128xf32, #tpu.memory_space<vmem_shared>>
      %dma_start3A_129 = tpu.memref_slice %arg6[%add3A_50] : memref<10240xf32, #tpu.memory_space<vmem_shared>> -> memref<128xf32, #tpu.memory_space<vmem_shared>>
      tpu.enqueue_dma source(%arg5 : memref<128xf32, #tpu.memory_space<vmem>>) target(%dma_start3A_129 : memref<128xf32, #tpu.memory_space<vmem_shared>>) target_semaphore(%run_scoped3A_128 : memref<!tpu.dma_semaphore, #tpu.memory_space<semaphore_mem>>)
      %dma_wait3A = tpu.memref_slice %arg6[%add3A_50] : memref<10240xf32, #tpu.memory_space<vmem_shared>> -> memref<128xf32, #tpu.memory_space<vmem_shared>>
      %dma_wait3A_130 = tpu.memref_slice %arg6[%add3A_50] : memref<10240xf32, #tpu.memory_space<vmem_shared>> -> memref<128xf32, #tpu.memory_space<vmem_shared>>
      tpu.wait_dma2 semaphore(%run_scoped3A_128 : memref<!tpu.dma_semaphore, #tpu.memory_space<semaphore_mem>>) src(%arg5 : memref<128xf32, #tpu.memory_space<vmem>>) dst(%dma_wait3A_130 : memref<128xf32, #tpu.memory_space<vmem_shared>>)
      tpu.yield
    }) : () -> ()
    %mul3A_51 = arith.constant 640 : i32
    %mul3A_52 = arith.muli %arg1, %mul3A_51 : i32
    %add3A_53 = arith.constant 128 : i32
    %add3A_54 = arith.addi %mul3A_52, %add3A_53 : i32
    "tpu.region"() ({
      %run_scoped3A_128 = tpu.sem_alloc : memref<!tpu.dma_semaphore, #tpu.memory_space<semaphore_mem>>
      %dma_start3A = tpu.memref_slice %arg6[%add3A_54] : memref<10240xf32, #tpu.memory_space<vmem_shared>> -> memref<128xf32, #tpu.memory_space<vmem_shared>>
      %dma_start3A_129 = tpu.memref_slice %arg6[%add3A_54] : memref<10240xf32, #tpu.memory_space<vmem_shared>> -> memref<128xf32, #tpu.memory_space<vmem_shared>>
      tpu.enqueue_dma source(%arg5 : memref<128xf32, #tpu.memory_space<vmem>>) target(%dma_start3A_129 : memref<128xf32, #tpu.memory_space<vmem_shared>>) target_semaphore(%run_scoped3A_128 : memref<!tpu.dma_semaphore, #tpu.memory_space<semaphore_mem>>)
      %dma_wait3A = tpu.memref_slice %arg6[%add3A_54] : memref<10240xf32, #tpu.memory_space<vmem_shared>> -> memref<128xf32, #tpu.memory_space<vmem_shared>>
      %dma_wait3A_130 = tpu.memref_slice %arg6[%add3A_54] : memref<10240xf32, #tpu.memory_space<vmem_shared>> -> memref<128xf32, #tpu.memory_space<vmem_shared>>
      tpu.wait_dma2 semaphore(%run_scoped3A_128 : memref<!tpu.dma_semaphore, #tpu.memory_space<semaphore_mem>>) src(%arg5 : memref<128xf32, #tpu.memory_space<vmem>>) dst(%dma_wait3A_130 : memref<128xf32, #tpu.memory_space<vmem_shared>>)
      tpu.yield
    }) : () -> ()
    %mul3A_55 = arith.constant 640 : i32
    %mul3A_56 = arith.muli %arg1, %mul3A_55 : i32
    %add3A_57 = arith.constant 256 : i32
    %add3A_58 = arith.addi %mul3A_56, %add3A_57 : i32
    "tpu.region"() ({
      %run_scoped3A_128 = tpu.sem_alloc : memref<!tpu.dma_semaphore, #tpu.memory_space<semaphore_mem>>
      %dma_start3A = tpu.memref_slice %arg6[%add3A_58] : memref<10240xf32, #tpu.memory_space<vmem_shared>> -> memref<128xf32, #tpu.memory_space<vmem_shared>>
      %dma_start3A_129 = tpu.memref_slice %arg6[%add3A_58] : memref<10240xf32, #tpu.memory_space<vmem_shared>> -> memref<128xf32, #tpu.memory_space<vmem_shared>>
      tpu.enqueue_dma source(%arg5 : memref<128xf32, #tpu.memory_space<vmem>>) target(%dma_start3A_129 : memref<128xf32, #tpu.memory_space<vmem_shared>>) target_semaphore(%run_scoped3A_128 : memref<!tpu.dma_semaphore, #tpu.memory_space<semaphore_mem>>)
      %dma_wait3A = tpu.memref_slice %arg6[%add3A_58] : memref<10240xf32, #tpu.memory_space<vmem_shared>> -> memref<128xf32, #tpu.memory_space<vmem_shared>>
      %dma_wait3A_130 = tpu.memref_slice %arg6[%add3A_58] : memref<10240xf32, #tpu.memory_space<vmem_shared>> -> memref<128xf32, #tpu.memory_space<vmem_shared>>
      tpu.wait_dma2 semaphore(%run_scoped3A_128 : memref<!tpu.dma_semaphore, #tpu.memory_space<semaphore_mem>>) src(%arg5 : memref<128xf32, #tpu.memory_space<vmem>>) dst(%dma_wait3A_130 : memref<128xf32, #tpu.memory_space<vmem_shared>>)
      tpu.yield
    }) : () -> ()
    %mul3A_59 = arith.constant 640 : i32
    %mul3A_60 = arith.muli %arg1, %mul3A_59 : i32
    %add3A_61 = arith.constant 384 : i32
    %add3A_62 = arith.addi %mul3A_60, %add3A_61 : i32
    "tpu.region"() ({
      %run_scoped3A_128 = tpu.sem_alloc : memref<!tpu.dma_semaphore, #tpu.memory_space<semaphore_mem>>
      %dma_start3A = tpu.memref_slice %arg6[%add3A_62] : memref<10240xf32, #tpu.memory_space<vmem_shared>> -> memref<128xf32, #tpu.memory_space<vmem_shared>>
      %dma_start3A_129 = tpu.memref_slice %arg6[%add3A_62] : memref<10240xf32, #tpu.memory_space<vmem_shared>> -> memref<128xf32, #tpu.memory_space<vmem_shared>>
      tpu.enqueue_dma source(%arg5 : memref<128xf32, #tpu.memory_space<vmem>>) target(%dma_start3A_129 : memref<128xf32, #tpu.memory_space<vmem_shared>>) target_semaphore(%run_scoped3A_128 : memref<!tpu.dma_semaphore, #tpu.memory_space<semaphore_mem>>)
      %dma_wait3A = tpu.memref_slice %arg6[%add3A_62] : memref<10240xf32, #tpu.memory_space<vmem_shared>> -> memref<128xf32, #tpu.memory_space<vmem_shared>>
      %dma_wait3A_130 = tpu.memref_slice %arg6[%add3A_62] : memref<10240xf32, #tpu.memory_space<vmem_shared>> -> memref<128xf32, #tpu.memory_space<vmem_shared>>
      tpu.wait_dma2 semaphore(%run_scoped3A_128 : memref<!tpu.dma_semaphore, #tpu.memory_space<semaphore_mem>>) src(%arg5 : memref<128xf32, #tpu.memory_space<vmem>>) dst(%dma_wait3A_130 : memref<128xf32, #tpu.memory_space<vmem_shared>>)
      tpu.yield
    }) : () -> ()
    %mul3A_63 = arith.constant 640 : i32
    %mul3A_64 = arith.muli %arg1, %mul3A_63 : i32
    %add3A_65 = arith.constant 512 : i32
    %add3A_66 = arith.addi %mul3A_64, %add3A_65 : i32
    "tpu.region"() ({
      %run_scoped3A_128 = tpu.sem_alloc : memref<!tpu.dma_semaphore, #tpu.memory_space<semaphore_mem>>
      %dma_start3A = tpu.memref_slice %arg6[%add3A_66] : memref<10240xf32, #tpu.memory_space<vmem_shared>> -> memref<128xf32, #tpu.memory_space<vmem_shared>>
      %dma_start3A_129 = tpu.memref_slice %arg6[%add3A_66] : memref<10240xf32, #tpu.memory_space<vmem_shared>> -> memref<128xf32, #tpu.memory_space<vmem_shared>>
      tpu.enqueue_dma source(%arg5 : memref<128xf32, #tpu.memory_space<vmem>>) target(%dma_start3A_129 : memref<128xf32, #tpu.memory_space<vmem_shared>>) target_semaphore(%run_scoped3A_128 : memref<!tpu.dma_semaphore, #tpu.memory_space<semaphore_mem>>)
      %dma_wait3A = tpu.memref_slice %arg6[%add3A_66] : memref<10240xf32, #tpu.memory_space<vmem_shared>> -> memref<128xf32, #tpu.memory_space<vmem_shared>>
      %dma_wait3A_130 = tpu.memref_slice %arg6[%add3A_66] : memref<10240xf32, #tpu.memory_space<vmem_shared>> -> memref<128xf32, #tpu.memory_space<vmem_shared>>
      tpu.wait_dma2 semaphore(%run_scoped3A_128 : memref<!tpu.dma_semaphore, #tpu.memory_space<semaphore_mem>>) src(%arg5 : memref<128xf32, #tpu.memory_space<vmem>>) dst(%dma_wait3A_130 : memref<128xf32, #tpu.memory_space<vmem_shared>>)
      tpu.yield
    }) : () -> ()
    %broadcast_in_dim3A_67 = arith.constant 1.000000e+00 : f32
    %broadcast_in_dim3A_68 = vector.broadcast %broadcast_in_dim3A_67 : f32 to vector<16xf32>
    %swap3A_69 = arith.constant 0 : index
    %swap3A_70 = tpu.vector_load %arg5[%swap3A_69] {strides = array<i32>} : memref<128xf32, #tpu.memory_space<vmem>>, vector<16xf32>,
    %swap3A_71 = vector.shape_cast %swap3A_70 : vector<16xf32> to vector<16xf32>
    %swap3A_72 = vector.shape_cast %broadcast_in_dim3A_68 : vector<16xf32> to vector<16xf32>
    tpu.vector_store %arg5[%swap3A_69], %swap3A_72 {strides = array<i32>} : memref<128xf32, #tpu.memory_space<vmem>>, vector<16xf32>,
    %broadcast_in_dim3A_73 = arith.constant 1.000000e+00 : f32
    %broadcast_in_dim3A_74 = vector.broadcast %broadcast_in_dim3A_73 : f32 to vector<16xf32>
    %swap3A_75 = arith.constant 16 : index
    %swap3A_76 = tpu.vector_load %arg5[%swap3A_75] {strides = array<i32>} : memref<128xf32, #tpu.memory_space<vmem>>, vector<16xf32>,
    %swap3A_77 = vector.shape_cast %swap3A_76 : vector<16xf32> to vector<16xf32>
    %swap3A_78 = vector.shape_cast %broadcast_in_dim3A_74 : vector<16xf32> to vector<16xf32>
    tpu.vector_store %arg5[%swap3A_75], %swap3A_78 {strides = array<i32>} : memref<128xf32, #tpu.memory_space<vmem>>, vector<16xf32>,
    %broadcast_in_dim3A_79 = arith.constant 1.000000e+00 : f32
    %broadcast_in_dim3A_80 = vector.broadcast %broadcast_in_dim3A_79 : f32 to vector<16xf32>
    %swap3A_81 = arith.constant 32 : index
    %swap3A_82 = tpu.vector_load %arg5[%swap3A_81] {strides = array<i32>} : memref<128xf32, #tpu.memory_space<vmem>>, vector<16xf32>,
    %swap3A_83 = vector.shape_cast %swap3A_82 : vector<16xf32> to vector<16xf32>
    %swap3A_84 = vector.shape_cast %broadcast_in_dim3A_80 : vector<16xf32> to vector<16xf32>
    tpu.vector_store %arg5[%swap3A_81], %swap3A_84 {strides = array<i32>} : memref<128xf32, #tpu.memory_space<vmem>>, vector<16xf32>,
    %broadcast_in_dim3A_85 = arith.constant 1.000000e+00 : f32
    %broadcast_in_dim3A_86 = vector.broadcast %broadcast_in_dim3A_85 : f32 to vector<16xf32>
    %swap3A_87 = arith.constant 48 : index
    %swap3A_88 = tpu.vector_load %arg5[%swap3A_87] {strides = array<i32>} : memref<128xf32, #tpu.memory_space<vmem>>, vector<16xf32>,
    %swap3A_89 = vector.shape_cast %swap3A_88 : vector<16xf32> to vector<16xf32>
    %swap3A_90 = vector.shape_cast %broadcast_in_dim3A_86 : vector<16xf32> to vector<16xf32>
    tpu.vector_store %arg5[%swap3A_87], %swap3A_90 {strides = array<i32>} : memref<128xf32, #tpu.memory_space<vmem>>, vector<16xf32>,
    %broadcast_in_dim3A_91 = arith.constant 1.000000e+00 : f32
    %broadcast_in_dim3A_92 = vector.broadcast %broadcast_in_dim3A_91 : f32 to vector<16xf32>
    %swap3A_93 = arith.constant 64 : index
    %swap3A_94 = tpu.vector_load %arg5[%swap3A_93] {strides = array<i32>} : memref<128xf32, #tpu.memory_space<vmem>>, vector<16xf32>,
    %swap3A_95 = vector.shape_cast %swap3A_94 : vector<16xf32> to vector<16xf32>
    %swap3A_96 = vector.shape_cast %broadcast_in_dim3A_92 : vector<16xf32> to vector<16xf32>
    tpu.vector_store %arg5[%swap3A_93], %swap3A_96 {strides = array<i32>} : memref<128xf32, #tpu.memory_space<vmem>>, vector<16xf32>,
    %broadcast_in_dim3A_97 = arith.constant 1.000000e+00 : f32
    %broadcast_in_dim3A_98 = vector.broadcast %broadcast_in_dim3A_97 : f32 to vector<16xf32>
    %swap3A_99 = arith.constant 80 : index
    %swap3A_100 = tpu.vector_load %arg5[%swap3A_99] {strides = array<i32>} : memref<128xf32, #tpu.memory_space<vmem>>, vector<16xf32>,
    %swap3A_101 = vector.shape_cast %swap3A_100 : vector<16xf32> to vector<16xf32>
    %swap3A_102 = vector.shape_cast %broadcast_in_dim3A_98 : vector<16xf32> to vector<16xf32>
    tpu.vector_store %arg5[%swap3A_99], %swap3A_102 {strides = array<i32>} : memref<128xf32, #tpu.memory_space<vmem>>, vector<16xf32>,
    %broadcast_in_dim3A_103 = arith.constant 1.000000e+00 : f32
    %broadcast_in_dim3A_104 = vector.broadcast %broadcast_in_dim3A_103 : f32 to vector<16xf32>
    %swap3A_105 = arith.constant 96 : index
    %swap3A_106 = tpu.vector_load %arg5[%swap3A_105] {strides = array<i32>} : memref<128xf32, #tpu.memory_space<vmem>>, vector<16xf32>,
    %swap3A_107 = vector.shape_cast %swap3A_106 : vector<16xf32> to vector<16xf32>
    %swap3A_108 = vector.shape_cast %broadcast_in_dim3A_104 : vector<16xf32> to vector<16xf32>
    tpu.vector_store %arg5[%swap3A_105], %swap3A_108 {strides = array<i32>} : memref<128xf32, #tpu.memory_space<vmem>>, vector<16xf32>,
    %broadcast_in_dim3A_109 = arith.constant 1.000000e+00 : f32
    %broadcast_in_dim3A_110 = vector.broadcast %broadcast_in_dim3A_109 : f32 to vector<16xf32>
    %swap3A_111 = arith.constant 112 : index
    %swap3A_112 = tpu.vector_load %arg5[%swap3A_111] {strides = array<i32>} : memref<128xf32, #tpu.memory_space<vmem>>, vector<16xf32>,
    %swap3A_113 = vector.shape_cast %swap3A_112 : vector<16xf32> to vector<16xf32>
    %swap3A_114 = vector.shape_cast %broadcast_in_dim3A_110 : vector<16xf32> to vector<16xf32>
    tpu.vector_store %arg5[%swap3A_111], %swap3A_114 {strides = array<i32>} : memref<128xf32, #tpu.memory_space<vmem>>, vector<16xf32>,
    %barrier3A = arith.constant 0 : index
    tpu.barrier barrier_id(%barrier3A)
    %run_scoped3A = arith.constant 0 : i32
    "tpu.region"() ({
      %run_scoped3A_128 = tpu.sem_alloc : memref<!tpu.dma_semaphore, #tpu.memory_space<semaphore_mem>>
      %dma_start3A = arith.constant 0 : i32
      %dma_start3A_129 = arith.constant 0 : i32
      %dma_start3A_130 = tpu.memref_slice %arg2[%add3A, %run_scoped3A, %dma_start3A, %dma_start3A_129] : memref<32x1x80x128xi32, #tpu.memory_space<hbm>> -> memref<1x1x80x128xi32, #tpu.memory_space<hbm>>
      %dma_start3A_131 = tpu.memref_squeeze %dma_start3A_130 : memref<1x1x80x128xi32, #tpu.memory_space<hbm>> -> memref<80x128xi32, #tpu.memory_space<hbm>>
      %dma_start3A_132 = arith.constant 0 : i32
      %dma_start3A_133 = arith.constant 0 : i32
      %dma_start3A_134 = tpu.memref_slice %arg2[%add3A, %run_scoped3A, %dma_start3A_132, %dma_start3A_133] : memref<32x1x80x128xi32, #tpu.memory_space<hbm>> -> memref<1x1x80x128xi32, #tpu.memory_space<hbm>>
      %dma_start3A_135 = tpu.memref_squeeze %dma_start3A_134 : memref<1x1x80x128xi32, #tpu.memory_space<hbm>> -> memref<80x128xi32, #tpu.memory_space<hbm>>
      tpu.enqueue_dma source(%dma_start3A_135 : memref<80x128xi32, #tpu.memory_space<hbm>>) target(%arg4 : memref<80x128xi32, #tpu.memory_space<vmem>>) target_semaphore(%run_scoped3A_128 : memref<!tpu.dma_semaphore, #tpu.memory_space<semaphore_mem>>)
      %dma_wait3A = arith.constant 0 : i32
      %dma_wait3A_136 = arith.constant 0 : i32
      %dma_wait3A_137 = tpu.memref_slice %arg2[%add3A, %run_scoped3A, %dma_wait3A, %dma_wait3A_136] : memref<32x1x80x128xi32, #tpu.memory_space<hbm>> -> memref<1x1x80x128xi32, #tpu.memory_space<hbm>>
      %dma_wait3A_138 = tpu.memref_squeeze %dma_wait3A_137 : memref<1x1x80x128xi32, #tpu.memory_space<hbm>> -> memref<80x128xi32, #tpu.memory_space<hbm>>
      %dma_wait3A_139 = arith.constant 0 : i32
      %dma_wait3A_140 = arith.constant 0 : i32
      %dma_wait3A_141 = tpu.memref_slice %arg2[%add3A, %run_scoped3A, %dma_wait3A_139, %dma_wait3A_140] : memref<32x1x80x128xi32, #tpu.memory_space<hbm>> -> memref<1x1x80x128xi32, #tpu.memory_space<hbm>>
      %dma_wait3A_142 = tpu.memref_squeeze %dma_wait3A_141 : memref<1x1x80x128xi32, #tpu.memory_space<hbm>> -> memref<80x128xi32, #tpu.memory_space<hbm>>
      tpu.wait_dma2 semaphore(%run_scoped3A_128 : memref<!tpu.dma_semaphore, #tpu.memory_space<semaphore_mem>>) src(%dma_wait3A_142 : memref<80x128xi32, #tpu.memory_space<hbm>>) dst(%arg4 : memref<80x128xi32, #tpu.memory_space<vmem>>)
      tpu.yield
    }) : () -> ()
    %scan3A = arith.constant 0 : i32
    %scan3A_115 = arith.constant 0 : i32
    %scan3A_116 = arith.constant 80 : i32
    %scan3A_117 = arith.addi %scan3A_115, %scan3A_116 : i32
    %scan3A_118 = arith.constant 1 : i32
    scf.for %scan3A_128 = %scan3A_115 to %scan3A_117 step %scan3A_118  : i32 {
      "tpu.region"() ({
        %run_scoped3A_129 = tpu.sem_alloc : memref<!tpu.dma_semaphore, #tpu.memory_space<semaphore_mem>>
        %dma_start3A = arith.constant 0 : i32
        %dma_start3A_130 = tpu.memref_slice %arg4[%scan3A_128, %dma_start3A] : memref<80x128xi32, #tpu.memory_space<vmem>> -> memref<1x128xi32, #tpu.memory_space<vmem>>
        %dma_start3A_131 = tpu.memref_squeeze %dma_start3A_130 : memref<1x128xi32, #tpu.memory_space<vmem>> -> memref<128xi32, #tpu.memory_space<vmem>>
        %dma_start3A_132 = arith.constant 0 : i32
        %dma_start3A_133 = tpu.memref_slice %arg6[%dma_start3A_132] : memref<10240xf32, #tpu.memory_space<vmem_shared>> -> memref<10240xf32, #tpu.memory_space<vmem_shared>>
        tpu.enqueue_indirect_dma source(%arg5 : memref<128xf32, #tpu.memory_space<vmem>>) target(%dma_start3A_133 : memref<10240xf32, #tpu.memory_space<vmem_shared>>) offsets(%dma_start3A_131 : memref<128xi32, #tpu.memory_space<vmem>>) semaphore(%run_scoped3A_129 : memref<!tpu.dma_semaphore, #tpu.memory_space<semaphore_mem>>) {add = true}
        %dma_wait3A = arith.constant 0 : i32
        %dma_wait3A_134 = tpu.memref_slice %arg4[%scan3A_128, %dma_wait3A] : memref<80x128xi32, #tpu.memory_space<vmem>> -> memref<1x128xi32, #tpu.memory_space<vmem>>
        %dma_wait3A_135 = tpu.memref_squeeze %dma_wait3A_134 : memref<1x128xi32, #tpu.memory_space<vmem>> -> memref<128xi32, #tpu.memory_space<vmem>>
        %dma_wait3A_136 = arith.constant 0 : i32
        %dma_wait3A_137 = tpu.memref_slice %arg6[%dma_wait3A_136] : memref<10240xf32, #tpu.memory_space<vmem_shared>> -> memref<10240xf32, #tpu.memory_space<vmem_shared>>
        tpu.wait_indirect_dma semaphore(%run_scoped3A_129 : memref<!tpu.dma_semaphore, #tpu.memory_space<semaphore_mem>>) src(%arg5 : memref<128xf32, #tpu.memory_space<vmem>>) dst(%dma_wait3A_137 : memref<10240xf32, #tpu.memory_space<vmem_shared>>)
        tpu.yield
      }) : () -> ()
    }
    %scan3A_119 = arith.constant 80 : i32
    %barrier3A_120 = arith.constant 0 : index
    tpu.barrier barrier_id(%barrier3A_120)
    %mul3A_121 = arith.constant 640 : i32
    %mul3A_122 = arith.muli %arg1, %mul3A_121 : i32
    %mul3A_123 = arith.constant 10240 : i32
    %mul3A_124 = arith.muli %arg0, %mul3A_123 : i32
    %mul3A_125 = arith.constant 640 : i32
    %mul3A_126 = arith.muli %arg1, %mul3A_125 : i32
    %add3A_127 = arith.addi %mul3A_124, %mul3A_126 : i32
    "tpu.region"() ({
      %run_scoped3A_128 = tpu.sem_alloc : memref<!tpu.dma_semaphore, #tpu.memory_space<semaphore_mem>>
      %dma_start3A = tpu.memref_slice %arg3[%add3A_127] : memref<20480xf32, #tpu.memory_space<hbm>> -> memref<640xf32, #tpu.memory_space<hbm>>
      %dma_start3A_129 = tpu.memref_slice %arg6[%mul3A_122] : memref<10240xf32, #tpu.memory_space<vmem_shared>> -> memref<640xf32, #tpu.memory_space<vmem_shared>>
      tpu.enqueue_dma source(%dma_start3A_129 : memref<640xf32, #tpu.memory_space<vmem_shared>>) target(%dma_start3A : memref<640xf32, #tpu.memory_space<hbm>>) target_semaphore(%run_scoped3A_128 : memref<!tpu.dma_semaphore, #tpu.memory_space<semaphore_mem>>)
      %dma_wait3A = tpu.memref_slice %arg3[%add3A_127] : memref<20480xf32, #tpu.memory_space<hbm>> -> memref<640xf32, #tpu.memory_space<hbm>>
      %dma_wait3A_130 = tpu.memref_slice %arg6[%mul3A_122] : memref<10240xf32, #tpu.memory_space<vmem_shared>> -> memref<640xf32, #tpu.memory_space<vmem_shared>>
      tpu.wait_dma2 semaphore(%run_scoped3A_128 : memref<!tpu.dma_semaphore, #tpu.memory_space<semaphore_mem>>) src(%dma_wait3A_130 : memref<640xf32, #tpu.memory_space<vmem_shared>>) dst(%dma_wait3A : memref<640xf32, #tpu.memory_space<hbm>>)
      tpu.yield
    }) : () -> ()
    return
  }
}

#map = affine_map<(d0, d1) -> (0, 0, 0, 0)>
#map1 = affine_map<(d0, d1) -> (0, 0)>
#map2 = affine_map<(d0, d1) -> (0, 0, 0)>
module attributes {stable_mosaic.version = 14 : i64} {
  func.func @sc_scatter(%arg0: i32, %arg1: i32, %arg2: memref<32x1x80x128xi32, #tpu.memory_space<hbm>>, %arg3: memref<32x1x80x128xi32, #tpu.memory_space<hbm>>, %arg4: memref<10000x128xf32, #tpu.memory_space<hbm>>, %arg5: memref<2x10240x128xf32, #tpu.memory_space<hbm>>, %arg6: memref<80x128xi32, #tpu.memory_space<vmem>>, %arg7: memref<80x128xi32, #tpu.memory_space<vmem>>, %arg8: memref<128x128xf32, #tpu.memory_space<vmem>>, %arg9: memref<10240x128xf32, #tpu.memory_space<vmem_shared>>, %arg10: memref<!tpu.dma_semaphore, #tpu.memory_space<semaphore_mem>>) attributes {dimension_semantics = [#tpu.dimension_semantics<core_parallel>, #tpu.dimension_semantics<subcore_parallel>], iteration_bounds = array<i64: 2, 16>, scalar_prefetch = 0 : i64, scratch_operands = 5 : i64, tpu.core_type = #tpu.core_type<sc_vector_subcore>, window_params = [{transform_indices = #map}, {transform_indices = #map}, {transform_indices = #map1}, {transform_indices = #map2}]} {
    %mul3A = arith.constant 16 : i32
    %mul3A_0 = arith.muli %arg0, %mul3A : i32
    %add3A = arith.addi %mul3A_0, %arg1 : i32
    %scan3A = arith.constant 0 : i32
    %scan3A_1 = arith.constant 0 : i32
    %scan3A_2 = arith.constant 128 : i32
    %scan3A_3 = arith.addi %scan3A_1, %scan3A_2 : i32
    %scan3A_4 = arith.constant 1 : i32
    scf.for %scan3A_38 = %scan3A_1 to %scan3A_3 step %scan3A_4  : i32 {
      %broadcast_in_dim3A = arith.constant 0.000000e+00 : f32
      %broadcast_in_dim3A_39 = vector.broadcast %broadcast_in_dim3A : f32 to vector<16xf32>
      %swap3A = arith.index_cast %scan3A_38 : i32 to index
      %swap3A_40 = arith.constant 0 : index
      %swap3A_41 = tpu.vector_load %arg8[%swap3A, %swap3A_40] {strides = array<i32>} : memref<128x128xf32, #tpu.memory_space<vmem>>, vector<1x16xf32>,
      %swap3A_42 = vector.shape_cast %swap3A_41 : vector<1x16xf32> to vector<16xf32>
      %swap3A_43 = vector.shape_cast %broadcast_in_dim3A_39 : vector<16xf32> to vector<1x16xf32>
      tpu.vector_store %arg8[%swap3A, %swap3A_40], %swap3A_43 {strides = array<i32>} : memref<128x128xf32, #tpu.memory_space<vmem>>, vector<1x16xf32>,
      %broadcast_in_dim3A_44 = arith.constant 0.000000e+00 : f32
      %broadcast_in_dim3A_45 = vector.broadcast %broadcast_in_dim3A_44 : f32 to vector<16xf32>
      %swap3A_46 = arith.index_cast %scan3A_38 : i32 to index
      %swap3A_47 = arith.constant 16 : index
      %swap3A_48 = tpu.vector_load %arg8[%swap3A_46, %swap3A_47] {strides = array<i32>} : memref<128x128xf32, #tpu.memory_space<vmem>>, vector<1x16xf32>,
      %swap3A_49 = vector.shape_cast %swap3A_48 : vector<1x16xf32> to vector<16xf32>
      %swap3A_50 = vector.shape_cast %broadcast_in_dim3A_45 : vector<16xf32> to vector<1x16xf32>
      tpu.vector_store %arg8[%swap3A_46, %swap3A_47], %swap3A_50 {strides = array<i32>} : memref<128x128xf32, #tpu.memory_space<vmem>>, vector<1x16xf32>,
      %broadcast_in_dim3A_51 = arith.constant 0.000000e+00 : f32
      %broadcast_in_dim3A_52 = vector.broadcast %broadcast_in_dim3A_51 : f32 to vector<16xf32>
      %swap3A_53 = arith.index_cast %scan3A_38 : i32 to index
      %swap3A_54 = arith.constant 32 : index
      %swap3A_55 = tpu.vector_load %arg8[%swap3A_53, %swap3A_54] {strides = array<i32>} : memref<128x128xf32, #tpu.memory_space<vmem>>, vector<1x16xf32>,
      %swap3A_56 = vector.shape_cast %swap3A_55 : vector<1x16xf32> to vector<16xf32>
      %swap3A_57 = vector.shape_cast %broadcast_in_dim3A_52 : vector<16xf32> to vector<1x16xf32>
      tpu.vector_store %arg8[%swap3A_53, %swap3A_54], %swap3A_57 {strides = array<i32>} : memref<128x128xf32, #tpu.memory_space<vmem>>, vector<1x16xf32>,
      %broadcast_in_dim3A_58 = arith.constant 0.000000e+00 : f32
      %broadcast_in_dim3A_59 = vector.broadcast %broadcast_in_dim3A_58 : f32 to vector<16xf32>
      %swap3A_60 = arith.index_cast %scan3A_38 : i32 to index
      %swap3A_61 = arith.constant 48 : index
      %swap3A_62 = tpu.vector_load %arg8[%swap3A_60, %swap3A_61] {strides = array<i32>} : memref<128x128xf32, #tpu.memory_space<vmem>>, vector<1x16xf32>,
      %swap3A_63 = vector.shape_cast %swap3A_62 : vector<1x16xf32> to vector<16xf32>
      %swap3A_64 = vector.shape_cast %broadcast_in_dim3A_59 : vector<16xf32> to vector<1x16xf32>
      tpu.vector_store %arg8[%swap3A_60, %swap3A_61], %swap3A_64 {strides = array<i32>} : memref<128x128xf32, #tpu.memory_space<vmem>>, vector<1x16xf32>,
      %broadcast_in_dim3A_65 = arith.constant 0.000000e+00 : f32
      %broadcast_in_dim3A_66 = vector.broadcast %broadcast_in_dim3A_65 : f32 to vector<16xf32>
      %swap3A_67 = arith.index_cast %scan3A_38 : i32 to index
      %swap3A_68 = arith.constant 64 : index
      %swap3A_69 = tpu.vector_load %arg8[%swap3A_67, %swap3A_68] {strides = array<i32>} : memref<128x128xf32, #tpu.memory_space<vmem>>, vector<1x16xf32>,
      %swap3A_70 = vector.shape_cast %swap3A_69 : vector<1x16xf32> to vector<16xf32>
      %swap3A_71 = vector.shape_cast %broadcast_in_dim3A_66 : vector<16xf32> to vector<1x16xf32>
      tpu.vector_store %arg8[%swap3A_67, %swap3A_68], %swap3A_71 {strides = array<i32>} : memref<128x128xf32, #tpu.memory_space<vmem>>, vector<1x16xf32>,
      %broadcast_in_dim3A_72 = arith.constant 0.000000e+00 : f32
      %broadcast_in_dim3A_73 = vector.broadcast %broadcast_in_dim3A_72 : f32 to vector<16xf32>
      %swap3A_74 = arith.index_cast %scan3A_38 : i32 to index
      %swap3A_75 = arith.constant 80 : index
      %swap3A_76 = tpu.vector_load %arg8[%swap3A_74, %swap3A_75] {strides = array<i32>} : memref<128x128xf32, #tpu.memory_space<vmem>>, vector<1x16xf32>,
      %swap3A_77 = vector.shape_cast %swap3A_76 : vector<1x16xf32> to vector<16xf32>
      %swap3A_78 = vector.shape_cast %broadcast_in_dim3A_73 : vector<16xf32> to vector<1x16xf32>
      tpu.vector_store %arg8[%swap3A_74, %swap3A_75], %swap3A_78 {strides = array<i32>} : memref<128x128xf32, #tpu.memory_space<vmem>>, vector<1x16xf32>,
      %broadcast_in_dim3A_79 = arith.constant 0.000000e+00 : f32
      %broadcast_in_dim3A_80 = vector.broadcast %broadcast_in_dim3A_79 : f32 to vector<16xf32>
      %swap3A_81 = arith.index_cast %scan3A_38 : i32 to index
      %swap3A_82 = arith.constant 96 : index
      %swap3A_83 = tpu.vector_load %arg8[%swap3A_81, %swap3A_82] {strides = array<i32>} : memref<128x128xf32, #tpu.memory_space<vmem>>, vector<1x16xf32>,
      %swap3A_84 = vector.shape_cast %swap3A_83 : vector<1x16xf32> to vector<16xf32>
      %swap3A_85 = vector.shape_cast %broadcast_in_dim3A_80 : vector<16xf32> to vector<1x16xf32>
      tpu.vector_store %arg8[%swap3A_81, %swap3A_82], %swap3A_85 {strides = array<i32>} : memref<128x128xf32, #tpu.memory_space<vmem>>, vector<1x16xf32>,
      %broadcast_in_dim3A_86 = arith.constant 0.000000e+00 : f32
      %broadcast_in_dim3A_87 = vector.broadcast %broadcast_in_dim3A_86 : f32 to vector<16xf32>
      %swap3A_88 = arith.index_cast %scan3A_38 : i32 to index
      %swap3A_89 = arith.constant 112 : index
      %swap3A_90 = tpu.vector_load %arg8[%swap3A_88, %swap3A_89] {strides = array<i32>} : memref<128x128xf32, #tpu.memory_space<vmem>>, vector<1x16xf32>,
      %swap3A_91 = vector.shape_cast %swap3A_90 : vector<1x16xf32> to vector<16xf32>
      %swap3A_92 = vector.shape_cast %broadcast_in_dim3A_87 : vector<16xf32> to vector<1x16xf32>
      tpu.vector_store %arg8[%swap3A_88, %swap3A_89], %swap3A_92 {strides = array<i32>} : memref<128x128xf32, #tpu.memory_space<vmem>>, vector<1x16xf32>,
    }
    %scan3A_5 = arith.constant 128 : i32
    %mul3A_6 = arith.constant 640 : i32
    %mul3A_7 = arith.muli %arg1, %mul3A_6 : i32
    %add3A_8 = arith.constant 0 : i32
    %add3A_9 = arith.addi %mul3A_7, %add3A_8 : i32
    "tpu.region"() ({
      %run_scoped3A_38 = tpu.sem_alloc : memref<!tpu.dma_semaphore, #tpu.memory_space<semaphore_mem>>
      %dma_start3A = arith.constant 0 : i32
      %dma_start3A_39 = tpu.memref_slice %arg9[%add3A_9, %dma_start3A] : memref<10240x128xf32, #tpu.memory_space<vmem_shared>> -> memref<128x128xf32, #tpu.memory_space<vmem_shared>>
      %dma_start3A_40 = arith.constant 0 : i32
      %dma_start3A_41 = tpu.memref_slice %arg9[%add3A_9, %dma_start3A_40] : memref<10240x128xf32, #tpu.memory_space<vmem_shared>> -> memref<128x128xf32, #tpu.memory_space<vmem_shared>>
      tpu.enqueue_dma source(%arg8 : memref<128x128xf32, #tpu.memory_space<vmem>>) target(%dma_start3A_41 : memref<128x128xf32, #tpu.memory_space<vmem_shared>>) target_semaphore(%run_scoped3A_38 : memref<!tpu.dma_semaphore, #tpu.memory_space<semaphore_mem>>)
      %dma_wait3A = arith.constant 0 : i32
      %dma_wait3A_42 = tpu.memref_slice %arg9[%add3A_9, %dma_wait3A] : memref<10240x128xf32, #tpu.memory_space<vmem_shared>> -> memref<128x128xf32, #tpu.memory_space<vmem_shared>>
      %dma_wait3A_43 = arith.constant 0 : i32
      %dma_wait3A_44 = tpu.memref_slice %arg9[%add3A_9, %dma_wait3A_43] : memref<10240x128xf32, #tpu.memory_space<vmem_shared>> -> memref<128x128xf32, #tpu.memory_space<vmem_shared>>
      tpu.wait_dma2 semaphore(%run_scoped3A_38 : memref<!tpu.dma_semaphore, #tpu.memory_space<semaphore_mem>>) src(%arg8 : memref<128x128xf32, #tpu.memory_space<vmem>>) dst(%dma_wait3A_44 : memref<128x128xf32, #tpu.memory_space<vmem_shared>>)
      tpu.yield
    }) : () -> ()
    %mul3A_10 = arith.constant 640 : i32
    %mul3A_11 = arith.muli %arg1, %mul3A_10 : i32
    %add3A_12 = arith.constant 128 : i32
    %add3A_13 = arith.addi %mul3A_11, %add3A_12 : i32
    "tpu.region"() ({
      %run_scoped3A_38 = tpu.sem_alloc : memref<!tpu.dma_semaphore, #tpu.memory_space<semaphore_mem>>
      %dma_start3A = arith.constant 0 : i32
      %dma_start3A_39 = tpu.memref_slice %arg9[%add3A_13, %dma_start3A] : memref<10240x128xf32, #tpu.memory_space<vmem_shared>> -> memref<128x128xf32, #tpu.memory_space<vmem_shared>>
      %dma_start3A_40 = arith.constant 0 : i32
      %dma_start3A_41 = tpu.memref_slice %arg9[%add3A_13, %dma_start3A_40] : memref<10240x128xf32, #tpu.memory_space<vmem_shared>> -> memref<128x128xf32, #tpu.memory_space<vmem_shared>>
      tpu.enqueue_dma source(%arg8 : memref<128x128xf32, #tpu.memory_space<vmem>>) target(%dma_start3A_41 : memref<128x128xf32, #tpu.memory_space<vmem_shared>>) target_semaphore(%run_scoped3A_38 : memref<!tpu.dma_semaphore, #tpu.memory_space<semaphore_mem>>)
      %dma_wait3A = arith.constant 0 : i32
      %dma_wait3A_42 = tpu.memref_slice %arg9[%add3A_13, %dma_wait3A] : memref<10240x128xf32, #tpu.memory_space<vmem_shared>> -> memref<128x128xf32, #tpu.memory_space<vmem_shared>>
      %dma_wait3A_43 = arith.constant 0 : i32
      %dma_wait3A_44 = tpu.memref_slice %arg9[%add3A_13, %dma_wait3A_43] : memref<10240x128xf32, #tpu.memory_space<vmem_shared>> -> memref<128x128xf32, #tpu.memory_space<vmem_shared>>
      tpu.wait_dma2 semaphore(%run_scoped3A_38 : memref<!tpu.dma_semaphore, #tpu.memory_space<semaphore_mem>>) src(%arg8 : memref<128x128xf32, #tpu.memory_space<vmem>>) dst(%dma_wait3A_44 : memref<128x128xf32, #tpu.memory_space<vmem_shared>>)
      tpu.yield
    }) : () -> ()
    %mul3A_14 = arith.constant 640 : i32
    %mul3A_15 = arith.muli %arg1, %mul3A_14 : i32
    %add3A_16 = arith.constant 256 : i32
    %add3A_17 = arith.addi %mul3A_15, %add3A_16 : i32
    "tpu.region"() ({
      %run_scoped3A_38 = tpu.sem_alloc : memref<!tpu.dma_semaphore, #tpu.memory_space<semaphore_mem>>
      %dma_start3A = arith.constant 0 : i32
      %dma_start3A_39 = tpu.memref_slice %arg9[%add3A_17, %dma_start3A] : memref<10240x128xf32, #tpu.memory_space<vmem_shared>> -> memref<128x128xf32, #tpu.memory_space<vmem_shared>>
      %dma_start3A_40 = arith.constant 0 : i32
      %dma_start3A_41 = tpu.memref_slice %arg9[%add3A_17, %dma_start3A_40] : memref<10240x128xf32, #tpu.memory_space<vmem_shared>> -> memref<128x128xf32, #tpu.memory_space<vmem_shared>>
      tpu.enqueue_dma source(%arg8 : memref<128x128xf32, #tpu.memory_space<vmem>>) target(%dma_start3A_41 : memref<128x128xf32, #tpu.memory_space<vmem_shared>>) target_semaphore(%run_scoped3A_38 : memref<!tpu.dma_semaphore, #tpu.memory_space<semaphore_mem>>)
      %dma_wait3A = arith.constant 0 : i32
      %dma_wait3A_42 = tpu.memref_slice %arg9[%add3A_17, %dma_wait3A] : memref<10240x128xf32, #tpu.memory_space<vmem_shared>> -> memref<128x128xf32, #tpu.memory_space<vmem_shared>>
      %dma_wait3A_43 = arith.constant 0 : i32
      %dma_wait3A_44 = tpu.memref_slice %arg9[%add3A_17, %dma_wait3A_43] : memref<10240x128xf32, #tpu.memory_space<vmem_shared>> -> memref<128x128xf32, #tpu.memory_space<vmem_shared>>
      tpu.wait_dma2 semaphore(%run_scoped3A_38 : memref<!tpu.dma_semaphore, #tpu.memory_space<semaphore_mem>>) src(%arg8 : memref<128x128xf32, #tpu.memory_space<vmem>>) dst(%dma_wait3A_44 : memref<128x128xf32, #tpu.memory_space<vmem_shared>>)
      tpu.yield
    }) : () -> ()
    %mul3A_18 = arith.constant 640 : i32
    %mul3A_19 = arith.muli %arg1, %mul3A_18 : i32
    %add3A_20 = arith.constant 384 : i32
    %add3A_21 = arith.addi %mul3A_19, %add3A_20 : i32
    "tpu.region"() ({
      %run_scoped3A_38 = tpu.sem_alloc : memref<!tpu.dma_semaphore, #tpu.memory_space<semaphore_mem>>
      %dma_start3A = arith.constant 0 : i32
      %dma_start3A_39 = tpu.memref_slice %arg9[%add3A_21, %dma_start3A] : memref<10240x128xf32, #tpu.memory_space<vmem_shared>> -> memref<128x128xf32, #tpu.memory_space<vmem_shared>>
      %dma_start3A_40 = arith.constant 0 : i32
      %dma_start3A_41 = tpu.memref_slice %arg9[%add3A_21, %dma_start3A_40] : memref<10240x128xf32, #tpu.memory_space<vmem_shared>> -> memref<128x128xf32, #tpu.memory_space<vmem_shared>>
      tpu.enqueue_dma source(%arg8 : memref<128x128xf32, #tpu.memory_space<vmem>>) target(%dma_start3A_41 : memref<128x128xf32, #tpu.memory_space<vmem_shared>>) target_semaphore(%run_scoped3A_38 : memref<!tpu.dma_semaphore, #tpu.memory_space<semaphore_mem>>)
      %dma_wait3A = arith.constant 0 : i32
      %dma_wait3A_42 = tpu.memref_slice %arg9[%add3A_21, %dma_wait3A] : memref<10240x128xf32, #tpu.memory_space<vmem_shared>> -> memref<128x128xf32, #tpu.memory_space<vmem_shared>>
      %dma_wait3A_43 = arith.constant 0 : i32
      %dma_wait3A_44 = tpu.memref_slice %arg9[%add3A_21, %dma_wait3A_43] : memref<10240x128xf32, #tpu.memory_space<vmem_shared>> -> memref<128x128xf32, #tpu.memory_space<vmem_shared>>
      tpu.wait_dma2 semaphore(%run_scoped3A_38 : memref<!tpu.dma_semaphore, #tpu.memory_space<semaphore_mem>>) src(%arg8 : memref<128x128xf32, #tpu.memory_space<vmem>>) dst(%dma_wait3A_44 : memref<128x128xf32, #tpu.memory_space<vmem_shared>>)
      tpu.yield
    }) : () -> ()
    %mul3A_22 = arith.constant 640 : i32
    %mul3A_23 = arith.muli %arg1, %mul3A_22 : i32
    %add3A_24 = arith.constant 512 : i32
    %add3A_25 = arith.addi %mul3A_23, %add3A_24 : i32
    "tpu.region"() ({
      %run_scoped3A_38 = tpu.sem_alloc : memref<!tpu.dma_semaphore, #tpu.memory_space<semaphore_mem>>
      %dma_start3A = arith.constant 0 : i32
      %dma_start3A_39 = tpu.memref_slice %arg9[%add3A_25, %dma_start3A] : memref<10240x128xf32, #tpu.memory_space<vmem_shared>> -> memref<128x128xf32, #tpu.memory_space<vmem_shared>>
      %dma_start3A_40 = arith.constant 0 : i32
      %dma_start3A_41 = tpu.memref_slice %arg9[%add3A_25, %dma_start3A_40] : memref<10240x128xf32, #tpu.memory_space<vmem_shared>> -> memref<128x128xf32, #tpu.memory_space<vmem_shared>>
      tpu.enqueue_dma source(%arg8 : memref<128x128xf32, #tpu.memory_space<vmem>>) target(%dma_start3A_41 : memref<128x128xf32, #tpu.memory_space<vmem_shared>>) target_semaphore(%run_scoped3A_38 : memref<!tpu.dma_semaphore, #tpu.memory_space<semaphore_mem>>)
      %dma_wait3A = arith.constant 0 : i32
      %dma_wait3A_42 = tpu.memref_slice %arg9[%add3A_25, %dma_wait3A] : memref<10240x128xf32, #tpu.memory_space<vmem_shared>> -> memref<128x128xf32, #tpu.memory_space<vmem_shared>>
      %dma_wait3A_43 = arith.constant 0 : i32
      %dma_wait3A_44 = tpu.memref_slice %arg9[%add3A_25, %dma_wait3A_43] : memref<10240x128xf32, #tpu.memory_space<vmem_shared>> -> memref<128x128xf32, #tpu.memory_space<vmem_shared>>
      tpu.wait_dma2 semaphore(%run_scoped3A_38 : memref<!tpu.dma_semaphore, #tpu.memory_space<semaphore_mem>>) src(%arg8 : memref<128x128xf32, #tpu.memory_space<vmem>>) dst(%dma_wait3A_44 : memref<128x128xf32, #tpu.memory_space<vmem_shared>>)
      tpu.yield
    }) : () -> ()
    %barrier3A = arith.constant 0 : index
    tpu.barrier barrier_id(%barrier3A)
    %run_scoped3A = arith.constant 0 : i32
    "tpu.region"() ({
      %run_scoped3A_38 = tpu.sem_alloc : memref<!tpu.dma_semaphore, #tpu.memory_space<semaphore_mem>>
      %dma_start3A = arith.constant 0 : i32
      %dma_start3A_39 = arith.constant 0 : i32
      %dma_start3A_40 = tpu.memref_slice %arg2[%add3A, %run_scoped3A, %dma_start3A, %dma_start3A_39] : memref<32x1x80x128xi32, #tpu.memory_space<hbm>> -> memref<1x1x80x128xi32, #tpu.memory_space<hbm>>
      %dma_start3A_41 = tpu.memref_squeeze %dma_start3A_40 : memref<1x1x80x128xi32, #tpu.memory_space<hbm>> -> memref<80x128xi32, #tpu.memory_space<hbm>>
      %dma_start3A_42 = arith.constant 0 : i32
      %dma_start3A_43 = arith.constant 0 : i32
      %dma_start3A_44 = tpu.memref_slice %arg2[%add3A, %run_scoped3A, %dma_start3A_42, %dma_start3A_43] : memref<32x1x80x128xi32, #tpu.memory_space<hbm>> -> memref<1x1x80x128xi32, #tpu.memory_space<hbm>>
      %dma_start3A_45 = tpu.memref_squeeze %dma_start3A_44 : memref<1x1x80x128xi32, #tpu.memory_space<hbm>> -> memref<80x128xi32, #tpu.memory_space<hbm>>
      tpu.enqueue_dma source(%dma_start3A_45 : memref<80x128xi32, #tpu.memory_space<hbm>>) target(%arg6 : memref<80x128xi32, #tpu.memory_space<vmem>>) target_semaphore(%run_scoped3A_38 : memref<!tpu.dma_semaphore, #tpu.memory_space<semaphore_mem>>)
      %dma_wait3A = arith.constant 0 : i32
      %dma_wait3A_46 = arith.constant 0 : i32
      %dma_wait3A_47 = tpu.memref_slice %arg2[%add3A, %run_scoped3A, %dma_wait3A, %dma_wait3A_46] : memref<32x1x80x128xi32, #tpu.memory_space<hbm>> -> memref<1x1x80x128xi32, #tpu.memory_space<hbm>>
      %dma_wait3A_48 = tpu.memref_squeeze %dma_wait3A_47 : memref<1x1x80x128xi32, #tpu.memory_space<hbm>> -> memref<80x128xi32, #tpu.memory_space<hbm>>
      %dma_wait3A_49 = arith.constant 0 : i32
      %dma_wait3A_50 = arith.constant 0 : i32
      %dma_wait3A_51 = tpu.memref_slice %arg2[%add3A, %run_scoped3A, %dma_wait3A_49, %dma_wait3A_50] : memref<32x1x80x128xi32, #tpu.memory_space<hbm>> -> memref<1x1x80x128xi32, #tpu.memory_space<hbm>>
      %dma_wait3A_52 = tpu.memref_squeeze %dma_wait3A_51 : memref<1x1x80x128xi32, #tpu.memory_space<hbm>> -> memref<80x128xi32, #tpu.memory_space<hbm>>
      tpu.wait_dma2 semaphore(%run_scoped3A_38 : memref<!tpu.dma_semaphore, #tpu.memory_space<semaphore_mem>>) src(%dma_wait3A_52 : memref<80x128xi32, #tpu.memory_space<hbm>>) dst(%arg6 : memref<80x128xi32, #tpu.memory_space<vmem>>)
      tpu.yield
    }) : () -> ()
    %run_scoped3A_26 = arith.constant 0 : i32
    "tpu.region"() ({
      %run_scoped3A_38 = tpu.sem_alloc : memref<!tpu.dma_semaphore, #tpu.memory_space<semaphore_mem>>
      %dma_start3A = arith.constant 0 : i32
      %dma_start3A_39 = arith.constant 0 : i32
      %dma_start3A_40 = tpu.memref_slice %arg3[%add3A, %run_scoped3A_26, %dma_start3A, %dma_start3A_39] : memref<32x1x80x128xi32, #tpu.memory_space<hbm>> -> memref<1x1x80x128xi32, #tpu.memory_space<hbm>>
      %dma_start3A_41 = tpu.memref_squeeze %dma_start3A_40 : memref<1x1x80x128xi32, #tpu.memory_space<hbm>> -> memref<80x128xi32, #tpu.memory_space<hbm>>
      %dma_start3A_42 = arith.constant 0 : i32
      %dma_start3A_43 = arith.constant 0 : i32
      %dma_start3A_44 = tpu.memref_slice %arg3[%add3A, %run_scoped3A_26, %dma_start3A_42, %dma_start3A_43] : memref<32x1x80x128xi32, #tpu.memory_space<hbm>> -> memref<1x1x80x128xi32, #tpu.memory_space<hbm>>
      %dma_start3A_45 = tpu.memref_squeeze %dma_start3A_44 : memref<1x1x80x128xi32, #tpu.memory_space<hbm>> -> memref<80x128xi32, #tpu.memory_space<hbm>>
      tpu.enqueue_dma source(%dma_start3A_45 : memref<80x128xi32, #tpu.memory_space<hbm>>) target(%arg7 : memref<80x128xi32, #tpu.memory_space<vmem>>) target_semaphore(%run_scoped3A_38 : memref<!tpu.dma_semaphore, #tpu.memory_space<semaphore_mem>>)
      %dma_wait3A = arith.constant 0 : i32
      %dma_wait3A_46 = arith.constant 0 : i32
      %dma_wait3A_47 = tpu.memref_slice %arg3[%add3A, %run_scoped3A_26, %dma_wait3A, %dma_wait3A_46] : memref<32x1x80x128xi32, #tpu.memory_space<hbm>> -> memref<1x1x80x128xi32, #tpu.memory_space<hbm>>
      %dma_wait3A_48 = tpu.memref_squeeze %dma_wait3A_47 : memref<1x1x80x128xi32, #tpu.memory_space<hbm>> -> memref<80x128xi32, #tpu.memory_space<hbm>>
      %dma_wait3A_49 = arith.constant 0 : i32
      %dma_wait3A_50 = arith.constant 0 : i32
      %dma_wait3A_51 = tpu.memref_slice %arg3[%add3A, %run_scoped3A_26, %dma_wait3A_49, %dma_wait3A_50] : memref<32x1x80x128xi32, #tpu.memory_space<hbm>> -> memref<1x1x80x128xi32, #tpu.memory_space<hbm>>
      %dma_wait3A_52 = tpu.memref_squeeze %dma_wait3A_51 : memref<1x1x80x128xi32, #tpu.memory_space<hbm>> -> memref<80x128xi32, #tpu.memory_space<hbm>>
      tpu.wait_dma2 semaphore(%run_scoped3A_38 : memref<!tpu.dma_semaphore, #tpu.memory_space<semaphore_mem>>) src(%dma_wait3A_52 : memref<80x128xi32, #tpu.memory_space<hbm>>) dst(%arg7 : memref<80x128xi32, #tpu.memory_space<vmem>>)
      tpu.yield
    }) : () -> ()
    %scan3A_27 = arith.constant 0 : i32
    %scan3A_28 = arith.constant 0 : i32
    %scan3A_29 = arith.constant 80 : i32
    %scan3A_30 = arith.addi %scan3A_28, %scan3A_29 : i32
    %scan3A_31 = arith.constant 1 : i32
    scf.for %scan3A_38 = %scan3A_28 to %scan3A_30 step %scan3A_31  : i32 {
      %dma_start3A = arith.constant 0 : i32
      %dma_start3A_39 = tpu.memref_slice %arg6[%scan3A_38, %dma_start3A] : memref<80x128xi32, #tpu.memory_space<vmem>> -> memref<1x128xi32, #tpu.memory_space<vmem>>
      %dma_start3A_40 = tpu.memref_squeeze %dma_start3A_39 : memref<1x128xi32, #tpu.memory_space<vmem>> -> memref<128xi32, #tpu.memory_space<vmem>>
      %dma_start3A_41 = arith.constant 0 : i32
      %dma_start3A_42 = arith.constant 0 : i32
      %dma_start3A_43 = tpu.memref_slice %arg4[%dma_start3A_41, %dma_start3A_42] : memref<10000x128xf32, #tpu.memory_space<hbm>> -> memref<10000x128xf32, #tpu.memory_space<hbm>>
      tpu.enqueue_indirect_dma source(%dma_start3A_43 : memref<10000x128xf32, #tpu.memory_space<hbm>>) target(%arg8 : memref<128x128xf32, #tpu.memory_space<vmem>>) offsets(%dma_start3A_40 : memref<128xi32, #tpu.memory_space<vmem>>) semaphore(%arg10 : memref<!tpu.dma_semaphore, #tpu.memory_space<semaphore_mem>>)
      %dma_wait3A = arith.constant 0 : i32
      %dma_wait3A_44 = tpu.memref_slice %arg6[%scan3A_38, %dma_wait3A] : memref<80x128xi32, #tpu.memory_space<vmem>> -> memref<1x128xi32, #tpu.memory_space<vmem>>
      %dma_wait3A_45 = tpu.memref_squeeze %dma_wait3A_44 : memref<1x128xi32, #tpu.memory_space<vmem>> -> memref<128xi32, #tpu.memory_space<vmem>>
      %dma_wait3A_46 = arith.constant 0 : i32
      %dma_wait3A_47 = arith.constant 0 : i32
      %dma_wait3A_48 = tpu.memref_slice %arg4[%dma_wait3A_46, %dma_wait3A_47] : memref<10000x128xf32, #tpu.memory_space<hbm>> -> memref<10000x128xf32, #tpu.memory_space<hbm>>
      tpu.wait_indirect_dma semaphore(%arg10 : memref<!tpu.dma_semaphore, #tpu.memory_space<semaphore_mem>>) src(%dma_wait3A_48 : memref<10000x128xf32, #tpu.memory_space<hbm>>) dst(%arg8 : memref<128x128xf32, #tpu.memory_space<vmem>>)
      "tpu.region"() ({
        %run_scoped3A_49 = tpu.sem_alloc : memref<!tpu.dma_semaphore, #tpu.memory_space<semaphore_mem>>
        %dma_start3A_50 = arith.constant 0 : i32
        %dma_start3A_51 = tpu.memref_slice %arg7[%scan3A_38, %dma_start3A_50] : memref<80x128xi32, #tpu.memory_space<vmem>> -> memref<1x128xi32, #tpu.memory_space<vmem>>
        %dma_start3A_52 = tpu.memref_squeeze %dma_start3A_51 : memref<1x128xi32, #tpu.memory_space<vmem>> -> memref<128xi32, #tpu.memory_space<vmem>>
        %dma_start3A_53 = arith.constant 0 : i32
        %dma_start3A_54 = arith.constant 0 : i32
        %dma_start3A_55 = tpu.memref_slice %arg9[%dma_start3A_53, %dma_start3A_54] : memref<10240x128xf32, #tpu.memory_space<vmem_shared>> -> memref<10240x128xf32, #tpu.memory_space<vmem_shared>>
        tpu.enqueue_indirect_dma source(%arg8 : memref<128x128xf32, #tpu.memory_space<vmem>>) target(%dma_start3A_55 : memref<10240x128xf32, #tpu.memory_space<vmem_shared>>) offsets(%dma_start3A_52 : memref<128xi32, #tpu.memory_space<vmem>>) semaphore(%run_scoped3A_49 : memref<!tpu.dma_semaphore, #tpu.memory_space<semaphore_mem>>) {add = true}
        %dma_wait3A_56 = arith.constant 0 : i32
        %dma_wait3A_57 = tpu.memref_slice %arg7[%scan3A_38, %dma_wait3A_56] : memref<80x128xi32, #tpu.memory_space<vmem>> -> memref<1x128xi32, #tpu.memory_space<vmem>>
        %dma_wait3A_58 = tpu.memref_squeeze %dma_wait3A_57 : memref<1x128xi32, #tpu.memory_space<vmem>> -> memref<128xi32, #tpu.memory_space<vmem>>
        %dma_wait3A_59 = arith.constant 0 : i32
        %dma_wait3A_60 = arith.constant 0 : i32
        %dma_wait3A_61 = tpu.memref_slice %arg9[%dma_wait3A_59, %dma_wait3A_60] : memref<10240x128xf32, #tpu.memory_space<vmem_shared>> -> memref<10240x128xf32, #tpu.memory_space<vmem_shared>>
        tpu.wait_indirect_dma semaphore(%run_scoped3A_49 : memref<!tpu.dma_semaphore, #tpu.memory_space<semaphore_mem>>) src(%arg8 : memref<128x128xf32, #tpu.memory_space<vmem>>) dst(%dma_wait3A_61 : memref<10240x128xf32, #tpu.memory_space<vmem_shared>>)
        tpu.yield
      }) : () -> ()
    }
    %scan3A_32 = arith.constant 80 : i32
    %barrier3A_33 = arith.constant 0 : index
    tpu.barrier barrier_id(%barrier3A_33)
    %mul3A_34 = arith.constant 640 : i32
    %mul3A_35 = arith.muli %arg1, %mul3A_34 : i32
    %mul3A_36 = arith.constant 640 : i32
    %mul3A_37 = arith.muli %arg1, %mul3A_36 : i32
    "tpu.region"() ({
      %run_scoped3A_38 = tpu.sem_alloc : memref<!tpu.dma_semaphore, #tpu.memory_space<semaphore_mem>>
      %dma_start3A = arith.constant 0 : i32
      %dma_start3A_39 = tpu.memref_slice %arg5[%arg0, %mul3A_37, %dma_start3A] : memref<2x10240x128xf32, #tpu.memory_space<hbm>> -> memref<1x640x128xf32, #tpu.memory_space<hbm>>
      %dma_start3A_40 = tpu.memref_squeeze %dma_start3A_39 : memref<1x640x128xf32, #tpu.memory_space<hbm>> -> memref<640x128xf32, #tpu.memory_space<hbm>>
      %dma_start3A_41 = arith.constant 0 : i32
      %dma_start3A_42 = tpu.memref_slice %arg9[%mul3A_35, %dma_start3A_41] : memref<10240x128xf32, #tpu.memory_space<vmem_shared>> -> memref<640x128xf32, #tpu.memory_space<vmem_shared>>
      tpu.enqueue_dma source(%dma_start3A_42 : memref<640x128xf32, #tpu.memory_space<vmem_shared>>) target(%dma_start3A_40 : memref<640x128xf32, #tpu.memory_space<hbm>>) target_semaphore(%run_scoped3A_38 : memref<!tpu.dma_semaphore, #tpu.memory_space<semaphore_mem>>)
      %dma_wait3A = arith.constant 0 : i32
      %dma_wait3A_43 = tpu.memref_slice %arg5[%arg0, %mul3A_37, %dma_wait3A] : memref<2x10240x128xf32, #tpu.memory_space<hbm>> -> memref<1x640x128xf32, #tpu.memory_space<hbm>>
      %dma_wait3A_44 = tpu.memref_squeeze %dma_wait3A_43 : memref<1x640x128xf32, #tpu.memory_space<hbm>> -> memref<640x128xf32, #tpu.memory_space<hbm>>
      %dma_wait3A_45 = arith.constant 0 : i32
      %dma_wait3A_46 = tpu.memref_slice %arg9[%mul3A_35, %dma_wait3A_45] : memref<10240x128xf32, #tpu.memory_space<vmem_shared>> -> memref<640x128xf32, #tpu.memory_space<vmem_shared>>
      tpu.wait_dma2 semaphore(%run_scoped3A_38 : memref<!tpu.dma_semaphore, #tpu.memory_space<semaphore_mem>>) src(%dma_wait3A_46 : memref<640x128xf32, #tpu.memory_space<vmem_shared>>) dst(%dma_wait3A_44 : memref<640x128xf32, #tpu.memory_space<hbm>>)
      tpu.yield
    }) : () -> ()
    return
  }
}

#map = affine_map<(d0, d1) -> (0, 0, 0, 0)>
#map1 = affine_map<(d0, d1) -> (0, 0)>
#map2 = affine_map<(d0, d1) -> (0, 0, 0)>
module attributes {stable_mosaic.version = 14 : i64} {
  func.func @sc_scatter(%arg0: i32, %arg1: i32, %arg2: memref<32x1x80x128xi32, #tpu.memory_space<hbm>>, %arg3: memref<32x1x80x128xi32, #tpu.memory_space<hbm>>, %arg4: memref<10000x128xf32, #tpu.memory_space<hbm>>, %arg5: memref<2x10240x128xf32, #tpu.memory_space<hbm>>, %arg6: memref<80x128xi32, #tpu.memory_space<vmem>>, %arg7: memref<80x128xi32, #tpu.memory_space<vmem>>, %arg8: memref<128x128xf32, #tpu.memory_space<vmem>>, %arg9: memref<10240x128xf32, #tpu.memory_space<vmem_shared>>, %arg10: memref<!tpu.dma_semaphore, #tpu.memory_space<semaphore_mem>>) attributes {dimension_semantics = [#tpu.dimension_semantics<core_parallel>, #tpu.dimension_semantics<subcore_parallel>], iteration_bounds = array<i64: 2, 16>, scalar_prefetch = 0 : i64, scratch_operands = 5 : i64, tpu.core_type = #tpu.core_type<sc_vector_subcore>, window_params = [{transform_indices = #map}, {transform_indices = #map}, {transform_indices = #map1}, {transform_indices = #map2}]} {
    %mul3A = arith.constant 16 : i32
    %mul3A_0 = arith.muli %arg0, %mul3A : i32
    %add3A = arith.addi %mul3A_0, %arg1 : i32
    %scan3A = arith.constant 0 : i32
    %scan3A_1 = arith.constant 0 : i32
    %scan3A_2 = arith.constant 128 : i32
    %scan3A_3 = arith.addi %scan3A_1, %scan3A_2 : i32
    %scan3A_4 = arith.constant 1 : i32
    scf.for %scan3A_38 = %scan3A_1 to %scan3A_3 step %scan3A_4  : i32 {
      %broadcast_in_dim3A = arith.constant 0.000000e+00 : f32
      %broadcast_in_dim3A_39 = vector.broadcast %broadcast_in_dim3A : f32 to vector<16xf32>
      %swap3A = arith.index_cast %scan3A_38 : i32 to index
      %swap3A_40 = arith.constant 0 : index
      %swap3A_41 = tpu.vector_load %arg8[%swap3A, %swap3A_40] {strides = array<i32>} : memref<128x128xf32, #tpu.memory_space<vmem>>, vector<1x16xf32>,
      %swap3A_42 = vector.shape_cast %swap3A_41 : vector<1x16xf32> to vector<16xf32>
      %swap3A_43 = vector.shape_cast %broadcast_in_dim3A_39 : vector<16xf32> to vector<1x16xf32>
      tpu.vector_store %arg8[%swap3A, %swap3A_40], %swap3A_43 {strides = array<i32>} : memref<128x128xf32, #tpu.memory_space<vmem>>, vector<1x16xf32>,
      %broadcast_in_dim3A_44 = arith.constant 0.000000e+00 : f32
      %broadcast_in_dim3A_45 = vector.broadcast %broadcast_in_dim3A_44 : f32 to vector<16xf32>
      %swap3A_46 = arith.index_cast %scan3A_38 : i32 to index
      %swap3A_47 = arith.constant 16 : index
      %swap3A_48 = tpu.vector_load %arg8[%swap3A_46, %swap3A_47] {strides = array<i32>} : memref<128x128xf32, #tpu.memory_space<vmem>>, vector<1x16xf32>,
      %swap3A_49 = vector.shape_cast %swap3A_48 : vector<1x16xf32> to vector<16xf32>
      %swap3A_50 = vector.shape_cast %broadcast_in_dim3A_45 : vector<16xf32> to vector<1x16xf32>
      tpu.vector_store %arg8[%swap3A_46, %swap3A_47], %swap3A_50 {strides = array<i32>} : memref<128x128xf32, #tpu.memory_space<vmem>>, vector<1x16xf32>,
      %broadcast_in_dim3A_51 = arith.constant 0.000000e+00 : f32
      %broadcast_in_dim3A_52 = vector.broadcast %broadcast_in_dim3A_51 : f32 to vector<16xf32>
      %swap3A_53 = arith.index_cast %scan3A_38 : i32 to index
      %swap3A_54 = arith.constant 32 : index
      %swap3A_55 = tpu.vector_load %arg8[%swap3A_53, %swap3A_54] {strides = array<i32>} : memref<128x128xf32, #tpu.memory_space<vmem>>, vector<1x16xf32>,
      %swap3A_56 = vector.shape_cast %swap3A_55 : vector<1x16xf32> to vector<16xf32>
      %swap3A_57 = vector.shape_cast %broadcast_in_dim3A_52 : vector<16xf32> to vector<1x16xf32>
      tpu.vector_store %arg8[%swap3A_53, %swap3A_54], %swap3A_57 {strides = array<i32>} : memref<128x128xf32, #tpu.memory_space<vmem>>, vector<1x16xf32>,
      %broadcast_in_dim3A_58 = arith.constant 0.000000e+00 : f32
      %broadcast_in_dim3A_59 = vector.broadcast %broadcast_in_dim3A_58 : f32 to vector<16xf32>
      %swap3A_60 = arith.index_cast %scan3A_38 : i32 to index
      %swap3A_61 = arith.constant 48 : index
      %swap3A_62 = tpu.vector_load %arg8[%swap3A_60, %swap3A_61] {strides = array<i32>} : memref<128x128xf32, #tpu.memory_space<vmem>>, vector<1x16xf32>,
      %swap3A_63 = vector.shape_cast %swap3A_62 : vector<1x16xf32> to vector<16xf32>
      %swap3A_64 = vector.shape_cast %broadcast_in_dim3A_59 : vector<16xf32> to vector<1x16xf32>
      tpu.vector_store %arg8[%swap3A_60, %swap3A_61], %swap3A_64 {strides = array<i32>} : memref<128x128xf32, #tpu.memory_space<vmem>>, vector<1x16xf32>,
      %broadcast_in_dim3A_65 = arith.constant 0.000000e+00 : f32
      %broadcast_in_dim3A_66 = vector.broadcast %broadcast_in_dim3A_65 : f32 to vector<16xf32>
      %swap3A_67 = arith.index_cast %scan3A_38 : i32 to index
      %swap3A_68 = arith.constant 64 : index
      %swap3A_69 = tpu.vector_load %arg8[%swap3A_67, %swap3A_68] {strides = array<i32>} : memref<128x128xf32, #tpu.memory_space<vmem>>, vector<1x16xf32>,
      %swap3A_70 = vector.shape_cast %swap3A_69 : vector<1x16xf32> to vector<16xf32>
      %swap3A_71 = vector.shape_cast %broadcast_in_dim3A_66 : vector<16xf32> to vector<1x16xf32>
      tpu.vector_store %arg8[%swap3A_67, %swap3A_68], %swap3A_71 {strides = array<i32>} : memref<128x128xf32, #tpu.memory_space<vmem>>, vector<1x16xf32>,
      %broadcast_in_dim3A_72 = arith.constant 0.000000e+00 : f32
      %broadcast_in_dim3A_73 = vector.broadcast %broadcast_in_dim3A_72 : f32 to vector<16xf32>
      %swap3A_74 = arith.index_cast %scan3A_38 : i32 to index
      %swap3A_75 = arith.constant 80 : index
      %swap3A_76 = tpu.vector_load %arg8[%swap3A_74, %swap3A_75] {strides = array<i32>} : memref<128x128xf32, #tpu.memory_space<vmem>>, vector<1x16xf32>,
      %swap3A_77 = vector.shape_cast %swap3A_76 : vector<1x16xf32> to vector<16xf32>
      %swap3A_78 = vector.shape_cast %broadcast_in_dim3A_73 : vector<16xf32> to vector<1x16xf32>
      tpu.vector_store %arg8[%swap3A_74, %swap3A_75], %swap3A_78 {strides = array<i32>} : memref<128x128xf32, #tpu.memory_space<vmem>>, vector<1x16xf32>,
      %broadcast_in_dim3A_79 = arith.constant 0.000000e+00 : f32
      %broadcast_in_dim3A_80 = vector.broadcast %broadcast_in_dim3A_79 : f32 to vector<16xf32>
      %swap3A_81 = arith.index_cast %scan3A_38 : i32 to index
      %swap3A_82 = arith.constant 96 : index
      %swap3A_83 = tpu.vector_load %arg8[%swap3A_81, %swap3A_82] {strides = array<i32>} : memref<128x128xf32, #tpu.memory_space<vmem>>, vector<1x16xf32>,
      %swap3A_84 = vector.shape_cast %swap3A_83 : vector<1x16xf32> to vector<16xf32>
      %swap3A_85 = vector.shape_cast %broadcast_in_dim3A_80 : vector<16xf32> to vector<1x16xf32>
      tpu.vector_store %arg8[%swap3A_81, %swap3A_82], %swap3A_85 {strides = array<i32>} : memref<128x128xf32, #tpu.memory_space<vmem>>, vector<1x16xf32>,
      %broadcast_in_dim3A_86 = arith.constant 0.000000e+00 : f32
      %broadcast_in_dim3A_87 = vector.broadcast %broadcast_in_dim3A_86 : f32 to vector<16xf32>
      %swap3A_88 = arith.index_cast %scan3A_38 : i32 to index
      %swap3A_89 = arith.constant 112 : index
      %swap3A_90 = tpu.vector_load %arg8[%swap3A_88, %swap3A_89] {strides = array<i32>} : memref<128x128xf32, #tpu.memory_space<vmem>>, vector<1x16xf32>,
      %swap3A_91 = vector.shape_cast %swap3A_90 : vector<1x16xf32> to vector<16xf32>
      %swap3A_92 = vector.shape_cast %broadcast_in_dim3A_87 : vector<16xf32> to vector<1x16xf32>
      tpu.vector_store %arg8[%swap3A_88, %swap3A_89], %swap3A_92 {strides = array<i32>} : memref<128x128xf32, #tpu.memory_space<vmem>>, vector<1x16xf32>,
    }
    %scan3A_5 = arith.constant 128 : i32
    %mul3A_6 = arith.constant 640 : i32
    %mul3A_7 = arith.muli %arg1, %mul3A_6 : i32
    %add3A_8 = arith.constant 0 : i32
    %add3A_9 = arith.addi %mul3A_7, %add3A_8 : i32
    "tpu.region"() ({
      %run_scoped3A_38 = tpu.sem_alloc : memref<!tpu.dma_semaphore, #tpu.memory_space<semaphore_mem>>
      %dma_start3A = arith.constant 0 : i32
      %dma_start3A_39 = tpu.memref_slice %arg9[%add3A_9, %dma_start3A] : memref<10240x128xf32, #tpu.memory_space<vmem_shared>> -> memref<128x128xf32, #tpu.memory_space<vmem_shared>>
      %dma_start3A_40 = arith.constant 0 : i32
      %dma_start3A_41 = tpu.memref_slice %arg9[%add3A_9, %dma_start3A_40] : memref<10240x128xf32, #tpu.memory_space<vmem_shared>> -> memref<128x128xf32, #tpu.memory_space<vmem_shared>>
      tpu.enqueue_dma source(%arg8 : memref<128x128xf32, #tpu.memory_space<vmem>>) target(%dma_start3A_41 : memref<128x128xf32, #tpu.memory_space<vmem_shared>>) target_semaphore(%run_scoped3A_38 : memref<!tpu.dma_semaphore, #tpu.memory_space<semaphore_mem>>)
      %dma_wait3A = arith.constant 0 : i32
      %dma_wait3A_42 = tpu.memref_slice %arg9[%add3A_9, %dma_wait3A] : memref<10240x128xf32, #tpu.memory_space<vmem_shared>> -> memref<128x128xf32, #tpu.memory_space<vmem_shared>>
      %dma_wait3A_43 = arith.constant 0 : i32
      %dma_wait3A_44 = tpu.memref_slice %arg9[%add3A_9, %dma_wait3A_43] : memref<10240x128xf32, #tpu.memory_space<vmem_shared>> -> memref<128x128xf32, #tpu.memory_space<vmem_shared>>
      tpu.wait_dma2 semaphore(%run_scoped3A_38 : memref<!tpu.dma_semaphore, #tpu.memory_space<semaphore_mem>>) src(%arg8 : memref<128x128xf32, #tpu.memory_space<vmem>>) dst(%dma_wait3A_44 : memref<128x128xf32, #tpu.memory_space<vmem_shared>>)
      tpu.yield
    }) : () -> ()
    %mul3A_10 = arith.constant 640 : i32
    %mul3A_11 = arith.muli %arg1, %mul3A_10 : i32
    %add3A_12 = arith.constant 128 : i32
    %add3A_13 = arith.addi %mul3A_11, %add3A_12 : i32
    "tpu.region"() ({
      %run_scoped3A_38 = tpu.sem_alloc : memref<!tpu.dma_semaphore, #tpu.memory_space<semaphore_mem>>
      %dma_start3A = arith.constant 0 : i32
      %dma_start3A_39 = tpu.memref_slice %arg9[%add3A_13, %dma_start3A] : memref<10240x128xf32, #tpu.memory_space<vmem_shared>> -> memref<128x128xf32, #tpu.memory_space<vmem_shared>>
      %dma_start3A_40 = arith.constant 0 : i32
      %dma_start3A_41 = tpu.memref_slice %arg9[%add3A_13, %dma_start3A_40] : memref<10240x128xf32, #tpu.memory_space<vmem_shared>> -> memref<128x128xf32, #tpu.memory_space<vmem_shared>>
      tpu.enqueue_dma source(%arg8 : memref<128x128xf32, #tpu.memory_space<vmem>>) target(%dma_start3A_41 : memref<128x128xf32, #tpu.memory_space<vmem_shared>>) target_semaphore(%run_scoped3A_38 : memref<!tpu.dma_semaphore, #tpu.memory_space<semaphore_mem>>)
      %dma_wait3A = arith.constant 0 : i32
      %dma_wait3A_42 = tpu.memref_slice %arg9[%add3A_13, %dma_wait3A] : memref<10240x128xf32, #tpu.memory_space<vmem_shared>> -> memref<128x128xf32, #tpu.memory_space<vmem_shared>>
      %dma_wait3A_43 = arith.constant 0 : i32
      %dma_wait3A_44 = tpu.memref_slice %arg9[%add3A_13, %dma_wait3A_43] : memref<10240x128xf32, #tpu.memory_space<vmem_shared>> -> memref<128x128xf32, #tpu.memory_space<vmem_shared>>
      tpu.wait_dma2 semaphore(%run_scoped3A_38 : memref<!tpu.dma_semaphore, #tpu.memory_space<semaphore_mem>>) src(%arg8 : memref<128x128xf32, #tpu.memory_space<vmem>>) dst(%dma_wait3A_44 : memref<128x128xf32, #tpu.memory_space<vmem_shared>>)
      tpu.yield
    }) : () -> ()
    %mul3A_14 = arith.constant 640 : i32
    %mul3A_15 = arith.muli %arg1, %mul3A_14 : i32
    %add3A_16 = arith.constant 256 : i32
    %add3A_17 = arith.addi %mul3A_15, %add3A_16 : i32
    "tpu.region"() ({
      %run_scoped3A_38 = tpu.sem_alloc : memref<!tpu.dma_semaphore, #tpu.memory_space<semaphore_mem>>
      %dma_start3A = arith.constant 0 : i32
      %dma_start3A_39 = tpu.memref_slice %arg9[%add3A_17, %dma_start3A] : memref<10240x128xf32, #tpu.memory_space<vmem_shared>> -> memref<128x128xf32, #tpu.memory_space<vmem_shared>>
      %dma_start3A_40 = arith.constant 0 : i32
      %dma_start3A_41 = tpu.memref_slice %arg9[%add3A_17, %dma_start3A_40] : memref<10240x128xf32, #tpu.memory_space<vmem_shared>> -> memref<128x128xf32, #tpu.memory_space<vmem_shared>>
      tpu.enqueue_dma source(%arg8 : memref<128x128xf32, #tpu.memory_space<vmem>>) target(%dma_start3A_41 : memref<128x128xf32, #tpu.memory_space<vmem_shared>>) target_semaphore(%run_scoped3A_38 : memref<!tpu.dma_semaphore, #tpu.memory_space<semaphore_mem>>)
      %dma_wait3A = arith.constant 0 : i32
      %dma_wait3A_42 = tpu.memref_slice %arg9[%add3A_17, %dma_wait3A] : memref<10240x128xf32, #tpu.memory_space<vmem_shared>> -> memref<128x128xf32, #tpu.memory_space<vmem_shared>>
      %dma_wait3A_43 = arith.constant 0 : i32
      %dma_wait3A_44 = tpu.memref_slice %arg9[%add3A_17, %dma_wait3A_43] : memref<10240x128xf32, #tpu.memory_space<vmem_shared>> -> memref<128x128xf32, #tpu.memory_space<vmem_shared>>
      tpu.wait_dma2 semaphore(%run_scoped3A_38 : memref<!tpu.dma_semaphore, #tpu.memory_space<semaphore_mem>>) src(%arg8 : memref<128x128xf32, #tpu.memory_space<vmem>>) dst(%dma_wait3A_44 : memref<128x128xf32, #tpu.memory_space<vmem_shared>>)
      tpu.yield
    }) : () -> ()
    %mul3A_18 = arith.constant 640 : i32
    %mul3A_19 = arith.muli %arg1, %mul3A_18 : i32
    %add3A_20 = arith.constant 384 : i32
    %add3A_21 = arith.addi %mul3A_19, %add3A_20 : i32
    "tpu.region"() ({
      %run_scoped3A_38 = tpu.sem_alloc : memref<!tpu.dma_semaphore, #tpu.memory_space<semaphore_mem>>
      %dma_start3A = arith.constant 0 : i32
      %dma_start3A_39 = tpu.memref_slice %arg9[%add3A_21, %dma_start3A] : memref<10240x128xf32, #tpu.memory_space<vmem_shared>> -> memref<128x128xf32, #tpu.memory_space<vmem_shared>>
      %dma_start3A_40 = arith.constant 0 : i32
      %dma_start3A_41 = tpu.memref_slice %arg9[%add3A_21, %dma_start3A_40] : memref<10240x128xf32, #tpu.memory_space<vmem_shared>> -> memref<128x128xf32, #tpu.memory_space<vmem_shared>>
      tpu.enqueue_dma source(%arg8 : memref<128x128xf32, #tpu.memory_space<vmem>>) target(%dma_start3A_41 : memref<128x128xf32, #tpu.memory_space<vmem_shared>>) target_semaphore(%run_scoped3A_38 : memref<!tpu.dma_semaphore, #tpu.memory_space<semaphore_mem>>)
      %dma_wait3A = arith.constant 0 : i32
      %dma_wait3A_42 = tpu.memref_slice %arg9[%add3A_21, %dma_wait3A] : memref<10240x128xf32, #tpu.memory_space<vmem_shared>> -> memref<128x128xf32, #tpu.memory_space<vmem_shared>>
      %dma_wait3A_43 = arith.constant 0 : i32
      %dma_wait3A_44 = tpu.memref_slice %arg9[%add3A_21, %dma_wait3A_43] : memref<10240x128xf32, #tpu.memory_space<vmem_shared>> -> memref<128x128xf32, #tpu.memory_space<vmem_shared>>
      tpu.wait_dma2 semaphore(%run_scoped3A_38 : memref<!tpu.dma_semaphore, #tpu.memory_space<semaphore_mem>>) src(%arg8 : memref<128x128xf32, #tpu.memory_space<vmem>>) dst(%dma_wait3A_44 : memref<128x128xf32, #tpu.memory_space<vmem_shared>>)
      tpu.yield
    }) : () -> ()
    %mul3A_22 = arith.constant 640 : i32
    %mul3A_23 = arith.muli %arg1, %mul3A_22 : i32
    %add3A_24 = arith.constant 512 : i32
    %add3A_25 = arith.addi %mul3A_23, %add3A_24 : i32
    "tpu.region"() ({
      %run_scoped3A_38 = tpu.sem_alloc : memref<!tpu.dma_semaphore, #tpu.memory_space<semaphore_mem>>
      %dma_start3A = arith.constant 0 : i32
      %dma_start3A_39 = tpu.memref_slice %arg9[%add3A_25, %dma_start3A] : memref<10240x128xf32, #tpu.memory_space<vmem_shared>> -> memref<128x128xf32, #tpu.memory_space<vmem_shared>>
      %dma_start3A_40 = arith.constant 0 : i32
      %dma_start3A_41 = tpu.memref_slice %arg9[%add3A_25, %dma_start3A_40] : memref<10240x128xf32, #tpu.memory_space<vmem_shared>> -> memref<128x128xf32, #tpu.memory_space<vmem_shared>>
      tpu.enqueue_dma source(%arg8 : memref<128x128xf32, #tpu.memory_space<vmem>>) target(%dma_start3A_41 : memref<128x128xf32, #tpu.memory_space<vmem_shared>>) target_semaphore(%run_scoped3A_38 : memref<!tpu.dma_semaphore, #tpu.memory_space<semaphore_mem>>)
      %dma_wait3A = arith.constant 0 : i32
      %dma_wait3A_42 = tpu.memref_slice %arg9[%add3A_25, %dma_wait3A] : memref<10240x128xf32, #tpu.memory_space<vmem_shared>> -> memref<128x128xf32, #tpu.memory_space<vmem_shared>>
      %dma_wait3A_43 = arith.constant 0 : i32
      %dma_wait3A_44 = tpu.memref_slice %arg9[%add3A_25, %dma_wait3A_43] : memref<10240x128xf32, #tpu.memory_space<vmem_shared>> -> memref<128x128xf32, #tpu.memory_space<vmem_shared>>
      tpu.wait_dma2 semaphore(%run_scoped3A_38 : memref<!tpu.dma_semaphore, #tpu.memory_space<semaphore_mem>>) src(%arg8 : memref<128x128xf32, #tpu.memory_space<vmem>>) dst(%dma_wait3A_44 : memref<128x128xf32, #tpu.memory_space<vmem_shared>>)
      tpu.yield
    }) : () -> ()
    %barrier3A = arith.constant 0 : index
    tpu.barrier barrier_id(%barrier3A)
    %run_scoped3A = arith.constant 0 : i32
    "tpu.region"() ({
      %run_scoped3A_38 = tpu.sem_alloc : memref<!tpu.dma_semaphore, #tpu.memory_space<semaphore_mem>>
      %dma_start3A = arith.constant 0 : i32
      %dma_start3A_39 = arith.constant 0 : i32
      %dma_start3A_40 = tpu.memref_slice %arg2[%add3A, %run_scoped3A, %dma_start3A, %dma_start3A_39] : memref<32x1x80x128xi32, #tpu.memory_space<hbm>> -> memref<1x1x80x128xi32, #tpu.memory_space<hbm>>
      %dma_start3A_41 = tpu.memref_squeeze %dma_start3A_40 : memref<1x1x80x128xi32, #tpu.memory_space<hbm>> -> memref<80x128xi32, #tpu.memory_space<hbm>>
      %dma_start3A_42 = arith.constant 0 : i32
      %dma_start3A_43 = arith.constant 0 : i32
      %dma_start3A_44 = tpu.memref_slice %arg2[%add3A, %run_scoped3A, %dma_start3A_42, %dma_start3A_43] : memref<32x1x80x128xi32, #tpu.memory_space<hbm>> -> memref<1x1x80x128xi32, #tpu.memory_space<hbm>>
      %dma_start3A_45 = tpu.memref_squeeze %dma_start3A_44 : memref<1x1x80x128xi32, #tpu.memory_space<hbm>> -> memref<80x128xi32, #tpu.memory_space<hbm>>
      tpu.enqueue_dma source(%dma_start3A_45 : memref<80x128xi32, #tpu.memory_space<hbm>>) target(%arg6 : memref<80x128xi32, #tpu.memory_space<vmem>>) target_semaphore(%run_scoped3A_38 : memref<!tpu.dma_semaphore, #tpu.memory_space<semaphore_mem>>)
      %dma_wait3A = arith.constant 0 : i32
      %dma_wait3A_46 = arith.constant 0 : i32
      %dma_wait3A_47 = tpu.memref_slice %arg2[%add3A, %run_scoped3A, %dma_wait3A, %dma_wait3A_46] : memref<32x1x80x128xi32, #tpu.memory_space<hbm>> -> memref<1x1x80x128xi32, #tpu.memory_space<hbm>>
      %dma_wait3A_48 = tpu.memref_squeeze %dma_wait3A_47 : memref<1x1x80x128xi32, #tpu.memory_space<hbm>> -> memref<80x128xi32, #tpu.memory_space<hbm>>
      %dma_wait3A_49 = arith.constant 0 : i32
      %dma_wait3A_50 = arith.constant 0 : i32
      %dma_wait3A_51 = tpu.memref_slice %arg2[%add3A, %run_scoped3A, %dma_wait3A_49, %dma_wait3A_50] : memref<32x1x80x128xi32, #tpu.memory_space<hbm>> -> memref<1x1x80x128xi32, #tpu.memory_space<hbm>>
      %dma_wait3A_52 = tpu.memref_squeeze %dma_wait3A_51 : memref<1x1x80x128xi32, #tpu.memory_space<hbm>> -> memref<80x128xi32, #tpu.memory_space<hbm>>
      tpu.wait_dma2 semaphore(%run_scoped3A_38 : memref<!tpu.dma_semaphore, #tpu.memory_space<semaphore_mem>>) src(%dma_wait3A_52 : memref<80x128xi32, #tpu.memory_space<hbm>>) dst(%arg6 : memref<80x128xi32, #tpu.memory_space<vmem>>)
      tpu.yield
    }) : () -> ()
    %run_scoped3A_26 = arith.constant 0 : i32
    "tpu.region"() ({
      %run_scoped3A_38 = tpu.sem_alloc : memref<!tpu.dma_semaphore, #tpu.memory_space<semaphore_mem>>
      %dma_start3A = arith.constant 0 : i32
      %dma_start3A_39 = arith.constant 0 : i32
      %dma_start3A_40 = tpu.memref_slice %arg3[%add3A, %run_scoped3A_26, %dma_start3A, %dma_start3A_39] : memref<32x1x80x128xi32, #tpu.memory_space<hbm>> -> memref<1x1x80x128xi32, #tpu.memory_space<hbm>>
      %dma_start3A_41 = tpu.memref_squeeze %dma_start3A_40 : memref<1x1x80x128xi32, #tpu.memory_space<hbm>> -> memref<80x128xi32, #tpu.memory_space<hbm>>
      %dma_start3A_42 = arith.constant 0 : i32
      %dma_start3A_43 = arith.constant 0 : i32
      %dma_start3A_44 = tpu.memref_slice %arg3[%add3A, %run_scoped3A_26, %dma_start3A_42, %dma_start3A_43] : memref<32x1x80x128xi32, #tpu.memory_space<hbm>> -> memref<1x1x80x128xi32, #tpu.memory_space<hbm>>
      %dma_start3A_45 = tpu.memref_squeeze %dma_start3A_44 : memref<1x1x80x128xi32, #tpu.memory_space<hbm>> -> memref<80x128xi32, #tpu.memory_space<hbm>>
      tpu.enqueue_dma source(%dma_start3A_45 : memref<80x128xi32, #tpu.memory_space<hbm>>) target(%arg7 : memref<80x128xi32, #tpu.memory_space<vmem>>) target_semaphore(%run_scoped3A_38 : memref<!tpu.dma_semaphore, #tpu.memory_space<semaphore_mem>>)
      %dma_wait3A = arith.constant 0 : i32
      %dma_wait3A_46 = arith.constant 0 : i32
      %dma_wait3A_47 = tpu.memref_slice %arg3[%add3A, %run_scoped3A_26, %dma_wait3A, %dma_wait3A_46] : memref<32x1x80x128xi32, #tpu.memory_space<hbm>> -> memref<1x1x80x128xi32, #tpu.memory_space<hbm>>
      %dma_wait3A_48 = tpu.memref_squeeze %dma_wait3A_47 : memref<1x1x80x128xi32, #tpu.memory_space<hbm>> -> memref<80x128xi32, #tpu.memory_space<hbm>>
      %dma_wait3A_49 = arith.constant 0 : i32
      %dma_wait3A_50 = arith.constant 0 : i32
      %dma_wait3A_51 = tpu.memref_slice %arg3[%add3A, %run_scoped3A_26, %dma_wait3A_49, %dma_wait3A_50] : memref<32x1x80x128xi32, #tpu.memory_space<hbm>> -> memref<1x1x80x128xi32, #tpu.memory_space<hbm>>
      %dma_wait3A_52 = tpu.memref_squeeze %dma_wait3A_51 : memref<1x1x80x128xi32, #tpu.memory_space<hbm>> -> memref<80x128xi32, #tpu.memory_space<hbm>>
      tpu.wait_dma2 semaphore(%run_scoped3A_38 : memref<!tpu.dma_semaphore, #tpu.memory_space<semaphore_mem>>) src(%dma_wait3A_52 : memref<80x128xi32, #tpu.memory_space<hbm>>) dst(%arg7 : memref<80x128xi32, #tpu.memory_space<vmem>>)
      tpu.yield
    }) : () -> ()
    %scan3A_27 = arith.constant 0 : i32
    %scan3A_28 = arith.constant 0 : i32
    %scan3A_29 = arith.constant 80 : i32
    %scan3A_30 = arith.addi %scan3A_28, %scan3A_29 : i32
    %scan3A_31 = arith.constant 1 : i32
    scf.for %scan3A_38 = %scan3A_28 to %scan3A_30 step %scan3A_31  : i32 {
      %dma_start3A = arith.constant 0 : i32
      %dma_start3A_39 = tpu.memref_slice %arg6[%scan3A_38, %dma_start3A] : memref<80x128xi32, #tpu.memory_space<vmem>> -> memref<1x128xi32, #tpu.memory_space<vmem>>
      %dma_start3A_40 = tpu.memref_squeeze %dma_start3A_39 : memref<1x128xi32, #tpu.memory_space<vmem>> -> memref<128xi32, #tpu.memory_space<vmem>>
      %dma_start3A_41 = arith.constant 0 : i32
      %dma_start3A_42 = arith.constant 0 : i32
      %dma_start3A_43 = tpu.memref_slice %arg4[%dma_start3A_41, %dma_start3A_42] : memref<10000x128xf32, #tpu.memory_space<hbm>> -> memref<10000x128xf32, #tpu.memory_space<hbm>>
      tpu.enqueue_indirect_dma source(%dma_start3A_43 : memref<10000x128xf32, #tpu.memory_space<hbm>>) target(%arg8 : memref<128x128xf32, #tpu.memory_space<vmem>>) offsets(%dma_start3A_40 : memref<128xi32, #tpu.memory_space<vmem>>) semaphore(%arg10 : memref<!tpu.dma_semaphore, #tpu.memory_space<semaphore_mem>>)
      %dma_wait3A = arith.constant 0 : i32
      %dma_wait3A_44 = tpu.memref_slice %arg6[%scan3A_38, %dma_wait3A] : memref<80x128xi32, #tpu.memory_space<vmem>> -> memref<1x128xi32, #tpu.memory_space<vmem>>
      %dma_wait3A_45 = tpu.memref_squeeze %dma_wait3A_44 : memref<1x128xi32, #tpu.memory_space<vmem>> -> memref<128xi32, #tpu.memory_space<vmem>>
      %dma_wait3A_46 = arith.constant 0 : i32
      %dma_wait3A_47 = arith.constant 0 : i32
      %dma_wait3A_48 = tpu.memref_slice %arg4[%dma_wait3A_46, %dma_wait3A_47] : memref<10000x128xf32, #tpu.memory_space<hbm>> -> memref<10000x128xf32, #tpu.memory_space<hbm>>
      tpu.wait_indirect_dma semaphore(%arg10 : memref<!tpu.dma_semaphore, #tpu.memory_space<semaphore_mem>>) src(%dma_wait3A_48 : memref<10000x128xf32, #tpu.memory_space<hbm>>) dst(%arg8 : memref<128x128xf32, #tpu.memory_space<vmem>>)
      "tpu.region"() ({
        %run_scoped3A_49 = tpu.sem_alloc : memref<!tpu.dma_semaphore, #tpu.memory_space<semaphore_mem>>
        %dma_start3A_50 = arith.constant 0 : i32
        %dma_start3A_51 = tpu.memref_slice %arg7[%scan3A_38, %dma_start3A_50] : memref<80x128xi32, #tpu.memory_space<vmem>> -> memref<1x128xi32, #tpu.memory_space<vmem>>
        %dma_start3A_52 = tpu.memref_squeeze %dma_start3A_51 : memref<1x128xi32, #tpu.memory_space<vmem>> -> memref<128xi32, #tpu.memory_space<vmem>>
        %dma_start3A_53 = arith.constant 0 : i32
        %dma_start3A_54 = arith.constant 0 : i32
        %dma_start3A_55 = tpu.memref_slice %arg9[%dma_start3A_53, %dma_start3A_54] : memref<10240x128xf32, #tpu.memory_space<vmem_shared>> -> memref<10240x128xf32, #tpu.memory_space<vmem_shared>>
        tpu.enqueue_indirect_dma source(%arg8 : memref<128x128xf32, #tpu.memory_space<vmem>>) target(%dma_start3A_55 : memref<10240x128xf32, #tpu.memory_space<vmem_shared>>) offsets(%dma_start3A_52 : memref<128xi32, #tpu.memory_space<vmem>>) semaphore(%run_scoped3A_49 : memref<!tpu.dma_semaphore, #tpu.memory_space<semaphore_mem>>) {add = true}
        %dma_wait3A_56 = arith.constant 0 : i32
        %dma_wait3A_57 = tpu.memref_slice %arg7[%scan3A_38, %dma_wait3A_56] : memref<80x128xi32, #tpu.memory_space<vmem>> -> memref<1x128xi32, #tpu.memory_space<vmem>>
        %dma_wait3A_58 = tpu.memref_squeeze %dma_wait3A_57 : memref<1x128xi32, #tpu.memory_space<vmem>> -> memref<128xi32, #tpu.memory_space<vmem>>
        %dma_wait3A_59 = arith.constant 0 : i32
        %dma_wait3A_60 = arith.constant 0 : i32
        %dma_wait3A_61 = tpu.memref_slice %arg9[%dma_wait3A_59, %dma_wait3A_60] : memref<10240x128xf32, #tpu.memory_space<vmem_shared>> -> memref<10240x128xf32, #tpu.memory_space<vmem_shared>>
        tpu.wait_indirect_dma semaphore(%run_scoped3A_49 : memref<!tpu.dma_semaphore, #tpu.memory_space<semaphore_mem>>) src(%arg8 : memref<128x128xf32, #tpu.memory_space<vmem>>) dst(%dma_wait3A_61 : memref<10240x128xf32, #tpu.memory_space<vmem_shared>>)
        tpu.yield
      }) : () -> ()
    }
    %scan3A_32 = arith.constant 80 : i32
    %barrier3A_33 = arith.constant 0 : index
    tpu.barrier barrier_id(%barrier3A_33)
    %mul3A_34 = arith.constant 640 : i32
    %mul3A_35 = arith.muli %arg1, %mul3A_34 : i32
    %mul3A_36 = arith.constant 640 : i32
    %mul3A_37 = arith.muli %arg1, %mul3A_36 : i32
    "tpu.region"() ({
      %run_scoped3A_38 = tpu.sem_alloc : memref<!tpu.dma_semaphore, #tpu.memory_space<semaphore_mem>>
      %dma_start3A = arith.constant 0 : i32
      %dma_start3A_39 = tpu.memref_slice %arg5[%arg0, %mul3A_37, %dma_start3A] : memref<2x10240x128xf32, #tpu.memory_space<hbm>> -> memref<1x640x128xf32, #tpu.memory_space<hbm>>
      %dma_start3A_40 = tpu.memref_squeeze %dma_start3A_39 : memref<1x640x128xf32, #tpu.memory_space<hbm>> -> memref<640x128xf32, #tpu.memory_space<hbm>>
      %dma_start3A_41 = arith.constant 0 : i32
      %dma_start3A_42 = tpu.memref_slice %arg9[%mul3A_35, %dma_start3A_41] : memref<10240x128xf32, #tpu.memory_space<vmem_shared>> -> memref<640x128xf32, #tpu.memory_space<vmem_shared>>
      tpu.enqueue_dma source(%dma_start3A_42 : memref<640x128xf32, #tpu.memory_space<vmem_shared>>) target(%dma_start3A_40 : memref<640x128xf32, #tpu.memory_space<hbm>>) target_semaphore(%run_scoped3A_38 : memref<!tpu.dma_semaphore, #tpu.memory_space<semaphore_mem>>)
      %dma_wait3A = arith.constant 0 : i32
      %dma_wait3A_43 = tpu.memref_slice %arg5[%arg0, %mul3A_37, %dma_wait3A] : memref<2x10240x128xf32, #tpu.memory_space<hbm>> -> memref<1x640x128xf32, #tpu.memory_space<hbm>>
      %dma_wait3A_44 = tpu.memref_squeeze %dma_wait3A_43 : memref<1x640x128xf32, #tpu.memory_space<hbm>> -> memref<640x128xf32, #tpu.memory_space<hbm>>
      %dma_wait3A_45 = arith.constant 0 : i32
      %dma_wait3A_46 = tpu.memref_slice %arg9[%mul3A_35, %dma_wait3A_45] : memref<10240x128xf32, #tpu.memory_space<vmem_shared>> -> memref<640x128xf32, #tpu.memory_space<vmem_shared>>
      tpu.wait_dma2 semaphore(%run_scoped3A_38 : memref<!tpu.dma_semaphore, #tpu.memory_space<semaphore_mem>>) src(%dma_wait3A_46 : memref<640x128xf32, #tpu.memory_space<vmem_shared>>) dst(%dma_wait3A_44 : memref<640x128xf32, #tpu.memory_space<hbm>>)
      tpu.yield
    }) : () -> ()
    return
  }
}

module attributes {stable_mosaic.version = 14 : i64} {
  func.func @body(%arg0: i32, %arg1: memref<400x128xf32, #tpu.memory_space<vmem>>, %arg2: memref<128x128xf32, #tpu.memory_space<vmem>>, %arg3: memref<1x128xf32, #tpu.memory_space<vmem>>, %arg4: memref<128x128xf32, #tpu.memory_space<vmem>>, %arg5: memref<400x128xf32, #tpu.memory_space<vmem>>, %arg6: memref<400x1xf32, #tpu.memory_space<vmem>>, %arg7: memref<400x1xf32, #tpu.memory_space<vmem>>, %arg8: memref<400x128xf32, #tpu.memory_space<vmem>>, %arg9: memref<400x128xf32, #tpu.memory_space<vmem>>, %arg10: memref<400x1xf32, #tpu.memory_space<vmem>>) attributes {dimension_semantics = [#tpu.dimension_semantics<arbitrary>], iteration_bounds = array<i64: 25>, scalar_prefetch = 0 : i64, scratch_operands = 0 : i64, tpu.core_type = #tpu.core_type<tc>, window_params = [{transform_indices = @transform_0, window_bounds = array<i64: 400, 128>}, {pipeline_mode = #tpu.pipeline_mode<synchronous>, transform_indices = @transform_1, window_bounds = array<i64: 128, 128>}, {pipeline_mode = #tpu.pipeline_mode<synchronous>, transform_indices = @transform_2, window_bounds = array<i64: 1, 128>}, {pipeline_mode = #tpu.pipeline_mode<synchronous>, transform_indices = @transform_3, window_bounds = array<i64: 128, 128>}, {transform_indices = @transform_4, window_bounds = array<i64: 400, 128>}, {transform_indices = @transform_5, window_bounds = array<i64: 400, 1>}, {transform_indices = @transform_6, window_bounds = array<i64: 400, 1>}, {transform_indices = @transform_7, window_bounds = array<i64: 400, 128>}, {transform_indices = @transform_8, window_bounds = array<i64: 400, 128>}, {transform_indices = @transform_9, window_bounds = array<i64: 400, 1>}]} {
    %get3A = arith.constant 0 : index
    %get3A_0 = arith.constant 0 : index
    %get3A_1 = vector.load %arg6[%get3A, %get3A_0] : memref<400x1xf32, #tpu.memory_space<vmem>>, vector<400x1xf32>
    %get3A_2 = arith.constant 0 : index
    %get3A_3 = arith.constant 0 : index
    %get3A_4 = vector.load %arg7[%get3A_2, %get3A_3] : memref<400x1xf32, #tpu.memory_space<vmem>>, vector<400x1xf32>
    %add3A = arith.addf %get3A_1, %get3A_4 : vector<400x1xf32>
    %add3A_5 = arith.constant 1.000000e+00 : f32
    %add3A_6 = vector.broadcast %add3A_5 : f32 to vector<400x1xf32>
    %add3A_7 = arith.addf %add3A, %add3A_6 : vector<400x1xf32>
    %rsqrt3A = math.rsqrt %add3A_7 : vector<400x1xf32>
    %get3A_8 = arith.constant 0 : index
    %get3A_9 = arith.constant 0 : index
    %get3A_10 = vector.load %arg1[%get3A_8, %get3A_9] : memref<400x128xf32, #tpu.memory_space<vmem>>, vector<400x128xf32>
    %get3A_11 = arith.constant 0 : index
    %get3A_12 = arith.constant 0 : index
    %get3A_13 = vector.load %arg2[%get3A_11, %get3A_12] : memref<128x128xf32, #tpu.memory_space<vmem>>, vector<128x128xf32>
    %dot_general3A = arith.constant dense<0.000000e+00> : vector<400x128xf32>
    %dot_general3A_14 = tpu.matmul %get3A_10, %get3A_13, %dot_general3A {dimension_numbers = #tpu.dot_dimension_numbers<[1], [0], [0], [1], [0, 0, 1, 1], [], []>, transpose_lhs_hint = false} : vector<400x128xf32>, vector<128x128xf32>, vector<400x128xf32> -> vector<400x128xf32>
    %get3A_15 = arith.constant 0 : index
    %get3A_16 = arith.constant 0 : index
    %get3A_17 = vector.load %arg3[%get3A_15, %get3A_16] : memref<1x128xf32, #tpu.memory_space<vmem>>, vector<1x128xf32>
    %add3A_18 = vector.broadcast %get3A_17 : vector<1x128xf32> to vector<400x128xf32>
    %add3A_19 = arith.addf %dot_general3A_14, %add3A_18 : vector<400x128xf32>
    %get3A_20 = arith.constant 0 : index
    %get3A_21 = arith.constant 0 : index
    %get3A_22 = vector.load %arg5[%get3A_20, %get3A_21] : memref<400x128xf32, #tpu.memory_space<vmem>>, vector<400x128xf32>
    %add3A_23 = arith.addf %add3A_19, %get3A_22 : vector<400x128xf32>
    %mul3A = arith.constant 1.000000e+00 : f32
    %mul3A_24 = vector.broadcast %mul3A : f32 to vector<400x128xf32>
    %mul3A_25 = arith.mulf %add3A_23, %mul3A_24 : vector<400x128xf32>
    %floor3A = math.floor %mul3A_25 : vector<400x128xf32>
    %mul3A_26 = arith.constant 1.000000e+00 : f32
    %mul3A_27 = vector.broadcast %mul3A_26 : f32 to vector<400x128xf32>
    %mul3A_28 = arith.mulf %floor3A, %mul3A_27 : vector<400x128xf32>
    %sub3A = arith.subf %mul3A_28, %get3A_22 : vector<400x128xf32>
    %get3A_29 = arith.constant 0 : index
    %get3A_30 = arith.constant 0 : index
    %get3A_31 = vector.load %arg4[%get3A_29, %get3A_30] : memref<128x128xf32, #tpu.memory_space<vmem>>, vector<128x128xf32>
    %dot_general3A_32 = arith.constant dense<0.000000e+00> : vector<400x128xf32>
    %dot_general3A_33 = tpu.matmul %sub3A, %get3A_31, %dot_general3A_32 {dimension_numbers = #tpu.dot_dimension_numbers<[1], [0], [0], [1], [0, 0, 1, 1], [], []>, transpose_lhs_hint = false} : vector<400x128xf32>, vector<128x128xf32>, vector<400x128xf32> -> vector<400x128xf32>
    %mul3A_34 = vector.broadcast %rsqrt3A : vector<400x1xf32> to vector<400x128xf32>
    %mul3A_35 = arith.mulf %mul3A_34, %dot_general3A_33 : vector<400x128xf32>
    %swap3A = arith.constant 0 : index
    %swap3A_36 = arith.constant 0 : index
    %swap3A_37 = vector.load %arg8[%swap3A, %swap3A_36] : memref<400x128xf32, #tpu.memory_space<vmem>>, vector<400x128xf32>
    tpu.vector_store %arg8[%swap3A, %swap3A_36], %add3A_19 {strides = array<i32>} : memref<400x128xf32, #tpu.memory_space<vmem>>, vector<400x128xf32>,
    %swap3A_38 = arith.constant 0 : index
    %swap3A_39 = arith.constant 0 : index
    %swap3A_40 = vector.load %arg9[%swap3A_38, %swap3A_39] : memref<400x128xf32, #tpu.memory_space<vmem>>, vector<400x128xf32>
    tpu.vector_store %arg9[%swap3A_38, %swap3A_39], %mul3A_35 {strides = array<i32>} : memref<400x128xf32, #tpu.memory_space<vmem>>, vector<400x128xf32>,
    %swap3A_41 = arith.constant 0 : index
    %swap3A_42 = arith.constant 0 : index
    %swap3A_43 = vector.load %arg10[%swap3A_41, %swap3A_42] : memref<400x1xf32, #tpu.memory_space<vmem>>, vector<400x1xf32>
    tpu.vector_store %arg10[%swap3A_41, %swap3A_42], %rsqrt3A {strides = array<i32>} : memref<400x1xf32, #tpu.memory_space<vmem>>, vector<400x1xf32>,
    return
  }
  func.func @transform_0(%arg0: i32) -> (i32, i32) {
    %c0_i32 = arith.constant 0 : i32
    %c0_i32_0 = arith.constant 0 : i32
    return %arg0, %c0_i32 : i32, i32
  }
  func.func @transform_1(%arg0: i32) -> (i32, i32) {
    %c0_i32 = arith.constant 0 : i32
    %c0_i32_0 = arith.constant 0 : i32
    %c0_i32_1 = arith.constant 0 : i32
    return %c0_i32, %c0_i32_0 : i32, i32
  }
  func.func @transform_2(%arg0: i32) -> (i32, i32) {
    %c0_i32 = arith.constant 0 : i32
    %c0_i32_0 = arith.constant 0 : i32
    %c0_i32_1 = arith.constant 0 : i32
    return %c0_i32, %c0_i32_0 : i32, i32
  }
  func.func @transform_3(%arg0: i32) -> (i32, i32) {
    %c0_i32 = arith.constant 0 : i32
    %c0_i32_0 = arith.constant 0 : i32
    %c0_i32_1 = arith.constant 0 : i32
    return %c0_i32, %c0_i32_0 : i32, i32
  }
  func.func @transform_4(%arg0: i32) -> (i32, i32) {
    %c0_i32 = arith.constant 0 : i32
    %c0_i32_0 = arith.constant 0 : i32
    return %arg0, %c0_i32 : i32, i32
  }
  func.func @transform_5(%arg0: i32) -> (i32, i32) {
    %c0_i32 = arith.constant 0 : i32
    %c0_i32_0 = arith.constant 0 : i32
    return %arg0, %c0_i32 : i32, i32
  }
  func.func @transform_6(%arg0: i32) -> (i32, i32) {
    %c0_i32 = arith.constant 0 : i32
    %c0_i32_0 = arith.constant 0 : i32
    return %arg0, %c0_i32 : i32, i32
  }
  func.func @transform_7(%arg0: i32) -> (i32, i32) {
    %c0_i32 = arith.constant 0 : i32
    %c0_i32_0 = arith.constant 0 : i32
    return %arg0, %c0_i32 : i32, i32
  }
  func.func @transform_8(%arg0: i32) -> (i32, i32) {
    %c0_i32 = arith.constant 0 : i32
    %c0_i32_0 = arith.constant 0 : i32
    return %arg0, %c0_i32 : i32, i32
  }
  func.func @transform_9(%arg0: i32) -> (i32, i32) {
    %c0_i32 = arith.constant 0 : i32
    %c0_i32_0 = arith.constant 0 : i32
    return %arg0, %c0_i32 : i32, i32
  }
}

module attributes {stable_mosaic.version = 14 : i64} {
  func.func @body(%arg0: i32, %arg1: memref<2x400x128xf32, #tpu.memory_space<vmem>>, %arg2: memref<400x128xf32, #tpu.memory_space<vmem>>, %arg3: memref<400x1xf32, #tpu.memory_space<vmem>>, %arg4: memref<1x128xf32, #tpu.memory_space<vmem>>, %arg5: memref<400x128xf32, #tpu.memory_space<vmem>>, %arg6: memref<400x128xf32, #tpu.memory_space<vmem>>, %arg7: memref<128x128xf32, #tpu.memory_space<vmem>>, %arg8: memref<400x128xf32, #tpu.memory_space<vmem>>) attributes {dimension_semantics = [#tpu.dimension_semantics<arbitrary>], iteration_bounds = array<i64: 25>, scalar_prefetch = 0 : i64, scratch_operands = 0 : i64, tpu.core_type = #tpu.core_type<tc>, window_params = [{transform_indices = @transform_0, window_bounds = array<i64: 2, 400, 128>}, {transform_indices = @transform_1, window_bounds = array<i64: 400, 128>}, {transform_indices = @transform_2, window_bounds = array<i64: 400, 1>}, {pipeline_mode = #tpu.pipeline_mode<synchronous>, transform_indices = @transform_3, window_bounds = array<i64: 1, 128>}, {transform_indices = @transform_4, window_bounds = array<i64: 400, 128>}, {transform_indices = @transform_5, window_bounds = array<i64: 400, 128>}, {pipeline_mode = #tpu.pipeline_mode<synchronous>, transform_indices = @transform_6, window_bounds = array<i64: 128, 128>}, {transform_indices = @transform_7, window_bounds = array<i64: 400, 128>}]} {
    %get3A = arith.constant 0 : index
    %get3A_0 = arith.constant 0 : index
    %get3A_1 = arith.constant 0 : index
    %get3A_2 = vector.load %arg1[%get3A, %get3A_0, %get3A_1] : memref<2x400x128xf32, #tpu.memory_space<vmem>>, vector<1x400x128xf32>
    %get3A_3 = vector.shape_cast %get3A_2 : vector<1x400x128xf32> to vector<400x128xf32>
    %get3A_4 = arith.constant 1 : index
    %get3A_5 = arith.constant 0 : index
    %get3A_6 = arith.constant 0 : index
    %get3A_7 = vector.load %arg1[%get3A_4, %get3A_5, %get3A_6] : memref<2x400x128xf32, #tpu.memory_space<vmem>>, vector<1x400x128xf32>
    %get3A_8 = vector.shape_cast %get3A_7 : vector<1x400x128xf32> to vector<400x128xf32>
    %add3A = arith.addf %get3A_3, %get3A_8 : vector<400x128xf32>
    %get3A_9 = arith.constant 0 : index
    %get3A_10 = arith.constant 0 : index
    %get3A_11 = vector.load %arg2[%get3A_9, %get3A_10] : memref<400x128xf32, #tpu.memory_space<vmem>>, vector<400x128xf32>
    %add3A_12 = arith.addf %add3A, %get3A_11 : vector<400x128xf32>
    %get3A_13 = arith.constant 0 : index
    %get3A_14 = arith.constant 0 : index
    %get3A_15 = vector.load %arg3[%get3A_13, %get3A_14] : memref<400x1xf32, #tpu.memory_space<vmem>>, vector<400x1xf32>
    %mul3A = vector.broadcast %get3A_15 : vector<400x1xf32> to vector<400x128xf32>
    %mul3A_16 = arith.mulf %mul3A, %add3A_12 : vector<400x128xf32>
    %get3A_17 = arith.constant 0 : index
    %get3A_18 = arith.constant 0 : index
    %get3A_19 = vector.load %arg4[%get3A_17, %get3A_18] : memref<1x128xf32, #tpu.memory_space<vmem>>, vector<1x128xf32>
    %add3A_20 = vector.broadcast %get3A_19 : vector<1x128xf32> to vector<400x128xf32>
    %add3A_21 = arith.addf %mul3A_16, %add3A_20 : vector<400x128xf32>
    %get3A_22 = arith.constant 0 : index
    %get3A_23 = arith.constant 0 : index
    %get3A_24 = vector.load %arg5[%get3A_22, %get3A_23] : memref<400x128xf32, #tpu.memory_space<vmem>>, vector<400x128xf32>
    %add3A_25 = arith.addf %add3A_21, %get3A_24 : vector<400x128xf32>
    %max3A = arith.constant 0.000000e+00 : f32
    %max3A_26 = vector.broadcast %max3A : f32 to vector<400x128xf32>
    %max3A_27 = arith.maximumf %add3A_25, %max3A_26 : vector<400x128xf32>
    %get3A_28 = arith.constant 0 : index
    %get3A_29 = arith.constant 0 : index
    %get3A_30 = vector.load %arg6[%get3A_28, %get3A_29] : memref<400x128xf32, #tpu.memory_space<vmem>>, vector<400x128xf32>
    %add3A_31 = arith.addf %max3A_27, %get3A_30 : vector<400x128xf32>
    %mul3A_32 = arith.constant 2.000000e+00 : f32
    %mul3A_33 = vector.broadcast %mul3A_32 : f32 to vector<400x128xf32>
    %mul3A_34 = arith.mulf %add3A_31, %mul3A_33 : vector<400x128xf32>
    %floor3A = math.floor %mul3A_34 : vector<400x128xf32>
    %mul3A_35 = arith.constant 5.000000e-01 : f32
    %mul3A_36 = vector.broadcast %mul3A_35 : f32 to vector<400x128xf32>
    %mul3A_37 = arith.mulf %floor3A, %mul3A_36 : vector<400x128xf32>
    %sub3A = arith.subf %mul3A_37, %get3A_30 : vector<400x128xf32>
    %get3A_38 = arith.constant 0 : index
    %get3A_39 = arith.constant 0 : index
    %get3A_40 = vector.load %arg7[%get3A_38, %get3A_39] : memref<128x128xf32, #tpu.memory_space<vmem>>, vector<128x128xf32>
    %dot_general3A = arith.constant dense<0.000000e+00> : vector<400x128xf32>
    %dot_general3A_41 = tpu.matmul %sub3A, %get3A_40, %dot_general3A {dimension_numbers = #tpu.dot_dimension_numbers<[1], [0], [0], [1], [0, 0, 1, 1], [], []>, transpose_lhs_hint = false} : vector<400x128xf32>, vector<128x128xf32>, vector<400x128xf32> -> vector<400x128xf32>
    %mul3A_42 = vector.broadcast %get3A_15 : vector<400x1xf32> to vector<400x128xf32>
    %mul3A_43 = arith.mulf %mul3A_42, %dot_general3A_41 : vector<400x128xf32>
    %swap3A = arith.constant 0 : index
    %swap3A_44 = arith.constant 0 : index
    %swap3A_45 = vector.load %arg8[%swap3A, %swap3A_44] : memref<400x128xf32, #tpu.memory_space<vmem>>, vector<400x128xf32>
    tpu.vector_store %arg8[%swap3A, %swap3A_44], %mul3A_43 {strides = array<i32>} : memref<400x128xf32, #tpu.memory_space<vmem>>, vector<400x128xf32>,
    return
  }
  func.func @transform_0(%arg0: i32) -> (i32, i32, i32) {
    %c0_i32 = arith.constant 0 : i32
    %c0_i32_0 = arith.constant 0 : i32
    %c0_i32_1 = arith.constant 0 : i32
    return %c0_i32, %arg0, %c0_i32_0 : i32, i32, i32
  }
  func.func @transform_1(%arg0: i32) -> (i32, i32) {
    %c0_i32 = arith.constant 0 : i32
    %c0_i32_0 = arith.constant 0 : i32
    return %arg0, %c0_i32 : i32, i32
  }
  func.func @transform_2(%arg0: i32) -> (i32, i32) {
    %c0_i32 = arith.constant 0 : i32
    %c0_i32_0 = arith.constant 0 : i32
    return %arg0, %c0_i32 : i32, i32
  }
  func.func @transform_3(%arg0: i32) -> (i32, i32) {
    %c0_i32 = arith.constant 0 : i32
    %c0_i32_0 = arith.constant 0 : i32
    %c0_i32_1 = arith.constant 0 : i32
    return %c0_i32, %c0_i32_0 : i32, i32
  }
  func.func @transform_4(%arg0: i32) -> (i32, i32) {
    %c0_i32 = arith.constant 0 : i32
    %c0_i32_0 = arith.constant 0 : i32
    return %arg0, %c0_i32 : i32, i32
  }
  func.func @transform_5(%arg0: i32) -> (i32, i32) {
    %c0_i32 = arith.constant 0 : i32
    %c0_i32_0 = arith.constant 0 : i32
    return %arg0, %c0_i32 : i32, i32
  }
  func.func @transform_6(%arg0: i32) -> (i32, i32) {
    %c0_i32 = arith.constant 0 : i32
    %c0_i32_0 = arith.constant 0 : i32
    %c0_i32_1 = arith.constant 0 : i32
    return %c0_i32, %c0_i32_0 : i32, i32
  }
  func.func @transform_7(%arg0: i32) -> (i32, i32) {
    %c0_i32 = arith.constant 0 : i32
    %c0_i32_0 = arith.constant 0 : i32
    return %arg0, %c0_i32 : i32, i32
  }
}

module attributes {stable_mosaic.version = 14 : i64} {
  func.func @body(%arg0: i32, %arg1: memref<2x400x128xf32, #tpu.memory_space<vmem>>, %arg2: memref<400x128xf32, #tpu.memory_space<vmem>>, %arg3: memref<400x1xf32, #tpu.memory_space<vmem>>, %arg4: memref<1x128xf32, #tpu.memory_space<vmem>>, %arg5: memref<400x128xf32, #tpu.memory_space<vmem>>, %arg6: memref<400x128xf32, #tpu.memory_space<vmem>>, %arg7: memref<128x128xf32, #tpu.memory_space<vmem>>, %arg8: memref<400x128xf32, #tpu.memory_space<vmem>>) attributes {dimension_semantics = [#tpu.dimension_semantics<arbitrary>], iteration_bounds = array<i64: 25>, scalar_prefetch = 0 : i64, scratch_operands = 0 : i64, tpu.core_type = #tpu.core_type<tc>, window_params = [{transform_indices = @transform_0, window_bounds = array<i64: 2, 400, 128>}, {transform_indices = @transform_1, window_bounds = array<i64: 400, 128>}, {transform_indices = @transform_2, window_bounds = array<i64: 400, 1>}, {pipeline_mode = #tpu.pipeline_mode<synchronous>, transform_indices = @transform_3, window_bounds = array<i64: 1, 128>}, {transform_indices = @transform_4, window_bounds = array<i64: 400, 128>}, {transform_indices = @transform_5, window_bounds = array<i64: 400, 128>}, {pipeline_mode = #tpu.pipeline_mode<synchronous>, transform_indices = @transform_6, window_bounds = array<i64: 128, 128>}, {transform_indices = @transform_7, window_bounds = array<i64: 400, 128>}]} {
    %get3A = arith.constant 0 : index
    %get3A_0 = arith.constant 0 : index
    %get3A_1 = arith.constant 0 : index
    %get3A_2 = vector.load %arg1[%get3A, %get3A_0, %get3A_1] : memref<2x400x128xf32, #tpu.memory_space<vmem>>, vector<1x400x128xf32>
    %get3A_3 = vector.shape_cast %get3A_2 : vector<1x400x128xf32> to vector<400x128xf32>
    %get3A_4 = arith.constant 1 : index
    %get3A_5 = arith.constant 0 : index
    %get3A_6 = arith.constant 0 : index
    %get3A_7 = vector.load %arg1[%get3A_4, %get3A_5, %get3A_6] : memref<2x400x128xf32, #tpu.memory_space<vmem>>, vector<1x400x128xf32>
    %get3A_8 = vector.shape_cast %get3A_7 : vector<1x400x128xf32> to vector<400x128xf32>
    %add3A = arith.addf %get3A_3, %get3A_8 : vector<400x128xf32>
    %get3A_9 = arith.constant 0 : index
    %get3A_10 = arith.constant 0 : index
    %get3A_11 = vector.load %arg2[%get3A_9, %get3A_10] : memref<400x128xf32, #tpu.memory_space<vmem>>, vector<400x128xf32>
    %add3A_12 = arith.addf %add3A, %get3A_11 : vector<400x128xf32>
    %get3A_13 = arith.constant 0 : index
    %get3A_14 = arith.constant 0 : index
    %get3A_15 = vector.load %arg3[%get3A_13, %get3A_14] : memref<400x1xf32, #tpu.memory_space<vmem>>, vector<400x1xf32>
    %mul3A = vector.broadcast %get3A_15 : vector<400x1xf32> to vector<400x128xf32>
    %mul3A_16 = arith.mulf %mul3A, %add3A_12 : vector<400x128xf32>
    %get3A_17 = arith.constant 0 : index
    %get3A_18 = arith.constant 0 : index
    %get3A_19 = vector.load %arg4[%get3A_17, %get3A_18] : memref<1x128xf32, #tpu.memory_space<vmem>>, vector<1x128xf32>
    %add3A_20 = vector.broadcast %get3A_19 : vector<1x128xf32> to vector<400x128xf32>
    %add3A_21 = arith.addf %mul3A_16, %add3A_20 : vector<400x128xf32>
    %get3A_22 = arith.constant 0 : index
    %get3A_23 = arith.constant 0 : index
    %get3A_24 = vector.load %arg5[%get3A_22, %get3A_23] : memref<400x128xf32, #tpu.memory_space<vmem>>, vector<400x128xf32>
    %add3A_25 = arith.addf %add3A_21, %get3A_24 : vector<400x128xf32>
    %max3A = arith.constant 0.000000e+00 : f32
    %max3A_26 = vector.broadcast %max3A : f32 to vector<400x128xf32>
    %max3A_27 = arith.maximumf %add3A_25, %max3A_26 : vector<400x128xf32>
    %get3A_28 = arith.constant 0 : index
    %get3A_29 = arith.constant 0 : index
    %get3A_30 = vector.load %arg6[%get3A_28, %get3A_29] : memref<400x128xf32, #tpu.memory_space<vmem>>, vector<400x128xf32>
    %add3A_31 = arith.addf %max3A_27, %get3A_30 : vector<400x128xf32>
    %mul3A_32 = arith.constant 4.000000e+00 : f32
    %mul3A_33 = vector.broadcast %mul3A_32 : f32 to vector<400x128xf32>
    %mul3A_34 = arith.mulf %add3A_31, %mul3A_33 : vector<400x128xf32>
    %floor3A = math.floor %mul3A_34 : vector<400x128xf32>
    %mul3A_35 = arith.constant 2.500000e-01 : f32
    %mul3A_36 = vector.broadcast %mul3A_35 : f32 to vector<400x128xf32>
    %mul3A_37 = arith.mulf %floor3A, %mul3A_36 : vector<400x128xf32>
    %sub3A = arith.subf %mul3A_37, %get3A_30 : vector<400x128xf32>
    %get3A_38 = arith.constant 0 : index
    %get3A_39 = arith.constant 0 : index
    %get3A_40 = vector.load %arg7[%get3A_38, %get3A_39] : memref<128x128xf32, #tpu.memory_space<vmem>>, vector<128x128xf32>
    %dot_general3A = arith.constant dense<0.000000e+00> : vector<400x128xf32>
    %dot_general3A_41 = tpu.matmul %sub3A, %get3A_40, %dot_general3A {dimension_numbers = #tpu.dot_dimension_numbers<[1], [0], [0], [1], [0, 0, 1, 1], [], []>, transpose_lhs_hint = false} : vector<400x128xf32>, vector<128x128xf32>, vector<400x128xf32> -> vector<400x128xf32>
    %mul3A_42 = vector.broadcast %get3A_15 : vector<400x1xf32> to vector<400x128xf32>
    %mul3A_43 = arith.mulf %mul3A_42, %dot_general3A_41 : vector<400x128xf32>
    %swap3A = arith.constant 0 : index
    %swap3A_44 = arith.constant 0 : index
    %swap3A_45 = vector.load %arg8[%swap3A, %swap3A_44] : memref<400x128xf32, #tpu.memory_space<vmem>>, vector<400x128xf32>
    tpu.vector_store %arg8[%swap3A, %swap3A_44], %mul3A_43 {strides = array<i32>} : memref<400x128xf32, #tpu.memory_space<vmem>>, vector<400x128xf32>,
    return
  }
  func.func @transform_0(%arg0: i32) -> (i32, i32, i32) {
    %c0_i32 = arith.constant 0 : i32
    %c0_i32_0 = arith.constant 0 : i32
    %c0_i32_1 = arith.constant 0 : i32
    return %c0_i32, %arg0, %c0_i32_0 : i32, i32, i32
  }
  func.func @transform_1(%arg0: i32) -> (i32, i32) {
    %c0_i32 = arith.constant 0 : i32
    %c0_i32_0 = arith.constant 0 : i32
    return %arg0, %c0_i32 : i32, i32
  }
  func.func @transform_2(%arg0: i32) -> (i32, i32) {
    %c0_i32 = arith.constant 0 : i32
    %c0_i32_0 = arith.constant 0 : i32
    return %arg0, %c0_i32 : i32, i32
  }
  func.func @transform_3(%arg0: i32) -> (i32, i32) {
    %c0_i32 = arith.constant 0 : i32
    %c0_i32_0 = arith.constant 0 : i32
    %c0_i32_1 = arith.constant 0 : i32
    return %c0_i32, %c0_i32_0 : i32, i32
  }
  func.func @transform_4(%arg0: i32) -> (i32, i32) {
    %c0_i32 = arith.constant 0 : i32
    %c0_i32_0 = arith.constant 0 : i32
    return %arg0, %c0_i32 : i32, i32
  }
  func.func @transform_5(%arg0: i32) -> (i32, i32) {
    %c0_i32 = arith.constant 0 : i32
    %c0_i32_0 = arith.constant 0 : i32
    return %arg0, %c0_i32 : i32, i32
  }
  func.func @transform_6(%arg0: i32) -> (i32, i32) {
    %c0_i32 = arith.constant 0 : i32
    %c0_i32_0 = arith.constant 0 : i32
    %c0_i32_1 = arith.constant 0 : i32
    return %c0_i32, %c0_i32_0 : i32, i32
  }
  func.func @transform_7(%arg0: i32) -> (i32, i32) {
    %c0_i32 = arith.constant 0 : i32
    %c0_i32_0 = arith.constant 0 : i32
    return %arg0, %c0_i32 : i32, i32
  }
}

module attributes {stable_mosaic.version = 14 : i64} {
  func.func @body(%arg0: i32, %arg1: memref<2x400x128xf32, #tpu.memory_space<vmem>>, %arg2: memref<400x128xf32, #tpu.memory_space<vmem>>, %arg3: memref<400x1xf32, #tpu.memory_space<vmem>>, %arg4: memref<1x128xf32, #tpu.memory_space<vmem>>, %arg5: memref<400x128xf32, #tpu.memory_space<vmem>>, %arg6: memref<400x128xf32, #tpu.memory_space<vmem>>, %arg7: memref<128x128xf32, #tpu.memory_space<vmem>>, %arg8: memref<128x128xf32, #tpu.memory_space<vmem>>, %arg9: memref<1x128xf32, #tpu.memory_space<vmem>>, %arg10: memref<400x128xf32, #tpu.memory_space<vmem>>) attributes {dimension_semantics = [#tpu.dimension_semantics<arbitrary>], iteration_bounds = array<i64: 25>, scalar_prefetch = 0 : i64, scratch_operands = 0 : i64, tpu.core_type = #tpu.core_type<tc>, window_params = [{transform_indices = @transform_0, window_bounds = array<i64: 2, 400, 128>}, {transform_indices = @transform_1, window_bounds = array<i64: 400, 128>}, {transform_indices = @transform_2, window_bounds = array<i64: 400, 1>}, {pipeline_mode = #tpu.pipeline_mode<synchronous>, transform_indices = @transform_3, window_bounds = array<i64: 1, 128>}, {transform_indices = @transform_4, window_bounds = array<i64: 400, 128>}, {transform_indices = @transform_5, window_bounds = array<i64: 400, 128>}, {pipeline_mode = #tpu.pipeline_mode<synchronous>, transform_indices = @transform_6, window_bounds = array<i64: 128, 128>}, {pipeline_mode = #tpu.pipeline_mode<synchronous>, transform_indices = @transform_7, window_bounds = array<i64: 128, 128>}, {pipeline_mode = #tpu.pipeline_mode<synchronous>, transform_indices = @transform_8, window_bounds = array<i64: 1, 128>}, {transform_indices = @transform_9, window_bounds = array<i64: 400, 128>}]} {
    %get3A = arith.constant 0 : index
    %get3A_0 = arith.constant 0 : index
    %get3A_1 = arith.constant 0 : index
    %get3A_2 = vector.load %arg1[%get3A, %get3A_0, %get3A_1] : memref<2x400x128xf32, #tpu.memory_space<vmem>>, vector<1x400x128xf32>
    %get3A_3 = vector.shape_cast %get3A_2 : vector<1x400x128xf32> to vector<400x128xf32>
    %get3A_4 = arith.constant 1 : index
    %get3A_5 = arith.constant 0 : index
    %get3A_6 = arith.constant 0 : index
    %get3A_7 = vector.load %arg1[%get3A_4, %get3A_5, %get3A_6] : memref<2x400x128xf32, #tpu.memory_space<vmem>>, vector<1x400x128xf32>
    %get3A_8 = vector.shape_cast %get3A_7 : vector<1x400x128xf32> to vector<400x128xf32>
    %add3A = arith.addf %get3A_3, %get3A_8 : vector<400x128xf32>
    %get3A_9 = arith.constant 0 : index
    %get3A_10 = arith.constant 0 : index
    %get3A_11 = vector.load %arg2[%get3A_9, %get3A_10] : memref<400x128xf32, #tpu.memory_space<vmem>>, vector<400x128xf32>
    %add3A_12 = arith.addf %add3A, %get3A_11 : vector<400x128xf32>
    %get3A_13 = arith.constant 0 : index
    %get3A_14 = arith.constant 0 : index
    %get3A_15 = vector.load %arg3[%get3A_13, %get3A_14] : memref<400x1xf32, #tpu.memory_space<vmem>>, vector<400x1xf32>
    %mul3A = vector.broadcast %get3A_15 : vector<400x1xf32> to vector<400x128xf32>
    %mul3A_16 = arith.mulf %mul3A, %add3A_12 : vector<400x128xf32>
    %get3A_17 = arith.constant 0 : index
    %get3A_18 = arith.constant 0 : index
    %get3A_19 = vector.load %arg4[%get3A_17, %get3A_18] : memref<1x128xf32, #tpu.memory_space<vmem>>, vector<1x128xf32>
    %add3A_20 = vector.broadcast %get3A_19 : vector<1x128xf32> to vector<400x128xf32>
    %add3A_21 = arith.addf %mul3A_16, %add3A_20 : vector<400x128xf32>
    %get3A_22 = arith.constant 0 : index
    %get3A_23 = arith.constant 0 : index
    %get3A_24 = vector.load %arg5[%get3A_22, %get3A_23] : memref<400x128xf32, #tpu.memory_space<vmem>>, vector<400x128xf32>
    %add3A_25 = arith.addf %add3A_21, %get3A_24 : vector<400x128xf32>
    %max3A = arith.constant 0.000000e+00 : f32
    %max3A_26 = vector.broadcast %max3A : f32 to vector<400x128xf32>
    %max3A_27 = arith.maximumf %add3A_25, %max3A_26 : vector<400x128xf32>
    %get3A_28 = arith.constant 0 : index
    %get3A_29 = arith.constant 0 : index
    %get3A_30 = vector.load %arg6[%get3A_28, %get3A_29] : memref<400x128xf32, #tpu.memory_space<vmem>>, vector<400x128xf32>
    %get3A_31 = arith.constant 0 : index
    %get3A_32 = arith.constant 0 : index
    %get3A_33 = vector.load %arg7[%get3A_31, %get3A_32] : memref<128x128xf32, #tpu.memory_space<vmem>>, vector<128x128xf32>
    %dot_general3A = arith.constant dense<0.000000e+00> : vector<400x128xf32>
    %dot_general3A_34 = tpu.matmul %get3A_30, %get3A_33, %dot_general3A {dimension_numbers = #tpu.dot_dimension_numbers<[1], [0], [0], [1], [0, 0, 1, 1], [], []>, transpose_lhs_hint = false} : vector<400x128xf32>, vector<128x128xf32>, vector<400x128xf32> -> vector<400x128xf32>
    %get3A_35 = arith.constant 0 : index
    %get3A_36 = arith.constant 0 : index
    %get3A_37 = vector.load %arg8[%get3A_35, %get3A_36] : memref<128x128xf32, #tpu.memory_space<vmem>>, vector<128x128xf32>
    %dot_general3A_38 = arith.constant dense<0.000000e+00> : vector<400x128xf32>
    %dot_general3A_39 = tpu.matmul %max3A_27, %get3A_37, %dot_general3A_38 {dimension_numbers = #tpu.dot_dimension_numbers<[1], [0], [0], [1], [0, 0, 1, 1], [], []>, transpose_lhs_hint = false} : vector<400x128xf32>, vector<128x128xf32>, vector<400x128xf32> -> vector<400x128xf32>
    %add3A_40 = arith.addf %dot_general3A_34, %dot_general3A_39 : vector<400x128xf32>
    %get3A_41 = arith.constant 0 : index
    %get3A_42 = arith.constant 0 : index
    %get3A_43 = vector.load %arg9[%get3A_41, %get3A_42] : memref<1x128xf32, #tpu.memory_space<vmem>>, vector<1x128xf32>
    %add3A_44 = vector.broadcast %get3A_43 : vector<1x128xf32> to vector<400x128xf32>
    %add3A_45 = arith.addf %add3A_40, %add3A_44 : vector<400x128xf32>
    %swap3A = arith.constant 0 : index
    %swap3A_46 = arith.constant 0 : index
    %swap3A_47 = vector.load %arg10[%swap3A, %swap3A_46] : memref<400x128xf32, #tpu.memory_space<vmem>>, vector<400x128xf32>
    tpu.vector_store %arg10[%swap3A, %swap3A_46], %add3A_45 {strides = array<i32>} : memref<400x128xf32, #tpu.memory_space<vmem>>, vector<400x128xf32>,
    return
  }
  func.func @transform_0(%arg0: i32) -> (i32, i32, i32) {
    %c0_i32 = arith.constant 0 : i32
    %c0_i32_0 = arith.constant 0 : i32
    %c0_i32_1 = arith.constant 0 : i32
    return %c0_i32, %arg0, %c0_i32_0 : i32, i32, i32
  }
  func.func @transform_1(%arg0: i32) -> (i32, i32) {
    %c0_i32 = arith.constant 0 : i32
    %c0_i32_0 = arith.constant 0 : i32
    return %arg0, %c0_i32 : i32, i32
  }
  func.func @transform_2(%arg0: i32) -> (i32, i32) {
    %c0_i32 = arith.constant 0 : i32
    %c0_i32_0 = arith.constant 0 : i32
    return %arg0, %c0_i32 : i32, i32
  }
  func.func @transform_3(%arg0: i32) -> (i32, i32) {
    %c0_i32 = arith.constant 0 : i32
    %c0_i32_0 = arith.constant 0 : i32
    %c0_i32_1 = arith.constant 0 : i32
    return %c0_i32, %c0_i32_0 : i32, i32
  }
  func.func @transform_4(%arg0: i32) -> (i32, i32) {
    %c0_i32 = arith.constant 0 : i32
    %c0_i32_0 = arith.constant 0 : i32
    return %arg0, %c0_i32 : i32, i32
  }
  func.func @transform_5(%arg0: i32) -> (i32, i32) {
    %c0_i32 = arith.constant 0 : i32
    %c0_i32_0 = arith.constant 0 : i32
    return %arg0, %c0_i32 : i32, i32
  }
  func.func @transform_6(%arg0: i32) -> (i32, i32) {
    %c0_i32 = arith.constant 0 : i32
    %c0_i32_0 = arith.constant 0 : i32
    %c0_i32_1 = arith.constant 0 : i32
    return %c0_i32, %c0_i32_0 : i32, i32
  }
  func.func @transform_7(%arg0: i32) -> (i32, i32) {
    %c0_i32 = arith.constant 0 : i32
    %c0_i32_0 = arith.constant 0 : i32
    %c0_i32_1 = arith.constant 0 : i32
    return %c0_i32, %c0_i32_0 : i32, i32
  }
  func.func @transform_8(%arg0: i32) -> (i32, i32) {
    %c0_i32 = arith.constant 0 : i32
    %c0_i32_0 = arith.constant 0 : i32
    %c0_i32_1 = arith.constant 0 : i32
    return %c0_i32, %c0_i32_0 : i32, i32
  }
  func.func @transform_9(%arg0: i32) -> (i32, i32) {
    %c0_i32 = arith.constant 0 : i32
    %c0_i32_0 = arith.constant 0 : i32
    return %arg0, %c0_i32 : i32, i32
  }
}

</mosaic_0001>

<sc_bundles>
// kernel: kernel.10.cloned.1.call-start
scs
__scs_entry_jumppad:
0x0: {  	(pc) =	sbr.rel $0x88, $3  }
0x1: {  	(tag) =	ssettag $0x0;
	lr =	simm.s32 $0x1  }
0x2: {  	[smem:$0x3F99] =	sst lr;
	_ =	strace $0xD0000000  }
0x3: {  	_ = 	snop  }
0x4: {  	_ = 	snop  }
0x5: {  	_ = 	snop  }
0x6: {  	_ = 	snop  }
0x7: {  	_ = 	snop  }
__scs_overlays_trampoline_lowered:
0x8: {  	[smem:$0x3FA8] =	sst s0  }
0x9: {  	[smem:$0x3FA9] =	sst s1  }
0xa: {  	[smem:$0x3FAA] =	sst s2  }
0xb: {  	[smem:$0x3FAB] =	sst s3  }
0xc: {  	[smem:$0x3FAC] =	sst s4  }
0xd: {  	[smem:$0x3FAD] =	sst s5  }
0xe: {  	[smem:$0x3FAE] =	sst s6  }
0xf: {  	[smem:$0x3FAF] =	sst s7  }
0x10: {  	[smem:$0x3FB0] =	sst s8  }
0x11: {  	[smem:$0x3FB1] =	sst s9;
	s0 =	simm.s32 @!p0 $0x0  }
0x12: {  	s1 =	sld [smem:$0x3F97];
	s0 =	simm.s32 @p0 $0x1  }
0x13: {  	[smem:$0x3FB2] =	sst s0;
	s0 =	simm.s32 @!p1 $0x0  }
0x14: {  	s2 =	sld [smem:$0x3F96];
	s0 =	simm.s32 @p1 $0x1  }
0x15: {  	[smem:$0x3FB3] =	sst s0;
	s0 =	simm.s32 @!p2 $0x0  }
0x16: {  	s3 =	sld [smem:$0x3FDB];
	s0 =	simm.s32 @p2 $0x1  }
0x17: {  	s4 =	simm.s32 $0x1BF5;
	[smem:$0x3FB5] =	sst s0  }
0x18: {  	s0 =	sld [smem:$0x3F98];
	_ =	swait.ge [sflag:s4], $0x0  }
0x19: {  	s7 =	sld [smem:$0x3F99]  }
0x1a: {  	s8 =	sadd.s32 $0xFFFFE003, lr  }
0x1b: {  	s9 =	sadd.s32 $0xFFFFFEF7, lr;
	s5 =	simm.s32 $0xFFFFFFFF;
	p2 =	slt.u32 s8, $0xFFFFF086  }
0x1c: {  	p1 =	slt.u32 s9, $0xF7A;
	s5 =	simm.s32 @!p2 $0x0  }
0x1d: {  	s5 =	simm.s32 @p1 $0x1;
	p0 =	seq.s32 s7, s2  }
0x1e: {  	s7 =	smul.u32 @!p0 $0xF7A, s2;
	p2 =	seq.s32 @!p0 s5, $0x0  }
0x1f: {  	s9 =	smul.u32 $0xF7A, s1;
	s8 =	simm.s32 @!p0 $0x1BF5;
	p2 =	por !p2, p0  }
0x20: {  	[sflag:s8] =	ssyncset.s32 @!p0 $0xFFFFF086;
	s6 =	sadd.s32 @!p0 s3, s7;
	s7 =	simm.s32 @!p0 $0x108  }
0x21: {  	s3 =	sadd.s32 s3, s9;
	s6 =	sadd.s32 @!p0 $0x88, s6;
	s7 =	simm.s32 @p2 $0x1082  }
0x22: {  	[simem:s7], [sflag:s8] =	dma.local @!p0 [hbm:s6], $0xF7A  }
0x23: {  	s9 =	sor.u32 $0xD0000000, s2;
	s6 =	simm.s32 $0x108;
	_ =	swait.ge @!p0 [sflag:s8], $0x0  }
0x24: {  	s3 =	sadd.s32 $0x88, s3;
	s6 =	simm.s32 @!p1 $0x1082;
	[sflag:s4] =	ssyncset.s32 $0xFFFFF086  }
0x25: {  	[simem:s6], [sflag:s4] =	dma.local [hbm:s3], $0xF7A  }
0x26: {  	[smem:$0x3F99] =	sst s1;
	(tag) =	ssettag s2;
	_ =	strace s9  }
0x27: {  	s1 =	sld [smem:$0x3FA9]  }
0x28: {  	s2 =	sld [smem:$0x3FAA]  }
0x29: {  	s4 =	sld [smem:$0x3FAC]  }
0x2a: {  	p0 =	seq.s32 s5, $0x0;
	s5 =	sld [smem:$0x3FAD]  }
0x2b: {  	s6 =	sld [smem:$0x3FAE]  }
0x2c: {  	s7 =	sld [smem:$0x3FAF]  }
0x2d: {  	s3 =	simm.s32 $0x108;
	s8 =	sld [smem:$0x3FB0]  }
0x2e: {  	s3 =	simm.s32 @!p0 $0x1082;
	s9 =	sld [smem:$0x3FB1]  }
0x2f: {  	lr =	sadd.s32 s0, s3;
	s0 =	sld [smem:$0x3FA8]  }
0x30: {  	s3 =	sld [smem:$0x3FAB]  }
0x31: {  	[smem:$0x3FB4] =	sst s10  }
0x32: {  	s10 =	sld [smem:$0x3FB2];
	_ =	sdelay $0x3  }
0x33: {  	p0 =	seq.s32 s10, $0x1;
	s10 =	sld [smem:$0x3FB4];
	_ =	sdelay $0x3  }
0x34: {  	[smem:$0x3FB4] =	sst s10  }
0x35: {  	s10 =	sld [smem:$0x3FB3];
	_ =	sdelay $0x3  }
0x36: {  	p1 =	seq.s32 s10, $0x1;
	s10 =	sld [smem:$0x3FB4];
	_ =	sdelay $0x3  }
0x37: {  	[smem:$0x3FB4] =	sst s10  }
0x38: {  	s10 =	sld [smem:$0x3FB5]  }
0x39: {  	_ = 	snop;
	(pc) =	sbr.ind lr, $3  }
0x3a: {  	_ = 	snop  }
0x3b: {  	_ = 	snop  }
0x3c: {  	p2 =	seq.s32 s10, $0x1;
	s10 =	sld [smem:$0x3FB4]  }
0x3d: {  	_ =	shalt  }
0x3e: {  	_ =	shalt  }
0x3f: {  	_ =	shalt  }
0x40: {  	_ =	shalt  }
0x41: {  	_ =	shalt  }
0x42: {  	_ =	shalt  }
0x43: {  	_ =	shalt  }
0x44: {  	_ =	shalt  }
0x45: {  	_ =	shalt  }
0x46: {  	_ =	shalt  }
0x47: {  	_ =	shalt  }
0x48: {  	_ =	shalt  }
0x49: {  	_ =	shalt  }
0x4a: {  	_ =	shalt  }
0x4b: {  	_ =	shalt  }
0x4c: {  	_ =	shalt  }
0x4d: {  	_ =	shalt  }
0x4e: {  	_ =	shalt  }
0x4f: {  	_ =	shalt  }
0x50: {  	_ =	shalt  }
0x51: {  	_ =	shalt  }
0x52: {  	_ =	shalt  }
0x53: {  	_ =	shalt  }
0x54: {  	_ =	shalt  }
0x55: {  	_ =	shalt  }
0x56: {  	_ =	shalt  }
0x57: {  	_ =	shalt  }
0x58: {  	_ =	shalt  }
0x59: {  	_ =	shalt  }
0x5a: {  	_ =	shalt  }
0x5b: {  	_ =	shalt  }
0x5c: {  	_ =	shalt  }
0x5d: {  	_ =	shalt  }
0x5e: {  	_ =	shalt  }
0x5f: {  	_ =	shalt  }
0x60: {  	_ =	shalt  }
0x61: {  	_ =	shalt  }
0x62: {  	_ =	shalt  }
0x63: {  	_ =	shalt  }
0x64: {  	_ =	shalt  }
0x65: {  	_ =	shalt  }
0x66: {  	_ =	shalt  }
0x67: {  	_ =	shalt  }
0x68: {  	_ =	shalt  }
0x69: {  	_ =	shalt  }
0x6a: {  	_ =	shalt  }
0x6b: {  	_ =	shalt  }
0x6c: {  	_ =	shalt  }
0x6d: {  	_ =	shalt  }
0x6e: {  	_ =	shalt  }
0x6f: {  	_ =	shalt  }
0x70: {  	_ =	shalt  }
0x71: {  	_ =	shalt  }
0x72: {  	_ =	shalt  }
0x73: {  	_ =	shalt  }
0x74: {  	_ =	shalt  }
0x75: {  	_ =	shalt  }
0x76: {  	_ =	shalt  }
0x77: {  	_ =	shalt  }
0x78: {  	_ =	shalt  }
0x79: {  	_ =	shalt  }
0x7a: {  	_ =	shalt  }
0x7b: {  	_ =	shalt  }
0x7c: {  	_ =	shalt  }
0x7d: {  	_ =	shalt  }
0x7e: {  	_ =	shalt  }
0x7f: {  	_ =	shalt  }
0x80: {  	_ =	shalt  }
0x81: {  	_ =	shalt  }
0x82: {  	_ =	shalt  }
0x83: {  	_ =	shalt  }
0x84: {  	_ =	shalt  }
0x85: {  	_ =	shalt  }
0x86: {  	_ =	shalt  }
0x87: {  	_ =	shalt  }
.Lfunc_end0:
.L_simem_size_0:
called_computation_lowered:
.L_overlay_start_0:
0x88: {  	s2 =	sld [smem:$0x3FD9]  }
0x89: {  	s3 =	sld [smem:$0x3FFE];
	_ =	sdelay $0x1  }
0x8a: {  	s1 =	srdreg.scid  }
0x8b: {  	s0 =	sand.u32 $0x1, s1  }
0x8c: {  	s16 =	sshll.u32 s0, $0xA;
	s2 =	sadd.s32 s3, s2  }
0x8d: {  	s2 =	sadd.s32 s2, s16  }
0x8e: {  	[smem:$0x3FC0] =	sst s2  }
0x8f: {  	_ = 	snop  }
0x90: {  	(tm) =	ssettm $0x1  }
0x91: {  	s17 =	sld [smem:$0x3FFB];
	_ =	sdelay $0x3  }
0x92: {  	_ =	strace s17  }
0x93: {  	s2 =	sld [smem:$0x3FFC];
	_ =	sdelay $0x3  }
0x94: {  	_ =	strace s2  }
0x95: {  	s2 =	sld [smem:$0x3FFD];
	_ =	sdelay $0x3  }
0x96: {  	_ =	strace s2  }
0x97: {  	_ =	strace $0x8FFFFFFF  }
0x98: {  	s18 =	sld [smem:$0x3FDB];
	_ =	sdelay $0x1  }
0x99: {  	s19 =	simm.s32 $_scs_section_size  }
0x9a: {  	s4 =	simm.s32 $_size__tile_overlayer_lowered;
	s5 =	simm.s32 $_tile_overlayer_lowered  }
0x9b: {  	s22 =	simm.s32 $0x1BFF;
	s21 =	sshll.u32 s5, $0x1;
	s2 =	sadd.s32 s19, s18  }
0x9c: {  	s6 =	simm.s32 $0x0;
	s20 =	sshll.u32 s4, $0x1;
	s4 =	sadd.s32 s21, s2  }
0x9d: {  	[timem:s6], [sflag:s22] =	dma.local [hbm:s4], s20  }
0x9e: {  	_ =	swait.ge [sflag:s22], s20  }
0x9f: {  	s3 =	ssub.s32 $0x0, s20;
	[sflag:s22] =	ssyncset.done $0x0  }
0xa0: {  	[sflag:s22] =	ssyncadd.s32 s3;
	_ =	sdelay $0x1  }
0xa1: {  	s23 =	simm.s32 $0x1B8B  }
0xa2: {  	_ =	swait.ge [sflag:s23], $0x1  }
0xa3: {  	[sflag:s23] =	ssyncset.done $0x0  }
0xa4: {  	s25 =	simm.s32 $0x1B8E;
	s24 =	sld [smem:$0x3FFE];
	[sflag:s23] =	ssyncadd.s32 $0xFFFFFFFF  }
0xa5: {  	s26 =	simm.s32 $execute0_lowered;
	[smem:$0x3FD2] =	sst s25  }
0xa6: {  	s4 =	sshll.u32 s26, $0x1;
	_ =	strace $0x80000046;
	[dreg:$0x1] =	wrdreg $0xFFFFFFFF  }
0xa7: {  	s28 =	simm.s32 $_size_execute0_lowered;
	s2 =	sadd.s32 s2, s4;
	[dreg:$0x0] =	wrdreg $0x0  }
0xa8: {  	s4 =	sshll.u32 s28, $0x1;
	[dreg:$0x2] =	wrdreg s2  }
0xa9: {  	[dreg:$0x3] =	wrdreg s4  }
0xaa: {  	[dreg:$0x4] =	wrdreg $0xC0  }
0xab: {  	_ =	task [dreg:s6], $0x5FFFF  }
0xac: {  	[dreg:$0x1] =	wrdreg $0xFFFFFFFF  }
0xad: {  	[dreg:$0x0] =	wrdreg $0x60  }
0xae: {  	[dreg:$0x2] =	wrdreg s24  }
0xaf: {  	[dreg:$0x3] =	wrdreg $0x28800  }
0xb0: {  	[dreg:$0x4] =	wrdreg $0x9  }
0xb1: {  	_ =	task.clear_ibuf [dreg:s6], $0x5FFFF;
	_ =	strace $0x90000046  }
0xb2: {  	s29 =	simm.s32 $0x9;
	_ =	strace $0x80000048  }
0xb3: {  	_ =	swait.ge [sflag:s29], $0x1  }
0xb4: {  	[sflag:s29] =	ssyncadd.s32 $0xFFFFFFFF  }
0xb5: {  	_ =	strace $0x90000048  }
0xb6: {  	_ =	sfence  }
0xb7: {  	s30 =	sld [smem:$0x0];
	_ =	sdelay $0x2  }
0xb8: {  	s31 =	sshll.u32 s1, $0xD;
	s1 =	sshrl.u32 s1, $0x2  }
0xb9: {  	s3 =	sand.u32 $0x4000, s31;
	s1 =	sadd.s32 s1, s30  }
0xba: {  	s0 =	sor.u32 s3, s0;
	s1 =	sshll.u32 s1, $0x11  }
0xbb: {  	s0 =	sor.u32 s1, s0  }
0xbc: {  	s0 =	sadd.s32 $0x8F2B, s0  }
0xbd: {  	[sflag:s0] =	ssyncadd.remote.s32 $0x1  }
0xbe: {  	_ =	sfence.sel $0xFFFF  }
0xbf: {  	[dreg:$0x0] =	wrdreg $0xFFFFFFFF;
	(pc) =	sbr.abs _section_cstart, $3  }
0xc0: {  	[dreg:$0x1] =	wrdreg $0xFFFFFFFF  }
0xc1: {  	_ =	task.clear_ibuf [dreg:s6], $0x2FFFF;
	_ =	strace $0x9FFFFFFF  }
0xc2: {  	(tm) =	ssettm $0x7FFFFFFF  }
0xc3: {  	_ =	shalt  }
tec
execute0_lowered:
.L_overlay_start_1:
0x0: {  	(tag) =	ssettag $0x1  }
0x1: {  	s4 =	rddreg [dreg:$0x0]  }
0x2: {  	s0 =	srdreg.scid;
	s2 =	rddreg [dreg:$0x1]  }
0x3: {  	s1 =	stileid.u32;
	s3 =	simm.s32 $0x0;
	s12 =	simm.s32 $0x2800  }
0x4: {  	s13 =	simm.s32 $0x1;
	s14 =	simm.s32 $0x80;
	s17 =	simm.s32 $0x0  }
0x5: {  	s5 =	sand.u32 $0x1, s0;
	s0 =	rddreg [dreg:$0x2];
	s7 =	smul.u32 $0x280, s1  }
0x6: {  	[smem:$0x7FF] =	sst s3;
	s6 =	sshll.u32 s5, $0x4;
	s8 =	smul.u32 $0x2800, s5  }
0x7: {  	s15 =	sshll.u32 s1, $0x6;
	s5 =	ssub.s32 $0x2, s5;
	s6 =	sor.u32 s1, s6  }
0x8: {  	s31 =	sshrl.u32 s5, $0x1;
	s6 =	smul.u32 $0x500, s6;
	s8 =	sadd.s32 s7, s8  }
0x9: {  	_ =	strace $0x80000047;
	s11 =	ssub.s32 s5, s31;
	s30 =	sshrl.u32 s8, $0x3  }
0xa: {  	s9 =	sadd.s32 s6, s4;
	s10 =	sadd.s32 s30, s4;
	s4 =	sadd.s32 s7, s2  }
0xb: {  	s15 =	sor.u32 $0x1C01, s15;
	s11 =	smax.u32 s11, $0x1;
	s5 =	sadd.s32 $0x80, s4  }
0xc: {  	s6 =	sadd.s32 $0x100, s4;
	s7 =	sadd.s32 $0x180, s4;
	s8 =	sadd.s32 $0x200, s4  }
0xd: {  	v0 =	vimm.f32 $0.0e+00;
	v1 =	vimm.f32 $1.000000000e+00;
	s9 =	sadd.s32 $0x6600, s9;
	s10 =	sadd.s32 $0x10600, s10;
	s16 =	sshrl.u32 s4, $0x3  }
.LBB2_1:
0xe: {  	[tilespmem:$0x2800] =	vst v0  }
0xf: {  	[tilespmem:$0x2810] =	vst v0  }
0x10: {  	[tilespmem:$0x2820] =	vst v0  }
0x11: {  	[tilespmem:$0x2830] =	vst v0  }
0x12: {  	[tilespmem:$0x2840] =	vst v0  }
0x13: {  	[tilespmem:$0x2850] =	vst v0  }
0x14: {  	[tilespmem:$0x2860] =	vst v0  }
0x15: {  	[tilespmem:$0x2870] =	vst v0  }
0x16: {  	[spmem:s4] =	stream.linear.scatter [tilespmem:s12], [sflag:$0x1], $0x80, $0x38;
	[tilespmem:$0x2B00] =	vst v63  }
0x17: {  	_ =	swait.ge [sflag:s13], $0x80  }
0x18: {  	[sflag:s13] =	ssyncset.done $0x0  }
0x19: {  	[sflag:s13] =	ssyncadd.s32 $0xFFFFFF80  }
0x1a: {  	[spmem:s5] =	stream.linear.scatter [tilespmem:s12], [sflag:$0x1], $0x80, $0x38;
	[tilespmem:$0x2B00] =	vst v63  }
0x1b: {  	_ =	swait.ge [sflag:s13], $0x80  }
0x1c: {  	[sflag:s13] =	ssyncset.done $0x0  }
0x1d: {  	[sflag:s13] =	ssyncadd.s32 $0xFFFFFF80  }
0x1e: {  	[spmem:s6] =	stream.linear.scatter [tilespmem:s12], [sflag:$0x1], $0x80, $0x38;
	[tilespmem:$0x2B00] =	vst v63  }
0x1f: {  	_ =	swait.ge [sflag:s13], $0x80  }
0x20: {  	[sflag:s13] =	ssyncset.done $0x0  }
0x21: {  	[sflag:s13] =	ssyncadd.s32 $0xFFFFFF80  }
0x22: {  	[spmem:s7] =	stream.linear.scatter [tilespmem:s12], [sflag:$0x1], $0x80, $0x38;
	[tilespmem:$0x2B00] =	vst v63  }
0x23: {  	_ =	swait.ge [sflag:s13], $0x80  }
0x24: {  	[sflag:s13] =	ssyncset.done $0x0  }
0x25: {  	[sflag:s13] =	ssyncadd.s32 $0xFFFFFF80  }
0x26: {  	[spmem:s8] =	stream.linear.scatter [tilespmem:s12], [sflag:$0x1], $0x80, $0x38;
	[tilespmem:$0x2B00] =	vst v63  }
0x27: {  	_ =	swait.ge [sflag:s13], $0x80  }
0x28: {  	[sflag:s13] =	ssyncset.done $0x0  }
0x29: {  	[sflag:s13] =	ssyncadd.s32 $0xFFFFFF80  }
0x2a: {  	[tilespmem:$0x2800] =	vst v1  }
0x2b: {  	[tilespmem:$0x2810] =	vst v1  }
0x2c: {  	[tilespmem:$0x2820] =	vst v1  }
0x2d: {  	[tilespmem:$0x2830] =	vst v1  }
0x2e: {  	[tilespmem:$0x2840] =	vst v1  }
0x2f: {  	[tilespmem:$0x2850] =	vst v1  }
0x30: {  	[tilespmem:$0x2860] =	vst v1  }
0x31: {  	[tilespmem:$0x2870] =	vst v1  }
0x32: {  	[bflag:$0x0] =	sbarrier.arrive $0xFFFF  }
0x33: {  	[tilespmem:s3], [sflag:$0x1] =	stream.linear.gather [hbm4b:s9+s3], $0x2800, $0x38;
	[tilespmem:$0x2B00] =	vst v63  }
0x34: {  	_ =	swait.ge [sflag:s13], $0x2800  }
0x35: {  	[sflag:s13] =	ssyncset.done $0x0  }
0x36: {  	s18 =	simm.s32 $0x0;
	[sflag:s13] =	ssyncadd.s32 $0xFFFFD800  }
0x37: {  	[spmem:s2] =	stream.indirect.scatter.add.f32 [tilespmem:s12], [sflag:$0x1], $0x1, s18, s14, $0xb8;
	[tilespmem:$0x2B00] =	vst v63  }
0x38: {  	_ =	swait.ge [sflag:s13], $0x80  }
0x39: {  	s18 =	simm.s32 $0x200;
	[sflag:s13] =	ssyncset.done $0x0  }
.LBB2_2:
0x3a: {  	s19 =	sshra.s32 s18, $0x2;
	[sflag:s13] =	ssyncadd.s32 $0xFFFFFF80;
	p0 =	sne.s32 s18, $0x9E00  }
0x3b: {  	[spmem:s2] =	stream.indirect.scatter.add.f32 [tilespmem:s12], [sflag:$0x1], $0x1, s19, s14, $0xb8;
	[tilespmem:$0x2B00] =	vst v63  }
.Ltmp0:
0x3c: {  	_ = 	snop;
	(pc) =	sbr.rel @p0 .LBB2_2-.Ltmp0, $4  }
0x3d: {  	_ = 	snop  }
0x3e: {  	s18 =	sadd.s32 $0x200, s18  }
0x3f: {  	_ =	swait.ge [sflag:s13], $0x80  }
0x40: {  	[sflag:s13] =	ssyncset.done $0x0  }
0x41: {  	s17 =	sadd.s32 $0x1, s17  }
0x42: {  	[sflag:s13] =	ssyncadd.s32 $0xFFFFFF80;
	p0 =	sne.s32 s17, s11  }
.Ltmp1:
0x43: {  	[bflag:$0x0] =	sbarrier.arrive $0xFFFF;
	(pc) =	sbr.rel @p0 .LBB2_1-.Ltmp1, $4  }
0x44: {  	[hbm:s10], [sflag:s15] =	dma.local [spmem:s16], $0x50  }
0x45: {  	_ =	swait.ge [sflag:s13], $0x50  }
0x46: {  	[sflag:s13] =	ssyncset.done $0x0  }
0x47: {  	[sflag:s13] =	ssyncadd.s32 $0xFFFFFFB0  }
0x48: {  	_ =	sfence.sel $0x180000  }
0x49: {  	[bflag:$0x0] =	sbarrier.arrive $0xFFFF  }
0x4a: {  	p0 =	sne.s32 s1, $0x0;
	_ =	strace $0x90000047  }
0x4b: {  	s0 =	sadd.s32 @!p0 $0x100000, s0;
	[bflag:$0x2] =	sbarrier.arrive $0xFFFF  }
0x4c: {  	[sflag:s0] =	ssyncadd.tile.s32 @!p0 $0x1;
	_ =	shalt  }
.Lfunc_end2:
_tile_overlayer_lowered:
.L_overlay_start_2:
0x4d: {  	(tag) =	ssettag $0x2  }
0x4e: {  	s0 =	rddreg [dreg:$0x0];
	s2 =	stileid.u32  }
0x4f: {  	s1 =	rddreg [dreg:$0x1];
	p0 =	sne.s32 s2, $0x0  }
0x50: {  	s3 =	rddreg [dreg:$0x2];
	[bflag:$0x3] =	sbarrier.arrive $0xFFFF;
	s2 =	simm.s32 @!p0 $0x1C01  }
0x51: {  	[timem:s3], [sflag:s2] =	dma.local @!p0 [hbm:s0], s1  }
0x52: {  	s0 =	simm.s32 @!p0 $0x1  }
0x53: {  	_ =	swait.ge @!p0 [sflag:s0], s1  }
0x54: {  	s1 =	ssub.s32 @!p0 $0x0, s1;
	[sflag:s0] =	ssyncset.done @!p0 $0x0  }
0x55: {  	[sflag:s0] =	ssyncadd.s32 @!p0 s1  }
0x56: {  	[bflag:$0x3] =	sbarrier.arrive $0xFFFF  }
0x57: {  	_ =	shalt  }

// kernel: kernel.15.cloned.1.call-start
scs
__scs_entry_jumppad:
0x0: {  	(pc) =	sbr.rel $0x88, $3  }
0x1: {  	(tag) =	ssettag $0x0;
	lr =	simm.s32 $0x1  }
0x2: {  	[smem:$0x3F99] =	sst lr;
	_ =	strace $0xD0000000  }
0x3: {  	_ = 	snop  }
0x4: {  	_ = 	snop  }
0x5: {  	_ = 	snop  }
0x6: {  	_ = 	snop  }
0x7: {  	_ = 	snop  }
__scs_overlays_trampoline_lowered:
0x8: {  	[smem:$0x3FA8] =	sst s0  }
0x9: {  	[smem:$0x3FA9] =	sst s1  }
0xa: {  	[smem:$0x3FAA] =	sst s2  }
0xb: {  	[smem:$0x3FAB] =	sst s3  }
0xc: {  	[smem:$0x3FAC] =	sst s4  }
0xd: {  	[smem:$0x3FAD] =	sst s5  }
0xe: {  	[smem:$0x3FAE] =	sst s6  }
0xf: {  	[smem:$0x3FAF] =	sst s7  }
0x10: {  	[smem:$0x3FB0] =	sst s8  }
0x11: {  	[smem:$0x3FB1] =	sst s9;
	s0 =	simm.s32 @!p0 $0x0  }
0x12: {  	s1 =	sld [smem:$0x3F97];
	s0 =	simm.s32 @p0 $0x1  }
0x13: {  	[smem:$0x3FB2] =	sst s0;
	s0 =	simm.s32 @!p1 $0x0  }
0x14: {  	s2 =	sld [smem:$0x3F96];
	s0 =	simm.s32 @p1 $0x1  }
0x15: {  	[smem:$0x3FB3] =	sst s0;
	s0 =	simm.s32 @!p2 $0x0  }
0x16: {  	s3 =	sld [smem:$0x3FDB];
	s0 =	simm.s32 @p2 $0x1  }
0x17: {  	s4 =	simm.s32 $0x1BF5;
	[smem:$0x3FB5] =	sst s0  }
0x18: {  	s0 =	sld [smem:$0x3F98];
	_ =	swait.ge [sflag:s4], $0x0  }
0x19: {  	s7 =	sld [smem:$0x3F99]  }
0x1a: {  	s8 =	sadd.s32 $0xFFFFE003, lr  }
0x1b: {  	s9 =	sadd.s32 $0xFFFFFEF7, lr;
	s5 =	simm.s32 $0xFFFFFFFF;
	p2 =	slt.u32 s8, $0xFFFFF086  }
0x1c: {  	p1 =	slt.u32 s9, $0xF7A;
	s5 =	simm.s32 @!p2 $0x0  }
0x1d: {  	s5 =	simm.s32 @p1 $0x1;
	p0 =	seq.s32 s7, s2  }
0x1e: {  	s7 =	smul.u32 @!p0 $0xF7A, s2;
	p2 =	seq.s32 @!p0 s5, $0x0  }
0x1f: {  	s9 =	smul.u32 $0xF7A, s1;
	s8 =	simm.s32 @!p0 $0x1BF5;
	p2 =	por !p2, p0  }
0x20: {  	[sflag:s8] =	ssyncset.s32 @!p0 $0xFFFFF086;
	s6 =	sadd.s32 @!p0 s3, s7;
	s7 =	simm.s32 @!p0 $0x108  }
0x21: {  	s3 =	sadd.s32 s3, s9;
	s6 =	sadd.s32 @!p0 $0x88, s6;
	s7 =	simm.s32 @p2 $0x1082  }
0x22: {  	[simem:s7], [sflag:s8] =	dma.local @!p0 [hbm:s6], $0xF7A  }
0x23: {  	s9 =	sor.u32 $0xD0000000, s2;
	s6 =	simm.s32 $0x108;
	_ =	swait.ge @!p0 [sflag:s8], $0x0  }
0x24: {  	s3 =	sadd.s32 $0x88, s3;
	s6 =	simm.s32 @!p1 $0x1082;
	[sflag:s4] =	ssyncset.s32 $0xFFFFF086  }
0x25: {  	[simem:s6], [sflag:s4] =	dma.local [hbm:s3], $0xF7A  }
0x26: {  	[smem:$0x3F99] =	sst s1;
	(tag) =	ssettag s2;
	_ =	strace s9  }
0x27: {  	s1 =	sld [smem:$0x3FA9]  }
0x28: {  	s2 =	sld [smem:$0x3FAA]  }
0x29: {  	s4 =	sld [smem:$0x3FAC]  }
0x2a: {  	p0 =	seq.s32 s5, $0x0;
	s5 =	sld [smem:$0x3FAD]  }
0x2b: {  	s6 =	sld [smem:$0x3FAE]  }
0x2c: {  	s7 =	sld [smem:$0x3FAF]  }
0x2d: {  	s3 =	simm.s32 $0x108;
	s8 =	sld [smem:$0x3FB0]  }
0x2e: {  	s3 =	simm.s32 @!p0 $0x1082;
	s9 =	sld [smem:$0x3FB1]  }
0x2f: {  	lr =	sadd.s32 s0, s3;
	s0 =	sld [smem:$0x3FA8]  }
0x30: {  	s3 =	sld [smem:$0x3FAB]  }
0x31: {  	[smem:$0x3FB4] =	sst s10  }
0x32: {  	s10 =	sld [smem:$0x3FB2];
	_ =	sdelay $0x3  }
0x33: {  	p0 =	seq.s32 s10, $0x1;
	s10 =	sld [smem:$0x3FB4];
	_ =	sdelay $0x3  }
0x34: {  	[smem:$0x3FB4] =	sst s10  }
0x35: {  	s10 =	sld [smem:$0x3FB3];
	_ =	sdelay $0x3  }
0x36: {  	p1 =	seq.s32 s10, $0x1;
	s10 =	sld [smem:$0x3FB4];
	_ =	sdelay $0x3  }
0x37: {  	[smem:$0x3FB4] =	sst s10  }
0x38: {  	s10 =	sld [smem:$0x3FB5]  }
0x39: {  	_ = 	snop;
	(pc) =	sbr.ind lr, $3  }
0x3a: {  	_ = 	snop  }
0x3b: {  	_ = 	snop  }
0x3c: {  	p2 =	seq.s32 s10, $0x1;
	s10 =	sld [smem:$0x3FB4]  }
0x3d: {  	_ =	shalt  }
0x3e: {  	_ =	shalt  }
0x3f: {  	_ =	shalt  }
0x40: {  	_ =	shalt  }
0x41: {  	_ =	shalt  }
0x42: {  	_ =	shalt  }
0x43: {  	_ =	shalt  }
0x44: {  	_ =	shalt  }
0x45: {  	_ =	shalt  }
0x46: {  	_ =	shalt  }
0x47: {  	_ =	shalt  }
0x48: {  	_ =	shalt  }
0x49: {  	_ =	shalt  }
0x4a: {  	_ =	shalt  }
0x4b: {  	_ =	shalt  }
0x4c: {  	_ =	shalt  }
0x4d: {  	_ =	shalt  }
0x4e: {  	_ =	shalt  }
0x4f: {  	_ =	shalt  }
0x50: {  	_ =	shalt  }
0x51: {  	_ =	shalt  }
0x52: {  	_ =	shalt  }
0x53: {  	_ =	shalt  }
0x54: {  	_ =	shalt  }
0x55: {  	_ =	shalt  }
0x56: {  	_ =	shalt  }
0x57: {  	_ =	shalt  }
0x58: {  	_ =	shalt  }
0x59: {  	_ =	shalt  }
0x5a: {  	_ =	shalt  }
0x5b: {  	_ =	shalt  }
0x5c: {  	_ =	shalt  }
0x5d: {  	_ =	shalt  }
0x5e: {  	_ =	shalt  }
0x5f: {  	_ =	shalt  }
0x60: {  	_ =	shalt  }
0x61: {  	_ =	shalt  }
0x62: {  	_ =	shalt  }
0x63: {  	_ =	shalt  }
0x64: {  	_ =	shalt  }
0x65: {  	_ =	shalt  }
0x66: {  	_ =	shalt  }
0x67: {  	_ =	shalt  }
0x68: {  	_ =	shalt  }
0x69: {  	_ =	shalt  }
0x6a: {  	_ =	shalt  }
0x6b: {  	_ =	shalt  }
0x6c: {  	_ =	shalt  }
0x6d: {  	_ =	shalt  }
0x6e: {  	_ =	shalt  }
0x6f: {  	_ =	shalt  }
0x70: {  	_ =	shalt  }
0x71: {  	_ =	shalt  }
0x72: {  	_ =	shalt  }
0x73: {  	_ =	shalt  }
0x74: {  	_ =	shalt  }
0x75: {  	_ =	shalt  }
0x76: {  	_ =	shalt  }
0x77: {  	_ =	shalt  }
0x78: {  	_ =	shalt  }
0x79: {  	_ =	shalt  }
0x7a: {  	_ =	shalt  }
0x7b: {  	_ =	shalt  }
0x7c: {  	_ =	shalt  }
0x7d: {  	_ =	shalt  }
0x7e: {  	_ =	shalt  }
0x7f: {  	_ =	shalt  }
0x80: {  	_ =	shalt  }
0x81: {  	_ =	shalt  }
0x82: {  	_ =	shalt  }
0x83: {  	_ =	shalt  }
0x84: {  	_ =	shalt  }
0x85: {  	_ =	shalt  }
0x86: {  	_ =	shalt  }
0x87: {  	_ =	shalt  }
.Lfunc_end0:
.L_simem_size_0:
called_computation.1_lowered:
.L_overlay_start_0:
0x88: {  	s2 =	sld [smem:$0x3FD9]  }
0x89: {  	s3 =	sld [smem:$0x3FFE];
	_ =	sdelay $0x1  }
0x8a: {  	s1 =	srdreg.scid  }
0x8b: {  	s0 =	sand.u32 $0x1, s1  }
0x8c: {  	s16 =	sshll.u32 s0, $0xA;
	s2 =	sadd.s32 s3, s2  }
0x8d: {  	s2 =	sadd.s32 s2, s16  }
0x8e: {  	[smem:$0x3FC0] =	sst s2  }
0x8f: {  	_ = 	snop  }
0x90: {  	(tm) =	ssettm $0x1  }
0x91: {  	s17 =	sld [smem:$0x3FFB];
	_ =	sdelay $0x3  }
0x92: {  	_ =	strace s17  }
0x93: {  	s2 =	sld [smem:$0x3FFC];
	_ =	sdelay $0x3  }
0x94: {  	_ =	strace s2  }
0x95: {  	s2 =	sld [smem:$0x3FFD];
	_ =	sdelay $0x3  }
0x96: {  	_ =	strace s2  }
0x97: {  	_ =	strace $0x8FFFFFFF  }
0x98: {  	s18 =	sld [smem:$0x3FDB];
	_ =	sdelay $0x1  }
0x99: {  	s19 =	simm.s32 $_scs_section_size  }
0x9a: {  	s4 =	simm.s32 $_size__tile_overlayer_lowered;
	s5 =	simm.s32 $_tile_overlayer_lowered  }
0x9b: {  	s22 =	simm.s32 $0x1BFF;
	s21 =	sshll.u32 s5, $0x1;
	s2 =	sadd.s32 s19, s18  }
0x9c: {  	s6 =	simm.s32 $0x0;
	s20 =	sshll.u32 s4, $0x1;
	s4 =	sadd.s32 s21, s2  }
0x9d: {  	[timem:s6], [sflag:s22] =	dma.local [hbm:s4], s20  }
0x9e: {  	_ =	swait.ge [sflag:s22], s20  }
0x9f: {  	s3 =	ssub.s32 $0x0, s20;
	[sflag:s22] =	ssyncset.done $0x0  }
0xa0: {  	[sflag:s22] =	ssyncadd.s32 s3;
	_ =	sdelay $0x1  }
0xa1: {  	s23 =	simm.s32 $0x1B8B  }
0xa2: {  	_ =	swait.ge [sflag:s23], $0x1  }
0xa3: {  	[sflag:s23] =	ssyncset.done $0x0  }
0xa4: {  	s25 =	simm.s32 $0x1B8E;
	s24 =	sld [smem:$0x3FFE];
	[sflag:s23] =	ssyncadd.s32 $0xFFFFFFFF  }
0xa5: {  	s26 =	simm.s32 $execute0_lowered;
	[smem:$0x3FD2] =	sst s25  }
0xa6: {  	s4 =	sshll.u32 s26, $0x1;
	_ =	strace $0x80000049;
	[dreg:$0x1] =	wrdreg $0xFFFFFFFF  }
0xa7: {  	s28 =	simm.s32 $_size_execute0_lowered;
	s2 =	sadd.s32 s2, s4;
	[dreg:$0x0] =	wrdreg $0x0  }
0xa8: {  	s4 =	sshll.u32 s28, $0x1;
	[dreg:$0x2] =	wrdreg s2  }
0xa9: {  	[dreg:$0x3] =	wrdreg s4  }
0xaa: {  	[dreg:$0x4] =	wrdreg $0xC0  }
0xab: {  	_ =	task [dreg:s6], $0x5FFFF  }
0xac: {  	[dreg:$0x1] =	wrdreg $0xFFFFFFFF  }
0xad: {  	[dreg:$0x0] =	wrdreg $0x60  }
0xae: {  	[dreg:$0x2] =	wrdreg s24  }
0xaf: {  	[dreg:$0x3] =	wrdreg $0x90000  }
0xb0: {  	[dreg:$0x4] =	wrdreg $0x9  }
0xb1: {  	_ =	task.clear_ibuf [dreg:s6], $0x5FFFF;
	_ =	strace $0x90000049  }
0xb2: {  	s29 =	simm.s32 $0x9;
	_ =	strace $0x8000004B  }
0xb3: {  	_ =	swait.ge [sflag:s29], $0x1  }
0xb4: {  	[sflag:s29] =	ssyncadd.s32 $0xFFFFFFFF  }
0xb5: {  	_ =	strace $0x9000004B  }
0xb6: {  	_ =	sfence  }
0xb7: {  	s30 =	sld [smem:$0x0];
	_ =	sdelay $0x2  }
0xb8: {  	s31 =	sshll.u32 s1, $0xD;
	s1 =	sshrl.u32 s1, $0x2  }
0xb9: {  	s3 =	sand.u32 $0x4000, s31;
	s1 =	sadd.s32 s1, s30  }
0xba: {  	s0 =	sor.u32 s3, s0;
	s1 =	sshll.u32 s1, $0x11  }
0xbb: {  	s0 =	sor.u32 s1, s0  }
0xbc: {  	s0 =	sadd.s32 $0x8F2B, s0  }
0xbd: {  	[sflag:s0] =	ssyncadd.remote.s32 $0x1  }
0xbe: {  	_ =	sfence.sel $0xFFFF  }
0xbf: {  	[dreg:$0x0] =	wrdreg $0xFFFFFFFF;
	(pc) =	sbr.abs _section_cstart, $3  }
0xc0: {  	[dreg:$0x1] =	wrdreg $0xFFFFFFFF  }
0xc1: {  	_ =	task.clear_ibuf [dreg:s6], $0x2FFFF;
	_ =	strace $0x9FFFFFFF  }
0xc2: {  	(tm) =	ssettm $0x7FFFFFFF  }
0xc3: {  	_ =	shalt  }
tec
execute0_lowered:
.L_overlay_start_1:
0x0: {  	(tag) =	ssettag $0x1  }
0x1: {  	s0 =	srdreg.scid;
	s6 =	rddreg [dreg:$0x0]  }
0x2: {  	s2 =	rddreg [dreg:$0x1];
	s3 =	simm.s32 $0x0;
	s14 =	simm.s32 $0x5000  }
0x3: {  	s15 =	simm.s32 $0x2;
	s16 =	simm.s32 $0x2800;
	s5 =	sand.u32 $0x1, s0  }
0x4: {  	s17 =	simm.s32 $0x80;
	s0 =	stileid.u32;
	s7 =	smul.u32 $0x140000, s5  }
0x5: {  	s18 =	simm.s32 $0x1;
	[smem:$0x7FF] =	sst s3;
	s8 =	smul.u32 $0x14000, s0  }
0x6: {  	s1 =	sshll.u32 s5, $0x4;
	s9 =	smul.u32 $0x50000, s0;
	s29 =	ssub.s32 $0x2, s5  }
0x7: {  	s19 =	sshll.u32 s0, $0x6;
	s1 =	sor.u32 s0, s1;
	s31 =	sshrl.u32 s29, $0x1  }
0x8: {  	s19 =	sor.u32 $0x1C02, s19;
	s4 =	smul.u32 $0x500, s1;
	s1 =	rddreg [dreg:$0x2]  }
0x9: {  	_ =	strace $0x8000004A;
	s7 =	sadd.s32 s8, s7;
	s30 =	sshrl.u32 s9, $0x2  }
0xa: {  	s13 =	ssub.s32 s29, s31;
	s7 =	sshrl.u32 s7, $0x3;
	s5 =	sadd.s32 s30, s2  }
0xb: {  	s13 =	smax.u32 s13, $0x1;
	s11 =	sadd.s32 s4, s6;
	s4 =	sadd.s32 $0x1C400, s6  }
0xc: {  	s12 =	sadd.s32 s7, s6;
	s6 =	sadd.s32 $0x4000, s5;
	s7 =	sadd.s32 $0x8000, s5  }
0xd: {  	s8 =	sadd.s32 $0xC000, s5;
	s9 =	sadd.s32 $0x10000, s5;
	s20 =	sshrl.u32 s5, $0x3  }
0xe: {  	v0 =	vimm.f32 $0.0e+00;
	s10 =	sadd.s32 $0x12400, s11;
	s11 =	sadd.s32 $0x6600, s11;
	s12 =	sadd.s32 $0xB8C00, s12  }
.LBB2_1:
0xf: {  	s21 =	simm.s32 $0x0;
	s22 =	simm.s32 $0x200  }
.LBB2_2:
0x10: {  	p0 =	sne.s32 s22, $0xFE00;
	[tilespmem:s21+$0x5070] =	vst v0  }
0x11: {  	[tilespmem:s21+$0x5000] =	vst v0  }
0x12: {  	[tilespmem:s21+$0x5010] =	vst v0  }
.Ltmp0:
0x13: {  	[tilespmem:s21+$0x5020] =	vst v0;
	(pc) =	sbr.rel @p0 .LBB2_2-.Ltmp0, $4  }
0x14: {  	[tilespmem:s21+$0x5030] =	vst v0  }
0x15: {  	[tilespmem:s21+$0x5040] =	vst v0  }
0x16: {  	[tilespmem:s21+$0x5050] =	vst v0  }
0x17: {  	[tilespmem:s21+$0x5060] =	vst v0;
	s21 =	sshra.s32 s22, $0x2;
	s22 =	sadd.s32 $0x200, s22  }
0x18: {  	[tilespmem:s21+$0x5070] =	vst v0  }
0x19: {  	[tilespmem:s21+$0x5000] =	vst v0  }
0x1a: {  	[tilespmem:s21+$0x5010] =	vst v0  }
0x1b: {  	[tilespmem:s21+$0x5020] =	vst v0  }
0x1c: {  	[tilespmem:s21+$0x5030] =	vst v0  }
0x1d: {  	[tilespmem:s21+$0x5040] =	vst v0  }
0x1e: {  	[tilespmem:s21+$0x5050] =	vst v0  }
0x1f: {  	[tilespmem:s21+$0x5060] =	vst v0  }
0x20: {  	[spmem:s5] =	stream.linear.scatter [tilespmem:s14], [sflag:$0x2], $0x4000, $0x38;
	[tilespmem:$0x1D000] =	vst v63  }
0x21: {  	_ =	swait.ge [sflag:s15], $0x4000  }
0x22: {  	[sflag:s15] =	ssyncset.done $0x0  }
0x23: {  	[sflag:s15] =	ssyncadd.s32 $0xFFFFC000  }
0x24: {  	[spmem:s6] =	stream.linear.scatter [tilespmem:s14], [sflag:$0x2], $0x4000, $0x38;
	[tilespmem:$0x1D000] =	vst v63  }
0x25: {  	_ =	swait.ge [sflag:s15], $0x4000  }
0x26: {  	[sflag:s15] =	ssyncset.done $0x0  }
0x27: {  	[sflag:s15] =	ssyncadd.s32 $0xFFFFC000  }
0x28: {  	[spmem:s7] =	stream.linear.scatter [tilespmem:s14], [sflag:$0x2], $0x4000, $0x38;
	[tilespmem:$0x1D000] =	vst v63  }
0x29: {  	_ =	swait.ge [sflag:s15], $0x4000  }
0x2a: {  	[sflag:s15] =	ssyncset.done $0x0  }
0x2b: {  	[sflag:s15] =	ssyncadd.s32 $0xFFFFC000  }
0x2c: {  	[spmem:s8] =	stream.linear.scatter [tilespmem:s14], [sflag:$0x2], $0x4000, $0x38;
	[tilespmem:$0x1D000] =	vst v63  }
0x2d: {  	_ =	swait.ge [sflag:s15], $0x4000  }
0x2e: {  	[sflag:s15] =	ssyncset.done $0x0  }
0x2f: {  	[sflag:s15] =	ssyncadd.s32 $0xFFFFC000  }
0x30: {  	[spmem:s9] =	stream.linear.scatter [tilespmem:s14], [sflag:$0x2], $0x4000, $0x38;
	[tilespmem:$0x1D000] =	vst v63  }
0x31: {  	_ =	swait.ge [sflag:s15], $0x4000  }
0x32: {  	[sflag:s15] =	ssyncset.done $0x0  }
0x33: {  	[sflag:s15] =	ssyncadd.s32 $0xFFFFC000  }
0x34: {  	s29 =	simm.s32 $0x0;
	[bflag:$0x0] =	sbarrier.arrive $0xFFFF  }
0x35: {  	[tilespmem:s29], [sflag:$0x2] =	stream.linear.gather [hbm4b:s10+s29], $0x2800, $0x38;
	[tilespmem:$0x1D000] =	vst v63  }
0x36: {  	_ =	swait.ge [sflag:s15], $0x2800  }
0x37: {  	[sflag:s15] =	ssyncset.done $0x0  }
0x38: {  	[sflag:s15] =	ssyncadd.s32 $0xFFFFD800  }
0x39: {  	[tilespmem:s16], [sflag:$0x2] =	stream.linear.gather [hbm4b:s11+s29], $0x2800, $0x38;
	[tilespmem:$0x1D000] =	vst v63  }
0x3a: {  	_ =	swait.ge [sflag:s15], $0x2800  }
0x3b: {  	[sflag:s15] =	ssyncset.done $0x0  }
0x3c: {  	s30 =	simm.s32 $0x0;
	[sflag:s15] =	ssyncadd.s32 $0xFFFFD800  }
0x3d: {  	[tilespmem:s14], [sflag:$0x1] =	stream.indirect.gather [hbm4b:s4+s17], $0x80, s30, s17, $0xb8;
	[tilespmem:$0x1D000] =	vst v63  }
0x3e: {  	_ =	swait.ge [sflag:s18], $0x4000  }
0x3f: {  	[sflag:s18] =	ssyncset.done $0x0  }
0x40: {  	s31 =	simm.s32 $0x2800;
	[sflag:s18] =	ssyncadd.s32 $0xFFFFC000  }
0x41: {  	[spmem:s2] =	stream.indirect.scatter.add.f32 [tilespmem:s14], [sflag:$0x2], $0x80, s31, s17, $0xb8;
	[tilespmem:$0x1D000] =	vst v63  }
0x42: {  	_ =	swait.ge [sflag:s15], $0x4000  }
0x43: {  	s21 =	simm.s32 $0x200;
	s22 =	simm.s32 $0x400;
	[sflag:s15] =	ssyncset.done $0x0  }
.LBB2_4:
0x44: {  	s23 =	sshra.s32 s21, $0x2  }
0x45: {  	[sflag:s15] =	ssyncadd.s32 $0xFFFFC000;
	s21 =	smov.u32 s22;
	s24 =	sadd.s32 $0x200, s22  }
0x46: {  	[tilespmem:s14], [sflag:$0x1] =	stream.indirect.gather [hbm4b:s4+s17], $0x80, s23, s17, $0xb8;
	[tilespmem:$0x1D000] =	vst v63  }
0x47: {  	p0 =	sne.s32 s22, $0x9E00;
	_ =	swait.ge [sflag:s18], $0x4000  }
.Ltmp1:
0x48: {  	[sflag:s18] =	ssyncset.done $0x0;
	(pc) =	sbr.rel @p0 .LBB2_4-.Ltmp1, $4  }
0x49: {  	s22 =	sadd.s32 $0x2800, s23;
	[sflag:s18] =	ssyncadd.s32 $0xFFFFC000  }
0x4a: {  	[spmem:s2] =	stream.indirect.scatter.add.f32 [tilespmem:s14], [sflag:$0x2], $0x80, s22, s17, $0xb8;
	[tilespmem:$0x1D000] =	vst v63  }
0x4b: {  	_ =	swait.ge [sflag:s15], $0x4000  }
0x4c: {  	s22 =	smov.u32 s24;
	[sflag:s15] =	ssyncset.done $0x0  }
0x4d: {  	s21 =	sshra.s32 s21, $0x2;
	[sflag:s15] =	ssyncadd.s32 $0xFFFFC000  }
0x4e: {  	[tilespmem:s14], [sflag:$0x1] =	stream.indirect.gather [hbm4b:s4+s17], $0x80, s21, s17, $0xb8;
	[tilespmem:$0x1D000] =	vst v63  }
0x4f: {  	_ =	swait.ge [sflag:s18], $0x4000  }
0x50: {  	[sflag:s18] =	ssyncset.done $0x0  }
0x51: {  	s21 =	sadd.s32 $0x2800, s21;
	[sflag:s18] =	ssyncadd.s32 $0xFFFFC000  }
0x52: {  	[spmem:s2] =	stream.indirect.scatter.add.f32 [tilespmem:s14], [sflag:$0x2], $0x80, s21, s17, $0xb8;
	[tilespmem:$0x1D000] =	vst v63  }
0x53: {  	_ =	swait.ge [sflag:s15], $0x4000  }
0x54: {  	s3 =	sadd.s32 $0x1, s3;
	[sflag:s15] =	ssyncset.done $0x0  }
0x55: {  	p0 =	sne.s32 s3, s13;
	[sflag:s15] =	ssyncadd.s32 $0xFFFFC000  }
.Ltmp2:
0x56: {  	[bflag:$0x0] =	sbarrier.arrive $0xFFFF;
	(pc) =	sbr.rel @p0 .LBB2_1-.Ltmp2, $4  }
0x57: {  	[hbm:s12], [sflag:s19] =	dma.local [spmem:s20], $0x2800  }
0x58: {  	_ =	swait.ge [sflag:s15], $0x2800  }
0x59: {  	[sflag:s15] =	ssyncset.done $0x0  }
0x5a: {  	[sflag:s15] =	ssyncadd.s32 $0xFFFFD800  }
0x5b: {  	_ =	sfence.sel $0x180000  }
0x5c: {  	[bflag:$0x0] =	sbarrier.arrive $0xFFFF  }
0x5d: {  	p0 =	sne.s32 s0, $0x0;
	_ =	strace $0x9000004A  }
0x5e: {  	s0 =	sadd.s32 @!p0 $0x100000, s1;
	[bflag:$0x2] =	sbarrier.arrive $0xFFFF  }
0x5f: {  	[sflag:s0] =	ssyncadd.tile.s32 @!p0 $0x1;
	_ =	shalt  }
.Lfunc_end2:
_tile_overlayer_lowered:
.L_overlay_start_2:
0x60: {  	(tag) =	ssettag $0x2  }
0x61: {  	s0 =	rddreg [dreg:$0x0];
	s2 =	stileid.u32  }
0x62: {  	s1 =	rddreg [dreg:$0x1];
	p0 =	sne.s32 s2, $0x0  }
0x63: {  	s3 =	rddreg [dreg:$0x2];
	[bflag:$0x3] =	sbarrier.arrive $0xFFFF;
	s2 =	simm.s32 @!p0 $0x1C02  }
0x64: {  	[timem:s3], [sflag:s2] =	dma.local @!p0 [hbm:s0], s1  }
0x65: {  	s0 =	simm.s32 @!p0 $0x2  }
0x66: {  	_ =	swait.ge @!p0 [sflag:s0], s1  }
0x67: {  	s1 =	ssub.s32 @!p0 $0x0, s1;
	[sflag:s0] =	ssyncset.done @!p0 $0x0  }
0x68: {  	[sflag:s0] =	ssyncadd.s32 @!p0 s1  }
0x69: {  	[bflag:$0x3] =	sbarrier.arrive $0xFFFF  }
0x6a: {  	_ =	shalt  }

// kernel: kernel.18.cloned.1.call-start
scs
__scs_entry_jumppad:
0x0: {  	(pc) =	sbr.rel $0x88, $3  }
0x1: {  	(tag) =	ssettag $0x0;
	lr =	simm.s32 $0x1  }
0x2: {  	[smem:$0x3F99] =	sst lr;
	_ =	strace $0xD0000000  }
0x3: {  	_ = 	snop  }
0x4: {  	_ = 	snop  }
0x5: {  	_ = 	snop  }
0x6: {  	_ = 	snop  }
0x7: {  	_ = 	snop  }
__scs_overlays_trampoline_lowered:
0x8: {  	[smem:$0x3FA8] =	sst s0  }
0x9: {  	[smem:$0x3FA9] =	sst s1  }
0xa: {  	[smem:$0x3FAA] =	sst s2  }
0xb: {  	[smem:$0x3FAB] =	sst s3  }
0xc: {  	[smem:$0x3FAC] =	sst s4  }
0xd: {  	[smem:$0x3FAD] =	sst s5  }
0xe: {  	[smem:$0x3FAE] =	sst s6  }
0xf: {  	[smem:$0x3FAF] =	sst s7  }
0x10: {  	[smem:$0x3FB0] =	sst s8  }
0x11: {  	[smem:$0x3FB1] =	sst s9;
	s0 =	simm.s32 @!p0 $0x0  }
0x12: {  	s1 =	sld [smem:$0x3F97];
	s0 =	simm.s32 @p0 $0x1  }
0x13: {  	[smem:$0x3FB2] =	sst s0;
	s0 =	simm.s32 @!p1 $0x0  }
0x14: {  	s2 =	sld [smem:$0x3F96];
	s0 =	simm.s32 @p1 $0x1  }
0x15: {  	[smem:$0x3FB3] =	sst s0;
	s0 =	simm.s32 @!p2 $0x0  }
0x16: {  	s3 =	sld [smem:$0x3FDB];
	s0 =	simm.s32 @p2 $0x1  }
0x17: {  	s4 =	simm.s32 $0x1BF5;
	[smem:$0x3FB5] =	sst s0  }
0x18: {  	s0 =	sld [smem:$0x3F98];
	_ =	swait.ge [sflag:s4], $0x0  }
0x19: {  	s7 =	sld [smem:$0x3F99]  }
0x1a: {  	s8 =	sadd.s32 $0xFFFFE003, lr  }
0x1b: {  	s9 =	sadd.s32 $0xFFFFFEF7, lr;
	s5 =	simm.s32 $0xFFFFFFFF;
	p2 =	slt.u32 s8, $0xFFFFF086  }
0x1c: {  	p1 =	slt.u32 s9, $0xF7A;
	s5 =	simm.s32 @!p2 $0x0  }
0x1d: {  	s5 =	simm.s32 @p1 $0x1;
	p0 =	seq.s32 s7, s2  }
0x1e: {  	s7 =	smul.u32 @!p0 $0xF7A, s2;
	p2 =	seq.s32 @!p0 s5, $0x0  }
0x1f: {  	s9 =	smul.u32 $0xF7A, s1;
	s8 =	simm.s32 @!p0 $0x1BF5;
	p2 =	por !p2, p0  }
0x20: {  	[sflag:s8] =	ssyncset.s32 @!p0 $0xFFFFF086;
	s6 =	sadd.s32 @!p0 s3, s7;
	s7 =	simm.s32 @!p0 $0x108  }
0x21: {  	s3 =	sadd.s32 s3, s9;
	s6 =	sadd.s32 @!p0 $0x88, s6;
	s7 =	simm.s32 @p2 $0x1082  }
0x22: {  	[simem:s7], [sflag:s8] =	dma.local @!p0 [hbm:s6], $0xF7A  }
0x23: {  	s9 =	sor.u32 $0xD0000000, s2;
	s6 =	simm.s32 $0x108;
	_ =	swait.ge @!p0 [sflag:s8], $0x0  }
0x24: {  	s3 =	sadd.s32 $0x88, s3;
	s6 =	simm.s32 @!p1 $0x1082;
	[sflag:s4] =	ssyncset.s32 $0xFFFFF086  }
0x25: {  	[simem:s6], [sflag:s4] =	dma.local [hbm:s3], $0xF7A  }
0x26: {  	[smem:$0x3F99] =	sst s1;
	(tag) =	ssettag s2;
	_ =	strace s9  }
0x27: {  	s1 =	sld [smem:$0x3FA9]  }
0x28: {  	s2 =	sld [smem:$0x3FAA]  }
0x29: {  	s4 =	sld [smem:$0x3FAC]  }
0x2a: {  	p0 =	seq.s32 s5, $0x0;
	s5 =	sld [smem:$0x3FAD]  }
0x2b: {  	s6 =	sld [smem:$0x3FAE]  }
0x2c: {  	s7 =	sld [smem:$0x3FAF]  }
0x2d: {  	s3 =	simm.s32 $0x108;
	s8 =	sld [smem:$0x3FB0]  }
0x2e: {  	s3 =	simm.s32 @!p0 $0x1082;
	s9 =	sld [smem:$0x3FB1]  }
0x2f: {  	lr =	sadd.s32 s0, s3;
	s0 =	sld [smem:$0x3FA8]  }
0x30: {  	s3 =	sld [smem:$0x3FAB]  }
0x31: {  	[smem:$0x3FB4] =	sst s10  }
0x32: {  	s10 =	sld [smem:$0x3FB2];
	_ =	sdelay $0x3  }
0x33: {  	p0 =	seq.s32 s10, $0x1;
	s10 =	sld [smem:$0x3FB4];
	_ =	sdelay $0x3  }
0x34: {  	[smem:$0x3FB4] =	sst s10  }
0x35: {  	s10 =	sld [smem:$0x3FB3];
	_ =	sdelay $0x3  }
0x36: {  	p1 =	seq.s32 s10, $0x1;
	s10 =	sld [smem:$0x3FB4];
	_ =	sdelay $0x3  }
0x37: {  	[smem:$0x3FB4] =	sst s10  }
0x38: {  	s10 =	sld [smem:$0x3FB5]  }
0x39: {  	_ = 	snop;
	(pc) =	sbr.ind lr, $3  }
0x3a: {  	_ = 	snop  }
0x3b: {  	_ = 	snop  }
0x3c: {  	p2 =	seq.s32 s10, $0x1;
	s10 =	sld [smem:$0x3FB4]  }
0x3d: {  	_ =	shalt  }
0x3e: {  	_ =	shalt  }
0x3f: {  	_ =	shalt  }
0x40: {  	_ =	shalt  }
0x41: {  	_ =	shalt  }
0x42: {  	_ =	shalt  }
0x43: {  	_ =	shalt  }
0x44: {  	_ =	shalt  }
0x45: {  	_ =	shalt  }
0x46: {  	_ =	shalt  }
0x47: {  	_ =	shalt  }
0x48: {  	_ =	shalt  }
0x49: {  	_ =	shalt  }
0x4a: {  	_ =	shalt  }
0x4b: {  	_ =	shalt  }
0x4c: {  	_ =	shalt  }
0x4d: {  	_ =	shalt  }
0x4e: {  	_ =	shalt  }
0x4f: {  	_ =	shalt  }
0x50: {  	_ =	shalt  }
0x51: {  	_ =	shalt  }
0x52: {  	_ =	shalt  }
0x53: {  	_ =	shalt  }
0x54: {  	_ =	shalt  }
0x55: {  	_ =	shalt  }
0x56: {  	_ =	shalt  }
0x57: {  	_ =	shalt  }
0x58: {  	_ =	shalt  }
0x59: {  	_ =	shalt  }
0x5a: {  	_ =	shalt  }
0x5b: {  	_ =	shalt  }
0x5c: {  	_ =	shalt  }
0x5d: {  	_ =	shalt  }
0x5e: {  	_ =	shalt  }
0x5f: {  	_ =	shalt  }
0x60: {  	_ =	shalt  }
0x61: {  	_ =	shalt  }
0x62: {  	_ =	shalt  }
0x63: {  	_ =	shalt  }
0x64: {  	_ =	shalt  }
0x65: {  	_ =	shalt  }
0x66: {  	_ =	shalt  }
0x67: {  	_ =	shalt  }
0x68: {  	_ =	shalt  }
0x69: {  	_ =	shalt  }
0x6a: {  	_ =	shalt  }
0x6b: {  	_ =	shalt  }
0x6c: {  	_ =	shalt  }
0x6d: {  	_ =	shalt  }
0x6e: {  	_ =	shalt  }
0x6f: {  	_ =	shalt  }
0x70: {  	_ =	shalt  }
0x71: {  	_ =	shalt  }
0x72: {  	_ =	shalt  }
0x73: {  	_ =	shalt  }
0x74: {  	_ =	shalt  }
0x75: {  	_ =	shalt  }
0x76: {  	_ =	shalt  }
0x77: {  	_ =	shalt  }
0x78: {  	_ =	shalt  }
0x79: {  	_ =	shalt  }
0x7a: {  	_ =	shalt  }
0x7b: {  	_ =	shalt  }
0x7c: {  	_ =	shalt  }
0x7d: {  	_ =	shalt  }
0x7e: {  	_ =	shalt  }
0x7f: {  	_ =	shalt  }
0x80: {  	_ =	shalt  }
0x81: {  	_ =	shalt  }
0x82: {  	_ =	shalt  }
0x83: {  	_ =	shalt  }
0x84: {  	_ =	shalt  }
0x85: {  	_ =	shalt  }
0x86: {  	_ =	shalt  }
0x87: {  	_ =	shalt  }
.Lfunc_end0:
.L_simem_size_0:
called_computation.2_lowered:
.L_overlay_start_0:
0x88: {  	s2 =	sld [smem:$0x3FD9]  }
0x89: {  	s3 =	sld [smem:$0x3FFE];
	_ =	sdelay $0x1  }
0x8a: {  	s1 =	srdreg.scid  }
0x8b: {  	s0 =	sand.u32 $0x1, s1  }
0x8c: {  	s16 =	sshll.u32 s0, $0xA;
	s2 =	sadd.s32 s3, s2  }
0x8d: {  	s2 =	sadd.s32 s2, s16  }
0x8e: {  	[smem:$0x3FC0] =	sst s2  }
0x8f: {  	_ = 	snop  }
0x90: {  	(tm) =	ssettm $0x1  }
0x91: {  	s17 =	sld [smem:$0x3FFB];
	_ =	sdelay $0x3  }
0x92: {  	_ =	strace s17  }
0x93: {  	s2 =	sld [smem:$0x3FFC];
	_ =	sdelay $0x3  }
0x94: {  	_ =	strace s2  }
0x95: {  	s2 =	sld [smem:$0x3FFD];
	_ =	sdelay $0x3  }
0x96: {  	_ =	strace s2  }
0x97: {  	_ =	strace $0x8FFFFFFF  }
0x98: {  	s18 =	sld [smem:$0x3FDB];
	_ =	sdelay $0x1  }
0x99: {  	s19 =	simm.s32 $_scs_section_size  }
0x9a: {  	s4 =	simm.s32 $_size__tile_overlayer_lowered;
	s5 =	simm.s32 $_tile_overlayer_lowered  }
0x9b: {  	s22 =	simm.s32 $0x1BFF;
	s21 =	sshll.u32 s5, $0x1;
	s2 =	sadd.s32 s19, s18  }
0x9c: {  	s6 =	simm.s32 $0x0;
	s20 =	sshll.u32 s4, $0x1;
	s4 =	sadd.s32 s21, s2  }
0x9d: {  	[timem:s6], [sflag:s22] =	dma.local [hbm:s4], s20  }
0x9e: {  	_ =	swait.ge [sflag:s22], s20  }
0x9f: {  	s3 =	ssub.s32 $0x0, s20;
	[sflag:s22] =	ssyncset.done $0x0  }
0xa0: {  	[sflag:s22] =	ssyncadd.s32 s3;
	_ =	sdelay $0x1  }
0xa1: {  	s23 =	simm.s32 $0x1B8B  }
0xa2: {  	_ =	swait.ge [sflag:s23], $0x1  }
0xa3: {  	[sflag:s23] =	ssyncset.done $0x0  }
0xa4: {  	s25 =	simm.s32 $0x1B8E;
	s24 =	sld [smem:$0x3FFE];
	[sflag:s23] =	ssyncadd.s32 $0xFFFFFFFF  }
0xa5: {  	s26 =	simm.s32 $execute0_lowered;
	[smem:$0x3FD2] =	sst s25  }
0xa6: {  	s4 =	sshll.u32 s26, $0x1;
	_ =	strace $0x8000004C;
	[dreg:$0x1] =	wrdreg $0xFFFFFFFF  }
0xa7: {  	s28 =	simm.s32 $_size_execute0_lowered;
	s2 =	sadd.s32 s2, s4;
	[dreg:$0x0] =	wrdreg $0x0  }
0xa8: {  	s4 =	sshll.u32 s28, $0x1;
	[dreg:$0x2] =	wrdreg s2  }
0xa9: {  	[dreg:$0x3] =	wrdreg s4  }
0xaa: {  	[dreg:$0x4] =	wrdreg $0xC0  }
0xab: {  	_ =	task [dreg:s6], $0x5FFFF  }
0xac: {  	[dreg:$0x1] =	wrdreg $0xFFFFFFFF  }
0xad: {  	[dreg:$0x0] =	wrdreg $0x60  }
0xae: {  	[dreg:$0x2] =	wrdreg s24  }
0xaf: {  	[dreg:$0x3] =	wrdreg $0x90000  }
0xb0: {  	[dreg:$0x4] =	wrdreg $0x9  }
0xb1: {  	_ =	task.clear_ibuf [dreg:s6], $0x5FFFF;
	_ =	strace $0x9000004C  }
0xb2: {  	s29 =	simm.s32 $0x9;
	_ =	strace $0x8000004E  }
0xb3: {  	_ =	swait.ge [sflag:s29], $0x1  }
0xb4: {  	[sflag:s29] =	ssyncadd.s32 $0xFFFFFFFF  }
0xb5: {  	_ =	strace $0x9000004E  }
0xb6: {  	_ =	sfence  }
0xb7: {  	s30 =	sld [smem:$0x0];
	_ =	sdelay $0x2  }
0xb8: {  	s31 =	sshll.u32 s1, $0xD;
	s1 =	sshrl.u32 s1, $0x2  }
0xb9: {  	s3 =	sand.u32 $0x4000, s31;
	s1 =	sadd.s32 s1, s30  }
0xba: {  	s0 =	sor.u32 s3, s0;
	s1 =	sshll.u32 s1, $0x11  }
0xbb: {  	s0 =	sor.u32 s1, s0  }
0xbc: {  	s0 =	sadd.s32 $0x8F2B, s0  }
0xbd: {  	[sflag:s0] =	ssyncadd.remote.s32 $0x1  }
0xbe: {  	_ =	sfence.sel $0xFFFF  }
0xbf: {  	[dreg:$0x0] =	wrdreg $0xFFFFFFFF;
	(pc) =	sbr.abs _section_cstart, $3  }
0xc0: {  	[dreg:$0x1] =	wrdreg $0xFFFFFFFF  }
0xc1: {  	_ =	task.clear_ibuf [dreg:s6], $0x2FFFF;
	_ =	strace $0x9FFFFFFF  }
0xc2: {  	(tm) =	ssettm $0x7FFFFFFF  }
0xc3: {  	_ =	shalt  }
tec
execute0_lowered:
.L_overlay_start_1:
0x0: {  	(tag) =	ssettag $0x1  }
0x1: {  	s0 =	srdreg.scid;
	s6 =	rddreg [dreg:$0x0]  }
0x2: {  	s2 =	rddreg [dreg:$0x1];
	s3 =	simm.s32 $0x0;
	s14 =	simm.s32 $0x5000  }
0x3: {  	s15 =	simm.s32 $0x2;
	s16 =	simm.s32 $0x2800;
	s5 =	sand.u32 $0x1, s0  }
0x4: {  	s17 =	simm.s32 $0x80;
	s0 =	stileid.u32;
	s7 =	smul.u32 $0x140000, s5  }
0x5: {  	s18 =	simm.s32 $0x1;
	[smem:$0x7FF] =	sst s3;
	s8 =	smul.u32 $0x14000, s0  }
0x6: {  	s1 =	sshll.u32 s5, $0x4;
	s9 =	smul.u32 $0x50000, s0;
	s29 =	ssub.s32 $0x2, s5  }
0x7: {  	s19 =	sshll.u32 s0, $0x6;
	s1 =	sor.u32 s0, s1;
	s31 =	sshrl.u32 s29, $0x1  }
0x8: {  	s19 =	sor.u32 $0x1C02, s19;
	s4 =	smul.u32 $0x500, s1;
	s1 =	rddreg [dreg:$0x2]  }
0x9: {  	_ =	strace $0x8000004D;
	s7 =	sadd.s32 s8, s7;
	s30 =	sshrl.u32 s9, $0x2  }
0xa: {  	s13 =	ssub.s32 s29, s31;
	s7 =	sshrl.u32 s7, $0x3;
	s5 =	sadd.s32 s30, s2  }
0xb: {  	s13 =	smax.u32 s13, $0x1;
	s11 =	sadd.s32 s4, s6;
	s4 =	sadd.s32 $0x1C400, s6  }
0xc: {  	s12 =	sadd.s32 s7, s6;
	s6 =	sadd.s32 $0x4000, s5;
	s7 =	sadd.s32 $0x8000, s5  }
0xd: {  	s8 =	sadd.s32 $0xC000, s5;
	s9 =	sadd.s32 $0x10000, s5;
	s20 =	sshrl.u32 s5, $0x3  }
0xe: {  	v0 =	vimm.f32 $0.0e+00;
	s10 =	sadd.s32 $0x12400, s11;
	s11 =	sadd.s32 $0x6600, s11;
	s12 =	sadd.s32 $0xB8C00, s12  }
.LBB2_1:
0xf: {  	s21 =	simm.s32 $0x0;
	s22 =	simm.s32 $0x200  }
.LBB2_2:
0x10: {  	p0 =	sne.s32 s22, $0xFE00;
	[tilespmem:s21+$0x5070] =	vst v0  }
0x11: {  	[tilespmem:s21+$0x5000] =	vst v0  }
0x12: {  	[tilespmem:s21+$0x5010] =	vst v0  }
.Ltmp0:
0x13: {  	[tilespmem:s21+$0x5020] =	vst v0;
	(pc) =	sbr.rel @p0 .LBB2_2-.Ltmp0, $4  }
0x14: {  	[tilespmem:s21+$0x5030] =	vst v0  }
0x15: {  	[tilespmem:s21+$0x5040] =	vst v0  }
0x16: {  	[tilespmem:s21+$0x5050] =	vst v0  }
0x17: {  	[tilespmem:s21+$0x5060] =	vst v0;
	s21 =	sshra.s32 s22, $0x2;
	s22 =	sadd.s32 $0x200, s22  }
0x18: {  	[tilespmem:s21+$0x5070] =	vst v0  }
0x19: {  	[tilespmem:s21+$0x5000] =	vst v0  }
0x1a: {  	[tilespmem:s21+$0x5010] =	vst v0  }
0x1b: {  	[tilespmem:s21+$0x5020] =	vst v0  }
0x1c: {  	[tilespmem:s21+$0x5030] =	vst v0  }
0x1d: {  	[tilespmem:s21+$0x5040] =	vst v0  }
0x1e: {  	[tilespmem:s21+$0x5050] =	vst v0  }
0x1f: {  	[tilespmem:s21+$0x5060] =	vst v0  }
0x20: {  	[spmem:s5] =	stream.linear.scatter [tilespmem:s14], [sflag:$0x2], $0x4000, $0x38;
	[tilespmem:$0x1D000] =	vst v63  }
0x21: {  	_ =	swait.ge [sflag:s15], $0x4000  }
0x22: {  	[sflag:s15] =	ssyncset.done $0x0  }
0x23: {  	[sflag:s15] =	ssyncadd.s32 $0xFFFFC000  }
0x24: {  	[spmem:s6] =	stream.linear.scatter [tilespmem:s14], [sflag:$0x2], $0x4000, $0x38;
	[tilespmem:$0x1D000] =	vst v63  }
0x25: {  	_ =	swait.ge [sflag:s15], $0x4000  }
0x26: {  	[sflag:s15] =	ssyncset.done $0x0  }
0x27: {  	[sflag:s15] =	ssyncadd.s32 $0xFFFFC000  }
0x28: {  	[spmem:s7] =	stream.linear.scatter [tilespmem:s14], [sflag:$0x2], $0x4000, $0x38;
	[tilespmem:$0x1D000] =	vst v63  }
0x29: {  	_ =	swait.ge [sflag:s15], $0x4000  }
0x2a: {  	[sflag:s15] =	ssyncset.done $0x0  }
0x2b: {  	[sflag:s15] =	ssyncadd.s32 $0xFFFFC000  }
0x2c: {  	[spmem:s8] =	stream.linear.scatter [tilespmem:s14], [sflag:$0x2], $0x4000, $0x38;
	[tilespmem:$0x1D000] =	vst v63  }
0x2d: {  	_ =	swait.ge [sflag:s15], $0x4000  }
0x2e: {  	[sflag:s15] =	ssyncset.done $0x0  }
0x2f: {  	[sflag:s15] =	ssyncadd.s32 $0xFFFFC000  }
0x30: {  	[spmem:s9] =	stream.linear.scatter [tilespmem:s14], [sflag:$0x2], $0x4000, $0x38;
	[tilespmem:$0x1D000] =	vst v63  }
0x31: {  	_ =	swait.ge [sflag:s15], $0x4000  }
0x32: {  	[sflag:s15] =	ssyncset.done $0x0  }
0x33: {  	[sflag:s15] =	ssyncadd.s32 $0xFFFFC000  }
0x34: {  	s29 =	simm.s32 $0x0;
	[bflag:$0x0] =	sbarrier.arrive $0xFFFF  }
0x35: {  	[tilespmem:s29], [sflag:$0x2] =	stream.linear.gather [hbm4b:s10+s29], $0x2800, $0x38;
	[tilespmem:$0x1D000] =	vst v63  }
0x36: {  	_ =	swait.ge [sflag:s15], $0x2800  }
0x37: {  	[sflag:s15] =	ssyncset.done $0x0  }
0x38: {  	[sflag:s15] =	ssyncadd.s32 $0xFFFFD800  }
0x39: {  	[tilespmem:s16], [sflag:$0x2] =	stream.linear.gather [hbm4b:s11+s29], $0x2800, $0x38;
	[tilespmem:$0x1D000] =	vst v63  }
0x3a: {  	_ =	swait.ge [sflag:s15], $0x2800  }
0x3b: {  	[sflag:s15] =	ssyncset.done $0x0  }
0x3c: {  	s30 =	simm.s32 $0x0;
	[sflag:s15] =	ssyncadd.s32 $0xFFFFD800  }
0x3d: {  	[tilespmem:s14], [sflag:$0x1] =	stream.indirect.gather [hbm4b:s4+s17], $0x80, s30, s17, $0xb8;
	[tilespmem:$0x1D000] =	vst v63  }
0x3e: {  	_ =	swait.ge [sflag:s18], $0x4000  }
0x3f: {  	[sflag:s18] =	ssyncset.done $0x0  }
0x40: {  	s31 =	simm.s32 $0x2800;
	[sflag:s18] =	ssyncadd.s32 $0xFFFFC000  }
0x41: {  	[spmem:s2] =	stream.indirect.scatter.add.f32 [tilespmem:s14], [sflag:$0x2], $0x80, s31, s17, $0xb8;
	[tilespmem:$0x1D000] =	vst v63  }
0x42: {  	_ =	swait.ge [sflag:s15], $0x4000  }
0x43: {  	s21 =	simm.s32 $0x200;
	s22 =	simm.s32 $0x400;
	[sflag:s15] =	ssyncset.done $0x0  }
.LBB2_4:
0x44: {  	s23 =	sshra.s32 s21, $0x2  }
0x45: {  	[sflag:s15] =	ssyncadd.s32 $0xFFFFC000;
	s21 =	smov.u32 s22;
	s24 =	sadd.s32 $0x200, s22  }
0x46: {  	[tilespmem:s14], [sflag:$0x1] =	stream.indirect.gather [hbm4b:s4+s17], $0x80, s23, s17, $0xb8;
	[tilespmem:$0x1D000] =	vst v63  }
0x47: {  	p0 =	sne.s32 s22, $0x9E00;
	_ =	swait.ge [sflag:s18], $0x4000  }
.Ltmp1:
0x48: {  	[sflag:s18] =	ssyncset.done $0x0;
	(pc) =	sbr.rel @p0 .LBB2_4-.Ltmp1, $4  }
0x49: {  	s22 =	sadd.s32 $0x2800, s23;
	[sflag:s18] =	ssyncadd.s32 $0xFFFFC000  }
0x4a: {  	[spmem:s2] =	stream.indirect.scatter.add.f32 [tilespmem:s14], [sflag:$0x2], $0x80, s22, s17, $0xb8;
	[tilespmem:$0x1D000] =	vst v63  }
0x4b: {  	_ =	swait.ge [sflag:s15], $0x4000  }
0x4c: {  	s22 =	smov.u32 s24;
	[sflag:s15] =	ssyncset.done $0x0  }
0x4d: {  	s21 =	sshra.s32 s21, $0x2;
	[sflag:s15] =	ssyncadd.s32 $0xFFFFC000  }
0x4e: {  	[tilespmem:s14], [sflag:$0x1] =	stream.indirect.gather [hbm4b:s4+s17], $0x80, s21, s17, $0xb8;
	[tilespmem:$0x1D000] =	vst v63  }
0x4f: {  	_ =	swait.ge [sflag:s18], $0x4000  }
0x50: {  	[sflag:s18] =	ssyncset.done $0x0  }
0x51: {  	s21 =	sadd.s32 $0x2800, s21;
	[sflag:s18] =	ssyncadd.s32 $0xFFFFC000  }
0x52: {  	[spmem:s2] =	stream.indirect.scatter.add.f32 [tilespmem:s14], [sflag:$0x2], $0x80, s21, s17, $0xb8;
	[tilespmem:$0x1D000] =	vst v63  }
0x53: {  	_ =	swait.ge [sflag:s15], $0x4000  }
0x54: {  	s3 =	sadd.s32 $0x1, s3;
	[sflag:s15] =	ssyncset.done $0x0  }
0x55: {  	p0 =	sne.s32 s3, s13;
	[sflag:s15] =	ssyncadd.s32 $0xFFFFC000  }
.Ltmp2:
0x56: {  	[bflag:$0x0] =	sbarrier.arrive $0xFFFF;
	(pc) =	sbr.rel @p0 .LBB2_1-.Ltmp2, $4  }
0x57: {  	[hbm:s12], [sflag:s19] =	dma.local [spmem:s20], $0x2800  }
0x58: {  	_ =	swait.ge [sflag:s15], $0x2800  }
0x59: {  	[sflag:s15] =	ssyncset.done $0x0  }
0x5a: {  	[sflag:s15] =	ssyncadd.s32 $0xFFFFD800  }
0x5b: {  	_ =	sfence.sel $0x180000  }
0x5c: {  	[bflag:$0x0] =	sbarrier.arrive $0xFFFF  }
0x5d: {  	p0 =	sne.s32 s0, $0x0;
	_ =	strace $0x9000004D  }
0x5e: {  	s0 =	sadd.s32 @!p0 $0x100000, s1;
	[bflag:$0x2] =	sbarrier.arrive $0xFFFF  }
0x5f: {  	[sflag:s0] =	ssyncadd.tile.s32 @!p0 $0x1;
	_ =	shalt  }
.Lfunc_end2:
_tile_overlayer_lowered:
.L_overlay_start_2:
0x60: {  	(tag) =	ssettag $0x2  }
0x61: {  	s0 =	rddreg [dreg:$0x0];
	s2 =	stileid.u32  }
0x62: {  	s1 =	rddreg [dreg:$0x1];
	p0 =	sne.s32 s2, $0x0  }
0x63: {  	s3 =	rddreg [dreg:$0x2];
	[bflag:$0x3] =	sbarrier.arrive $0xFFFF;
	s2 =	simm.s32 @!p0 $0x1C02  }
0x64: {  	[timem:s3], [sflag:s2] =	dma.local @!p0 [hbm:s0], s1  }
0x65: {  	s0 =	simm.s32 @!p0 $0x2  }
0x66: {  	_ =	swait.ge @!p0 [sflag:s0], s1  }
0x67: {  	s1 =	ssub.s32 @!p0 $0x0, s1;
	[sflag:s0] =	ssyncset.done @!p0 $0x0  }
0x68: {  	[sflag:s0] =	ssyncadd.s32 @!p0 s1  }
0x69: {  	[bflag:$0x3] =	sbarrier.arrive $0xFFFF  }
0x6a: {  	_ =	shalt  }

// kernel: kernel.21.cloned.1.call-start
scs
__scs_entry_jumppad:
0x0: {  	(pc) =	sbr.rel $0x88, $3  }
0x1: {  	(tag) =	ssettag $0x0;
	lr =	simm.s32 $0x1  }
0x2: {  	[smem:$0x3F99] =	sst lr;
	_ =	strace $0xD0000000  }
0x3: {  	_ = 	snop  }
0x4: {  	_ = 	snop  }
0x5: {  	_ = 	snop  }
0x6: {  	_ = 	snop  }
0x7: {  	_ = 	snop  }
__scs_overlays_trampoline_lowered:
0x8: {  	[smem:$0x3FA8] =	sst s0  }
0x9: {  	[smem:$0x3FA9] =	sst s1  }
0xa: {  	[smem:$0x3FAA] =	sst s2  }
0xb: {  	[smem:$0x3FAB] =	sst s3  }
0xc: {  	[smem:$0x3FAC] =	sst s4  }
0xd: {  	[smem:$0x3FAD] =	sst s5  }
0xe: {  	[smem:$0x3FAE] =	sst s6  }
0xf: {  	[smem:$0x3FAF] =	sst s7  }
0x10: {  	[smem:$0x3FB0] =	sst s8  }
0x11: {  	[smem:$0x3FB1] =	sst s9;
	s0 =	simm.s32 @!p0 $0x0  }
0x12: {  	s1 =	sld [smem:$0x3F97];
	s0 =	simm.s32 @p0 $0x1  }
0x13: {  	[smem:$0x3FB2] =	sst s0;
	s0 =	simm.s32 @!p1 $0x0  }
0x14: {  	s2 =	sld [smem:$0x3F96];
	s0 =	simm.s32 @p1 $0x1  }
0x15: {  	[smem:$0x3FB3] =	sst s0;
	s0 =	simm.s32 @!p2 $0x0  }
0x16: {  	s3 =	sld [smem:$0x3FDB];
	s0 =	simm.s32 @p2 $0x1  }
0x17: {  	s4 =	simm.s32 $0x1BF5;
	[smem:$0x3FB5] =	sst s0  }
0x18: {  	s0 =	sld [smem:$0x3F98];
	_ =	swait.ge [sflag:s4], $0x0  }
0x19: {  	s7 =	sld [smem:$0x3F99]  }
0x1a: {  	s8 =	sadd.s32 $0xFFFFE003, lr  }
0x1b: {  	s9 =	sadd.s32 $0xFFFFFEF7, lr;
	s5 =	simm.s32 $0xFFFFFFFF;
	p2 =	slt.u32 s8, $0xFFFFF086  }
0x1c: {  	p1 =	slt.u32 s9, $0xF7A;
	s5 =	simm.s32 @!p2 $0x0  }
0x1d: {  	s5 =	simm.s32 @p1 $0x1;
	p0 =	seq.s32 s7, s2  }
0x1e: {  	s7 =	smul.u32 @!p0 $0xF7A, s2;
	p2 =	seq.s32 @!p0 s5, $0x0  }
0x1f: {  	s9 =	smul.u32 $0xF7A, s1;
	s8 =	simm.s32 @!p0 $0x1BF5;
	p2 =	por !p2, p0  }
0x20: {  	[sflag:s8] =	ssyncset.s32 @!p0 $0xFFFFF086;
	s6 =	sadd.s32 @!p0 s3, s7;
	s7 =	simm.s32 @!p0 $0x108  }
0x21: {  	s3 =	sadd.s32 s3, s9;
	s6 =	sadd.s32 @!p0 $0x88, s6;
	s7 =	simm.s32 @p2 $0x1082  }
0x22: {  	[simem:s7], [sflag:s8] =	dma.local @!p0 [hbm:s6], $0xF7A  }
0x23: {  	s9 =	sor.u32 $0xD0000000, s2;
	s6 =	simm.s32 $0x108;
	_ =	swait.ge @!p0 [sflag:s8], $0x0  }
0x24: {  	s3 =	sadd.s32 $0x88, s3;
	s6 =	simm.s32 @!p1 $0x1082;
	[sflag:s4] =	ssyncset.s32 $0xFFFFF086  }
0x25: {  	[simem:s6], [sflag:s4] =	dma.local [hbm:s3], $0xF7A  }
0x26: {  	[smem:$0x3F99] =	sst s1;
	(tag) =	ssettag s2;
	_ =	strace s9  }
0x27: {  	s1 =	sld [smem:$0x3FA9]  }
0x28: {  	s2 =	sld [smem:$0x3FAA]  }
0x29: {  	s4 =	sld [smem:$0x3FAC]  }
0x2a: {  	p0 =	seq.s32 s5, $0x0;
	s5 =	sld [smem:$0x3FAD]  }
0x2b: {  	s6 =	sld [smem:$0x3FAE]  }
0x2c: {  	s7 =	sld [smem:$0x3FAF]  }
0x2d: {  	s3 =	simm.s32 $0x108;
	s8 =	sld [smem:$0x3FB0]  }
0x2e: {  	s3 =	simm.s32 @!p0 $0x1082;
	s9 =	sld [smem:$0x3FB1]  }
0x2f: {  	lr =	sadd.s32 s0, s3;
	s0 =	sld [smem:$0x3FA8]  }
0x30: {  	s3 =	sld [smem:$0x3FAB]  }
0x31: {  	[smem:$0x3FB4] =	sst s10  }
0x32: {  	s10 =	sld [smem:$0x3FB2];
	_ =	sdelay $0x3  }
0x33: {  	p0 =	seq.s32 s10, $0x1;
	s10 =	sld [smem:$0x3FB4];
	_ =	sdelay $0x3  }
0x34: {  	[smem:$0x3FB4] =	sst s10  }
0x35: {  	s10 =	sld [smem:$0x3FB3];
	_ =	sdelay $0x3  }
0x36: {  	p1 =	seq.s32 s10, $0x1;
	s10 =	sld [smem:$0x3FB4];
	_ =	sdelay $0x3  }
0x37: {  	[smem:$0x3FB4] =	sst s10  }
0x38: {  	s10 =	sld [smem:$0x3FB5]  }
0x39: {  	_ = 	snop;
	(pc) =	sbr.ind lr, $3  }
0x3a: {  	_ = 	snop  }
0x3b: {  	_ = 	snop  }
0x3c: {  	p2 =	seq.s32 s10, $0x1;
	s10 =	sld [smem:$0x3FB4]  }
0x3d: {  	_ =	shalt  }
0x3e: {  	_ =	shalt  }
0x3f: {  	_ =	shalt  }
0x40: {  	_ =	shalt  }
0x41: {  	_ =	shalt  }
0x42: {  	_ =	shalt  }
0x43: {  	_ =	shalt  }
0x44: {  	_ =	shalt  }
0x45: {  	_ =	shalt  }
0x46: {  	_ =	shalt  }
0x47: {  	_ =	shalt  }
0x48: {  	_ =	shalt  }
0x49: {  	_ =	shalt  }
0x4a: {  	_ =	shalt  }
0x4b: {  	_ =	shalt  }
0x4c: {  	_ =	shalt  }
0x4d: {  	_ =	shalt  }
0x4e: {  	_ =	shalt  }
0x4f: {  	_ =	shalt  }
0x50: {  	_ =	shalt  }
0x51: {  	_ =	shalt  }
0x52: {  	_ =	shalt  }
0x53: {  	_ =	shalt  }
0x54: {  	_ =	shalt  }
0x55: {  	_ =	shalt  }
0x56: {  	_ =	shalt  }
0x57: {  	_ =	shalt  }
0x58: {  	_ =	shalt  }
0x59: {  	_ =	shalt  }
0x5a: {  	_ =	shalt  }
0x5b: {  	_ =	shalt  }
0x5c: {  	_ =	shalt  }
0x5d: {  	_ =	shalt  }
0x5e: {  	_ =	shalt  }
0x5f: {  	_ =	shalt  }
0x60: {  	_ =	shalt  }
0x61: {  	_ =	shalt  }
0x62: {  	_ =	shalt  }
0x63: {  	_ =	shalt  }
0x64: {  	_ =	shalt  }
0x65: {  	_ =	shalt  }
0x66: {  	_ =	shalt  }
0x67: {  	_ =	shalt  }
0x68: {  	_ =	shalt  }
0x69: {  	_ =	shalt  }
0x6a: {  	_ =	shalt  }
0x6b: {  	_ =	shalt  }
0x6c: {  	_ =	shalt  }
0x6d: {  	_ =	shalt  }
0x6e: {  	_ =	shalt  }
0x6f: {  	_ =	shalt  }
0x70: {  	_ =	shalt  }
0x71: {  	_ =	shalt  }
0x72: {  	_ =	shalt  }
0x73: {  	_ =	shalt  }
0x74: {  	_ =	shalt  }
0x75: {  	_ =	shalt  }
0x76: {  	_ =	shalt  }
0x77: {  	_ =	shalt  }
0x78: {  	_ =	shalt  }
0x79: {  	_ =	shalt  }
0x7a: {  	_ =	shalt  }
0x7b: {  	_ =	shalt  }
0x7c: {  	_ =	shalt  }
0x7d: {  	_ =	shalt  }
0x7e: {  	_ =	shalt  }
0x7f: {  	_ =	shalt  }
0x80: {  	_ =	shalt  }
0x81: {  	_ =	shalt  }
0x82: {  	_ =	shalt  }
0x83: {  	_ =	shalt  }
0x84: {  	_ =	shalt  }
0x85: {  	_ =	shalt  }
0x86: {  	_ =	shalt  }
0x87: {  	_ =	shalt  }
.Lfunc_end0:
.L_simem_size_0:
called_computation.3_lowered:
.L_overlay_start_0:
0x88: {  	s2 =	sld [smem:$0x3FD9]  }
0x89: {  	s3 =	sld [smem:$0x3FFE];
	_ =	sdelay $0x1  }
0x8a: {  	s1 =	srdreg.scid  }
0x8b: {  	s0 =	sand.u32 $0x1, s1  }
0x8c: {  	s17 =	sshll.u32 s0, $0xA;
	s2 =	sadd.s32 s3, s2  }
0x8d: {  	s2 =	sadd.s32 s2, s17  }
0x8e: {  	[smem:$0x3FC0] =	sst s2  }
0x8f: {  	_ = 	snop  }
0x90: {  	s2 =	sld [smem:$0x3FD0];
	(tm) =	ssettm $0x1  }
0x91: {  	s18 =	sld [smem:$0x3FFB];
	_ =	sdelay $0x3  }
0x92: {  	_ =	strace s18  }
0x93: {  	s3 =	sld [smem:$0x3FFC];
	_ =	sdelay $0x3  }
0x94: {  	_ =	strace s3  }
0x95: {  	s3 =	sld [smem:$0x3FFD];
	_ =	sdelay $0x3  }
0x96: {  	_ =	strace s3  }
0x97: {  	_ =	strace $0x8FFFFFFF  }
0x98: {  	s19 =	sld [smem:$0x3FDB];
	_ =	sdelay $0x1  }
0x99: {  	s4 =	simm.s32 $_scs_section_size  }
0x9a: {  	s5 =	simm.s32 $_size__tile_overlayer_lowered;
	s6 =	simm.s32 $_tile_overlayer_lowered  }
0x9b: {  	s22 =	simm.s32 $0x1BFF;
	s21 =	sshll.u32 s6, $0x1;
	s3 =	sadd.s32 s4, s19  }
0x9c: {  	s7 =	simm.s32 $0x0;
	s20 =	sshll.u32 s5, $0x1;
	s5 =	sadd.s32 s21, s3  }
0x9d: {  	[timem:s7], [sflag:s22] =	dma.local [hbm:s5], s20  }
0x9e: {  	_ =	swait.ge [sflag:s22], s20  }
0x9f: {  	s4 =	ssub.s32 $0x0, s20;
	[sflag:s22] =	ssyncset.done $0x0  }
0xa0: {  	[sflag:s22] =	ssyncadd.s32 s4;
	_ =	sdelay $0x1  }
0xa1: {  	s23 =	simm.s32 $0x1B8B  }
0xa2: {  	_ =	swait.ge [sflag:s23], $0x1  }
0xa3: {  	[sflag:s23] =	ssyncset.done $0x0  }
0xa4: {  	s25 =	simm.s32 $0x1B8E;
	s24 =	sld [smem:$0x3FFE];
	[sflag:s23] =	ssyncadd.s32 $0xFFFFFFFF  }
0xa5: {  	s26 =	simm.s32 $execute0_lowered;
	[smem:$0x3FD2] =	sst s25  }
0xa6: {  	s5 =	sshll.u32 s26, $0x1;
	_ =	strace $0x8000004F;
	[dreg:$0x1] =	wrdreg $0xFFFFFFFF  }
0xa7: {  	s28 =	simm.s32 $_size_execute0_lowered;
	s3 =	sadd.s32 s3, s5;
	[dreg:$0x0] =	wrdreg $0x0  }
0xa8: {  	s5 =	sshll.u32 s28, $0x1;
	[dreg:$0x2] =	wrdreg s3  }
0xa9: {  	[dreg:$0x3] =	wrdreg s5  }
0xaa: {  	[dreg:$0x4] =	wrdreg $0xC0  }
0xab: {  	_ =	task [dreg:s7], $0x5FFFF  }
0xac: {  	[dreg:$0x1] =	wrdreg $0xFFFFFFFF  }
0xad: {  	[dreg:$0x0] =	wrdreg $0x60  }
0xae: {  	[dreg:$0x2] =	wrdreg s24  }
0xaf: {  	[dreg:$0x3] =	wrdreg s2  }
0xb0: {  	[dreg:$0x4] =	wrdreg $0x90000  }
0xb1: {  	[dreg:$0x5] =	wrdreg $0x9  }
0xb2: {  	_ =	task.clear_ibuf [dreg:s7], $0x6FFFF;
	_ =	strace $0x9000004F  }
0xb3: {  	s29 =	simm.s32 $0x9;
	_ =	strace $0x80000051  }
0xb4: {  	_ =	swait.ge [sflag:s29], $0x1  }
0xb5: {  	[sflag:s29] =	ssyncadd.s32 $0xFFFFFFFF  }
0xb6: {  	_ =	strace $0x90000051  }
0xb7: {  	_ =	sfence  }
0xb8: {  	s30 =	sld [smem:$0x0];
	_ =	sdelay $0x2  }
0xb9: {  	s31 =	sshll.u32 s1, $0xD;
	s1 =	sshrl.u32 s1, $0x2  }
0xba: {  	s3 =	sand.u32 $0x4000, s31;
	s1 =	sadd.s32 s1, s30  }
0xbb: {  	s0 =	sor.u32 s3, s0;
	s1 =	sshll.u32 s1, $0x11  }
0xbc: {  	s0 =	sor.u32 s1, s0  }
0xbd: {  	s0 =	sadd.s32 $0x8F2B, s0  }
0xbe: {  	[sflag:s0] =	ssyncadd.remote.s32 $0x1  }
0xbf: {  	_ =	sfence.sel $0xFFFF  }
0xc0: {  	[dreg:$0x0] =	wrdreg $0xFFFFFFFF;
	(pc) =	sbr.abs _section_cstart, $3  }
0xc1: {  	[dreg:$0x1] =	wrdreg $0xFFFFFFFF  }
0xc2: {  	_ =	task.clear_ibuf [dreg:s7], $0x2FFFF;
	_ =	strace $0x9FFFFFFF  }
0xc3: {  	(tm) =	ssettm $0x7FFFFFFF  }
tec
execute0_lowered:
.L_overlay_start_1:
0x0: {  	(tag) =	ssettag $0x1  }
0x1: {  	s6 =	rddreg [dreg:$0x0]  }
0x2: {  	s2 =	rddreg [dreg:$0x1]  }
0x3: {  	s0 =	srdreg.scid;
	s3 =	rddreg [dreg:$0x2];
	s4 =	simm.s32 $0x0  }
0x4: {  	s14 =	simm.s32 $0x5000;
	s15 =	simm.s32 $0x2;
	s5 =	sand.u32 $0x1, s0  }
0x5: {  	s16 =	simm.s32 $0x2800;
	s0 =	stileid.u32;
	s8 =	smul.u32 $0x140000, s5  }
0x6: {  	s17 =	simm.s32 $0x80;
	s18 =	simm.s32 $0x1;
	s9 =	smul.u32 $0x14000, s0  }
0x7: {  	[smem:$0x7FF] =	sst s4;
	s1 =	sshll.u32 s5, $0x4;
	s10 =	smul.u32 $0x50000, s0  }
0x8: {  	s29 =	ssub.s32 $0x2, s5;
	s19 =	sshll.u32 s0, $0x6;
	s1 =	sor.u32 s0, s1  }
0x9: {  	s31 =	sshrl.u32 s29, $0x1;
	s19 =	sor.u32 $0x1C02, s19;
	s7 =	smul.u32 $0x500, s1  }
0xa: {  	s1 =	rddreg [dreg:$0x3];
	_ =	strace $0x80000050;
	s30 =	sshrl.u32 s10, $0x2  }
0xb: {  	s28 =	sadd.s32 s9, s8;
	s13 =	ssub.s32 s29, s31;
	s5 =	sadd.s32 s30, s3  }
0xc: {  	s13 =	smax.u32 s13, $0x1;
	s11 =	sadd.s32 s7, s6;
	s7 =	sshrl.u32 s28, $0x3  }
0xd: {  	s8 =	sadd.s32 $0xC000, s5;
	s9 =	sadd.s32 $0x10000, s5;
	s20 =	sshrl.u32 s5, $0x3  }
0xe: {  	s12 =	sadd.s32 s7, s6;
	s6 =	sadd.s32 $0x4000, s5;
	s7 =	sadd.s32 $0x8000, s5  }
0xf: {  	v0 =	vimm.f32 $0.0e+00;
	s10 =	sadd.s32 $0x12400, s11;
	s11 =	sadd.s32 $0x6600, s11;
	s12 =	sadd.s32 $0x1C400, s12  }
.LBB2_1:
0x10: {  	s21 =	simm.s32 $0x0;
	s22 =	simm.s32 $0x200  }
.LBB2_2:
0x11: {  	p0 =	sne.s32 s22, $0xFE00;
	[tilespmem:s21+$0x5070] =	vst v0  }
0x12: {  	[tilespmem:s21+$0x5000] =	vst v0  }
0x13: {  	[tilespmem:s21+$0x5010] =	vst v0  }
.Ltmp0:
0x14: {  	[tilespmem:s21+$0x5020] =	vst v0;
	(pc) =	sbr.rel @p0 .LBB2_2-.Ltmp0, $4  }
0x15: {  	[tilespmem:s21+$0x5030] =	vst v0  }
0x16: {  	[tilespmem:s21+$0x5040] =	vst v0  }
0x17: {  	[tilespmem:s21+$0x5050] =	vst v0  }
0x18: {  	[tilespmem:s21+$0x5060] =	vst v0;
	s21 =	sshra.s32 s22, $0x2;
	s22 =	sadd.s32 $0x200, s22  }
0x19: {  	[tilespmem:s21+$0x5070] =	vst v0  }
0x1a: {  	[tilespmem:s21+$0x5000] =	vst v0  }
0x1b: {  	[tilespmem:s21+$0x5010] =	vst v0  }
0x1c: {  	[tilespmem:s21+$0x5020] =	vst v0  }
0x1d: {  	[tilespmem:s21+$0x5030] =	vst v0  }
0x1e: {  	[tilespmem:s21+$0x5040] =	vst v0  }
0x1f: {  	[tilespmem:s21+$0x5050] =	vst v0  }
0x20: {  	[tilespmem:s21+$0x5060] =	vst v0  }
0x21: {  	[spmem:s5] =	stream.linear.scatter [tilespmem:s14], [sflag:$0x2], $0x4000, $0x38;
	[tilespmem:$0x1D000] =	vst v63  }
0x22: {  	_ =	swait.ge [sflag:s15], $0x4000  }
0x23: {  	[sflag:s15] =	ssyncset.done $0x0  }
0x24: {  	[sflag:s15] =	ssyncadd.s32 $0xFFFFC000  }
0x25: {  	[spmem:s6] =	stream.linear.scatter [tilespmem:s14], [sflag:$0x2], $0x4000, $0x38;
	[tilespmem:$0x1D000] =	vst v63  }
0x26: {  	_ =	swait.ge [sflag:s15], $0x4000  }
0x27: {  	[sflag:s15] =	ssyncset.done $0x0  }
0x28: {  	[sflag:s15] =	ssyncadd.s32 $0xFFFFC000  }
0x29: {  	[spmem:s7] =	stream.linear.scatter [tilespmem:s14], [sflag:$0x2], $0x4000, $0x38;
	[tilespmem:$0x1D000] =	vst v63  }
0x2a: {  	_ =	swait.ge [sflag:s15], $0x4000  }
0x2b: {  	[sflag:s15] =	ssyncset.done $0x0  }
0x2c: {  	[sflag:s15] =	ssyncadd.s32 $0xFFFFC000  }
0x2d: {  	[spmem:s8] =	stream.linear.scatter [tilespmem:s14], [sflag:$0x2], $0x4000, $0x38;
	[tilespmem:$0x1D000] =	vst v63  }
0x2e: {  	_ =	swait.ge [sflag:s15], $0x4000  }
0x2f: {  	[sflag:s15] =	ssyncset.done $0x0  }
0x30: {  	[sflag:s15] =	ssyncadd.s32 $0xFFFFC000  }
0x31: {  	[spmem:s9] =	stream.linear.scatter [tilespmem:s14], [sflag:$0x2], $0x4000, $0x38;
	[tilespmem:$0x1D000] =	vst v63  }
0x32: {  	_ =	swait.ge [sflag:s15], $0x4000  }
0x33: {  	[sflag:s15] =	ssyncset.done $0x0  }
0x34: {  	[sflag:s15] =	ssyncadd.s32 $0xFFFFC000  }
0x35: {  	s29 =	simm.s32 $0x0;
	[bflag:$0x0] =	sbarrier.arrive $0xFFFF  }
0x36: {  	[tilespmem:s29], [sflag:$0x2] =	stream.linear.gather [hbm4b:s10+s29], $0x2800, $0x38;
	[tilespmem:$0x1D000] =	vst v63  }
0x37: {  	_ =	swait.ge [sflag:s15], $0x2800  }
0x38: {  	[sflag:s15] =	ssyncset.done $0x0  }
0x39: {  	[sflag:s15] =	ssyncadd.s32 $0xFFFFD800  }
0x3a: {  	[tilespmem:s16], [sflag:$0x2] =	stream.linear.gather [hbm4b:s11+s29], $0x2800, $0x38;
	[tilespmem:$0x1D000] =	vst v63  }
0x3b: {  	_ =	swait.ge [sflag:s15], $0x2800  }
0x3c: {  	[sflag:s15] =	ssyncset.done $0x0  }
0x3d: {  	s30 =	simm.s32 $0x0;
	[sflag:s15] =	ssyncadd.s32 $0xFFFFD800  }
0x3e: {  	[tilespmem:s14], [sflag:$0x1] =	stream.indirect.gather [hbm4b:s2+s17], $0x80, s30, s17, $0xb8;
	[tilespmem:$0x1D000] =	vst v63  }
0x3f: {  	_ =	swait.ge [sflag:s18], $0x4000  }
0x40: {  	[sflag:s18] =	ssyncset.done $0x0  }
0x41: {  	s31 =	simm.s32 $0x2800;
	[sflag:s18] =	ssyncadd.s32 $0xFFFFC000  }
0x42: {  	[spmem:s3] =	stream.indirect.scatter.add.f32 [tilespmem:s14], [sflag:$0x2], $0x80, s31, s17, $0xb8;
	[tilespmem:$0x1D000] =	vst v63  }
0x43: {  	_ =	swait.ge [sflag:s15], $0x4000  }
0x44: {  	s21 =	simm.s32 $0x200;
	s22 =	simm.s32 $0x400;
	[sflag:s15] =	ssyncset.done $0x0  }
.LBB2_4:
0x45: {  	s23 =	sshra.s32 s21, $0x2  }
0x46: {  	[sflag:s15] =	ssyncadd.s32 $0xFFFFC000;
	s21 =	smov.u32 s22;
	s24 =	sadd.s32 $0x200, s22  }
0x47: {  	[tilespmem:s14], [sflag:$0x1] =	stream.indirect.gather [hbm4b:s2+s17], $0x80, s23, s17, $0xb8;
	[tilespmem:$0x1D000] =	vst v63  }
0x48: {  	p0 =	sne.s32 s22, $0x9E00;
	_ =	swait.ge [sflag:s18], $0x4000  }
.Ltmp1:
0x49: {  	[sflag:s18] =	ssyncset.done $0x0;
	(pc) =	sbr.rel @p0 .LBB2_4-.Ltmp1, $4  }
0x4a: {  	s22 =	sadd.s32 $0x2800, s23;
	[sflag:s18] =	ssyncadd.s32 $0xFFFFC000  }
0x4b: {  	[spmem:s3] =	stream.indirect.scatter.add.f32 [tilespmem:s14], [sflag:$0x2], $0x80, s22, s17, $0xb8;
	[tilespmem:$0x1D000] =	vst v63  }
0x4c: {  	_ =	swait.ge [sflag:s15], $0x4000  }
0x4d: {  	s22 =	smov.u32 s24;
	[sflag:s15] =	ssyncset.done $0x0  }
0x4e: {  	s21 =	sshra.s32 s21, $0x2;
	[sflag:s15] =	ssyncadd.s32 $0xFFFFC000  }
0x4f: {  	[tilespmem:s14], [sflag:$0x1] =	stream.indirect.gather [hbm4b:s2+s17], $0x80, s21, s17, $0xb8;
	[tilespmem:$0x1D000] =	vst v63  }
0x50: {  	_ =	swait.ge [sflag:s18], $0x4000  }
0x51: {  	[sflag:s18] =	ssyncset.done $0x0  }
0x52: {  	s21 =	sadd.s32 $0x2800, s21;
	[sflag:s18] =	ssyncadd.s32 $0xFFFFC000  }
0x53: {  	[spmem:s3] =	stream.indirect.scatter.add.f32 [tilespmem:s14], [sflag:$0x2], $0x80, s21, s17, $0xb8;
	[tilespmem:$0x1D000] =	vst v63  }
0x54: {  	_ =	swait.ge [sflag:s15], $0x4000  }
0x55: {  	s4 =	sadd.s32 $0x1, s4;
	[sflag:s15] =	ssyncset.done $0x0  }
0x56: {  	p0 =	sne.s32 s4, s13;
	[sflag:s15] =	ssyncadd.s32 $0xFFFFC000  }
.Ltmp2:
0x57: {  	[bflag:$0x0] =	sbarrier.arrive $0xFFFF;
	(pc) =	sbr.rel @p0 .LBB2_1-.Ltmp2, $4  }
0x58: {  	[hbm:s12], [sflag:s19] =	dma.local [spmem:s20], $0x2800  }
0x59: {  	_ =	swait.ge [sflag:s15], $0x2800  }
0x5a: {  	[sflag:s15] =	ssyncset.done $0x0  }
0x5b: {  	[sflag:s15] =	ssyncadd.s32 $0xFFFFD800  }
0x5c: {  	_ =	sfence.sel $0x180000  }
0x5d: {  	[bflag:$0x0] =	sbarrier.arrive $0xFFFF  }
0x5e: {  	p0 =	sne.s32 s0, $0x0;
	_ =	strace $0x90000050  }
0x5f: {  	s0 =	sadd.s32 @!p0 $0x100000, s1;
	[bflag:$0x2] =	sbarrier.arrive $0xFFFF  }
0x60: {  	[sflag:s0] =	ssyncadd.tile.s32 @!p0 $0x1;
	_ =	shalt  }
.Lfunc_end2:
_tile_overlayer_lowered:
.L_overlay_start_2:
0x61: {  	(tag) =	ssettag $0x2  }
0x62: {  	s0 =	rddreg [dreg:$0x0];
	s2 =	stileid.u32  }
0x63: {  	s1 =	rddreg [dreg:$0x1];
	p0 =	sne.s32 s2, $0x0  }
0x64: {  	s3 =	rddreg [dreg:$0x2];
	[bflag:$0x3] =	sbarrier.arrive $0xFFFF;
	s2 =	simm.s32 @!p0 $0x1C02  }
0x65: {  	[timem:s3], [sflag:s2] =	dma.local @!p0 [hbm:s0], s1  }
0x66: {  	s0 =	simm.s32 @!p0 $0x2  }
0x67: {  	_ =	swait.ge @!p0 [sflag:s0], s1  }
0x68: {  	s1 =	ssub.s32 @!p0 $0x0, s1;
	[sflag:s0] =	ssyncset.done @!p0 $0x0  }
0x69: {  	[sflag:s0] =	ssyncadd.s32 @!p0 s1  }
0x6a: {  	[bflag:$0x3] =	sbarrier.arrive $0xFFFF  }
0x6b: {  	_ =	shalt  }

</sc_bundles>
